<compile_context>
chip_gen: v7x
topology: tpu7x:2x2x1
jax: 0.10.2.dev20260603
libtpu: 0.0.44.dev20260713+nightly
codegen_flags: <defaults>
</compile_context>

<pallas_src>
import dataclasses
import functools

import jax
import jax.numpy as jnp
from jax import lax
from jax.experimental import pallas as pl
from jax.experimental.pallas import tpu as pltpu
from jax.experimental.pallas import tpu_sc as plsc

_P = 3
_Q = 3
_G = 256
_M = 64
_B = 32
_L = 16
_CHUNK = 16

_KSC = 8
_KTC = _B - _KSC
_WPB = 32 // _KSC
_ROWS_W = _G // _WPB
_NCHUNK_W = _ROWS_W // _CHUNK


def _splat(val, dtype=jnp.int32):
    return jnp.full((_L,), val, dtype)


def _sc_body(ctrl_hbm, nu_hbm, nv_hbm, uspan_hbm, vspan_hbm, out_hbm,
             ctrl_v, nu_v, nv_v, uspan_v, vspan_v, tmp_v, ox_v, oy_v, oz_v,
             sem):
    c = lax.axis_index("c")
    s = lax.axis_index("s")
    w = s * 2 + c
    b = w // _WPB
    i0 = (w % _WPB) * _ROWS_W

    pltpu.sync_copy(ctrl_hbm.at[b], ctrl_v)
    pltpu.sync_copy(nu_hbm, nu_v)
    pltpu.sync_copy(nv_hbm, nv_v)
    pltpu.sync_copy(uspan_hbm, uspan_v)
    pltpu.sync_copy(vspan_hbm, vspan_v)

    lane = jax.lax.iota(jnp.int32, _L)
    lane4 = lane * 4
    obufs = (ox_v, oy_v, oz_v)

    def _drain_plane():
        pltpu.make_async_copy(
            ox_v.at[pl.ds(0, _CHUNK)],
            out_hbm.at[b, 0, pl.ds(0, _CHUNK)], sem).wait()

    @pl.loop(0, _NCHUNK_W)
    def _chunk(ic):
        @pl.when(ic >= 2)
        def _():
            _drain_plane()
            _drain_plane()
            _drain_plane()

        @plsc.parallel_loop(0, _CHUNK, unroll=4)
        def _rowa(ii):
            i = i0 + ic * _CHUNK + ii
            i_spl = _splat(0) + i
            u0 = plsc.load_gather(uspan_v, [i_spl]) - _P
            i4_spl = _splat(0) + i * 4
            nur = [plsc.load_gather(nu_v, [i4_spl + r])
                   for r in range(_P + 1)]
            for ng in range(_M // _L):
                for d in range(4):
                    col = lane4 + (ng * 64 + d)
                    acc = nur[0] * plsc.load_gather(ctrl_v, [u0, col])
                    for r in range(1, _P + 1):
                        acc = acc + nur[r] * plsc.load_gather(
                            ctrl_v, [u0 + r, col])
                    tdx = lane + (d * 1024 + ii * 64 + ng * _L)
                    plsc.store_scatter(tmp_v, [tdx], acc)

        @pl.loop(0, _G // _L)
        def _grp(g):
            jdx = lane + g * _L
            vs = plsc.load_gather(vspan_v, [jdx]) - _Q
            j4 = jdx * 4
            idx_s = [vs + s_ for s_ in range(_Q + 1)]
            nvs = [plsc.load_gather(nv_v, [j4 + s_])
                   for s_ in range(_Q + 1)]

            @plsc.parallel_loop(0, _CHUNK, unroll=16)
            def _rowb(ii):
                row = ii * 64
                accs = []
                for d in range(4):
                    base = d * 1024 + row
                    acc = nvs[0] * plsc.load_gather(tmp_v, [idx_s[0] + base])
                    for s_ in range(1, _Q + 1):
                        acc = acc + nvs[s_] * plsc.load_gather(
                            tmp_v, [idx_s[s_] + base])
                    accs.append(acc)
                rw = 1.0 / accs[3]
                row_spl = _splat(0) + (ii + (ic % 2) * _CHUNK)
                col = lane + g * _L
                for d in range(3):
                    plsc.store_scatter(obufs[d], [row_spl, col],
                                       accs[d] * rw)

        for d in range(3):
            pltpu.async_copy(
                obufs[d].at[pl.ds((ic % 2) * _CHUNK, _CHUNK)],
                out_hbm.at[b, d, pl.ds(i0 + ic * _CHUNK, _CHUNK)], sem)

    for _ in range(6):
        _drain_plane()


def _tc_body(uspan_ref, vspan_ref, nu_ref, nvt_ref, ctrl_ref, out_ref,
             bu_ref, bvt_ref):
    t = pl.program_id(0)

    @pl.when(t == 0)
    def _():
        col = jax.lax.broadcasted_iota(jnp.int32, (_G, _M), 1)
        us = uspan_ref[...]
        bu = jnp.zeros((_G, _M), jnp.float32)
        for r in range(_P + 1):
            bu = bu + jnp.where(col == us - _P + r, nu_ref[:, r:r + 1], 0.0)
        bu_ref[...] = bu
        row = jax.lax.broadcasted_iota(jnp.int32, (_M, _G), 0)
        vs = vspan_ref[...]
        bvt = jnp.zeros((_M, _G), jnp.float32)
        for s in range(_Q + 1):
            bvt = bvt + jnp.where(row == vs - _Q + s, nvt_ref[s:s + 1, :], 0.0)
        bvt_ref[...] = bvt

    bu = bu_ref[...]
    bvt = bvt_ref[...]
    planes = []
    for d in range(4):
        a_d = jnp.dot(bu, ctrl_ref[0, d], preferred_element_type=jnp.float32)
        planes.append(jnp.dot(a_d, bvt, preferred_element_type=jnp.float32))
    rw = 1.0 / planes[3]
    for d in range(3):
        out_ref[0, d] = planes[d] * rw


def _tc_eval(ctrl_tc, Nu_uv, Nv_uv, uspan_uv, vspan_uv):
    ctrl_t = ctrl_tc.transpose(0, 3, 1, 2)
    uspan2 = uspan_uv.reshape(_G, 1)
    vspan2 = vspan_uv.reshape(1, _G)
    nvt = Nv_uv.T
    return pl.pallas_call(
        _tc_body,
        grid=(_KTC,),
        in_specs=[
            pl.BlockSpec((_G, 1), lambda t: (0, 0)),
            pl.BlockSpec((1, _G), lambda t: (0, 0)),
            pl.BlockSpec((_G, 4), lambda t: (0, 0)),
            pl.BlockSpec((4, _G), lambda t: (0, 0)),
            pl.BlockSpec((1, 4, _M, _M), lambda t: (t, 0, 0, 0)),
        ],
        out_specs=pl.BlockSpec((1, 3, _G, _G), lambda t: (t, 0, 0, 0)),
        out_shape=jax.ShapeDtypeStruct((_KTC, 3, _G, _G), jnp.float32),
        scratch_shapes=[
            pltpu.VMEM((_G, _M), jnp.float32),
            pltpu.VMEM((_M, _G), jnp.float32),
        ],
    )(uspan2, vspan2, Nu_uv, nvt, ctrl_t)


def kernel(ctrl_pts, Nu_uv, Nv_uv, uspan_uv, vspan_uv):
    mesh = plsc.VectorSubcoreMesh(core_axis_name="c", subcore_axis_name="s")
    cp = pltpu.CompilerParams()
    if "needs_layout_passes" in pltpu.CompilerParams.__dataclass_fields__:
        cp = dataclasses.replace(cp, needs_layout_passes=False)

    @functools.partial(
        pl.kernel,
        mesh=mesh,
        compiler_params=cp,
        out_type=jax.ShapeDtypeStruct((_KSC, 3, _G, _G), jnp.float32),
        scratch_types=[
            pltpu.VMEM((_M, 4 * _M), jnp.float32),
            pltpu.VMEM((4 * _G,), jnp.float32),
            pltpu.VMEM((4 * _G,), jnp.float32),
            pltpu.VMEM((_G,), jnp.int32),
            pltpu.VMEM((_G,), jnp.int32),
            pltpu.VMEM((4 * _CHUNK * _M,), jnp.float32),
            pltpu.VMEM((2 * _CHUNK, _G), jnp.float32),
            pltpu.VMEM((2 * _CHUNK, _G), jnp.float32),
            pltpu.VMEM((2 * _CHUNK, _G), jnp.float32),
            pltpu.SemaphoreType.DMA,
        ],
    )
    def sc_eval(ctrl_hbm, nu_hbm, nv_hbm, uspan_hbm, vspan_hbm, out_hbm,
                ctrl_v, nu_v, nv_v, uspan_v, vspan_v, tmp_v, ox_v, oy_v, oz_v,
                sem):
        _sc_body(ctrl_hbm, nu_hbm, nv_hbm, uspan_hbm, vspan_hbm, out_hbm,
                 ctrl_v, nu_v, nv_v, uspan_v, vspan_v, tmp_v, ox_v, oy_v,
                 oz_v, sem)

    sc_out = sc_eval(ctrl_pts[:_KSC].reshape(_KSC, _M, 4 * _M),
                     Nu_uv.reshape(4 * _G), Nv_uv.reshape(4 * _G),
                     uspan_uv, vspan_uv)
    tc_out = _tc_eval(ctrl_pts[_KSC:], Nu_uv, Nv_uv, uspan_uv, vspan_uv)
    out = jnp.concatenate([sc_out, tc_out], axis=0)
    return out.transpose(0, 2, 3, 1)

# --- scband reference (transcript-rebuilt; emitter-appended) ---
"""Pipeline reference for scband-surf-eval-70317204570141 (READ-ONLY COPY).

The authoritative reference and input builder live on the scoring server;
editing this copy changes nothing except your own understanding.
"""

import jax, jax.numpy as jnp
import numpy as np

BATCH, M, N, DIM, P, Q, OUT_DIM = 32, 64, 64, 3, 3, 3, 256

def gen_knot_vector(p, n):
    m = p + n + 1
    num_segments = m - 2 * (p + 1) + 1
    kv = [0.0] * p + list(np.linspace(0.0, 1.0, num_segments)) + [1.0] * p
    return np.array(kv, dtype=np.float64)

def pre_compute_basis_1d(uvals, U, p):
    # find_span (NURBS Book A2.1) + basis_funs (A2.2) for each parameter value
    uvals = np.asarray(uvals, dtype=np.float64)
    spans = np.searchsorted(U, uvals, side='right') - 1
    spans = np.clip(spans, p, len(U) - p - 2).astype(np.int64)
    Nb = np.zeros((len(uvals), p + 1), dtype=np.float64)
    for i in range(len(uvals)):
        uu = uvals[i]
        span = int(spans[i])
        left = np.zeros(p + 1)
        right = np.zeros(p + 1)
        Nv = np.zeros(p + 1)
        Nv[0] = 1.0
        for j in range(1, p + 1):
            left[j] = uu - U[span + 1 - j]
            right[j] = U[span + j] - uu
            saved = 0.0
            for r in range(j):
                temp = Nv[r] / (right[r + 1] + left[j - r])
                Nv[r] = saved + right[r + 1] * temp
                saved = left[j - r] * temp
            Nv[j] = saved
        Nb[i] = Nv
    return spans, Nb

def setup_inputs(seed: int = 0):
    key = jax.random.key(seed)
    # ctrl_pts: homogeneous control points (x, y, z, w); uniform(0,1) keeps weights positive
    ctrl_pts = jax.random.uniform(key, (BATCH, M, N, DIM + 1), dtype=jnp.float32)
    U = gen_knot_vector(P, M)
    V = gen_knot_vector(Q, N)
    u = np.linspace(0.0, 0.99, OUT_DIM)
    v = np.linspace(0.0, 0.99, OUT_DIM)
    uspan, Nu = pre_compute_basis_1d(u, U, P)
    vspan, Nv = pre_compute_basis_1d(v, V, Q)
    return {
        'ctrl_pts': ctrl_pts,
        'Nu_uv': jnp.asarray(Nu, dtype=jnp.float32),
        'Nv_uv': jnp.asarray(Nv, dtype=jnp.float32),
        'uspan_uv': jnp.asarray(uspan, dtype=jnp.int32),
        'vspan_uv': jnp.asarray(vspan, dtype=jnp.int32),
    }

def reference(ctrl_pts, Nu_uv, Nv_uv, uspan_uv, vspan_uv):
    # NURBS surface evaluation (A4.3) on homogeneous control points,
    # followed by perspective division, matching SurfEvalFunc.forward.
    surfaces = jnp.zeros((ctrl_pts.shape[0], uspan_uv.shape[0], vspan_uv.shape[0], DIM + 1), dtype=ctrl_pts.dtype)
    for r in range(P + 1):
        u_idx = uspan_uv - P + r                      # (OUT_DIM,)
        row = jnp.take(ctrl_pts, u_idx, axis=1)       # (B, OUT_DIM, N, DIM+1) gather
        for s in range(Q + 1):
            v_idx = vspan_uv - Q + s                  # (OUT_DIM,)
            pts = jnp.take(row, v_idx, axis=2)        # (B, OUT_DIM, OUT_DIM, DIM+1) gather
            w = Nu_uv[:, r][None, :, None, None] * Nv_uv[:, s][None, None, :, None]
            surfaces = surfaces + w * pts
    return surfaces[..., :DIM] / surfaces[..., DIM:DIM + 1]

if __name__ == "__main__":
    import jax
    _d = setup_inputs()
    print(jax.jit(kernel)(*tuple(_d.values())))

</pallas_src>

<mosaic_0001>
#map = affine_map<(d0, d1) -> (0, 0, 0)>
#map1 = affine_map<(d0, d1) -> (0)>
#map2 = affine_map<(d0, d1) -> (0, 0, 0, 0)>
module attributes {stable_mosaic.version = 14 : i64} {
  func.func @sc_eval(%arg0: i32, %arg1: i32, %arg2: memref<8x64x256xf32, #tpu.memory_space<hbm>>, %arg3: memref<1024xf32, #tpu.memory_space<hbm>>, %arg4: memref<1024xf32, #tpu.memory_space<hbm>>, %arg5: memref<256xi32, #tpu.memory_space<hbm>>, %arg6: memref<256xi32, #tpu.memory_space<hbm>>, %arg7: memref<8x3x256x256xf32, #tpu.memory_space<hbm>>, %arg8: memref<64x256xf32, #tpu.memory_space<vmem>>, %arg9: memref<1024xf32, #tpu.memory_space<vmem>>, %arg10: memref<1024xf32, #tpu.memory_space<vmem>>, %arg11: memref<256xi32, #tpu.memory_space<vmem>>, %arg12: memref<256xi32, #tpu.memory_space<vmem>>, %arg13: memref<4096xf32, #tpu.memory_space<vmem>>, %arg14: memref<32x256xf32, #tpu.memory_space<vmem>>, %arg15: memref<32x256xf32, #tpu.memory_space<vmem>>, %arg16: memref<32x256xf32, #tpu.memory_space<vmem>>, %arg17: memref<!tpu.dma_semaphore, #tpu.memory_space<semaphore_mem>>) attributes {dimension_semantics = [#tpu.dimension_semantics<core_parallel>, #tpu.dimension_semantics<subcore_parallel>], iteration_bounds = array<i64: 2, 16>, scalar_prefetch = 0 : i64, scratch_operands = 10 : i64, tpu.core_type = #tpu.core_type<sc_vector_subcore>, window_params = [{transform_indices = #map}, {transform_indices = #map1}, {transform_indices = #map1}, {transform_indices = #map1}, {transform_indices = #map1}, {transform_indices = #map2}]} {
    %mul3A = arith.constant 2 : i32
    %mul3A_0 = arith.muli %arg1, %mul3A : i32
    %add3A = arith.addi %mul3A_0, %arg0 : i32
    %jit3A = arith.constant 4 : i32
    %div3A = arith.divsi %add3A, %jit3A : i32
    %sign3A = arith.constant 0 : i32
    %sign3A_1 = arith.cmpi sgt, %add3A, %sign3A : i32
    %sign3A_2 = arith.extui %sign3A_1 : i1 to i32
    %sign3A_3 = arith.constant 0 : i32
    %sign3A_4 = arith.cmpi slt, %add3A, %sign3A_3 : i32
    %sign3A_5 = arith.extui %sign3A_4 : i1 to i32
    %sign3A_6 = arith.subi %sign3A_2, %sign3A_5 : i32
    %sign3A_7 = arith.constant 0 : i32
    %sign3A_8 = arith.cmpi sgt, %jit3A, %sign3A_7 : i32
    %sign3A_9 = arith.extui %sign3A_8 : i1 to i32
    %sign3A_10 = arith.constant 0 : i32
    %sign3A_11 = arith.cmpi slt, %jit3A, %sign3A_10 : i32
    %sign3A_12 = arith.extui %sign3A_11 : i1 to i32
    %sign3A_13 = arith.subi %sign3A_9, %sign3A_12 : i32
    %ne3A = arith.cmpi ne, %sign3A_6, %sign3A_13 : i32
    %rem3A = arith.remsi %add3A, %jit3A : i32
    %ne3A_14 = arith.constant 0 : i32
    %ne3A_15 = arith.cmpi ne, %rem3A, %ne3A_14 : i32
    %and3A = arith.andi %ne3A, %ne3A_15 : i1
    %sub3A = arith.constant 1 : i32
    %sub3A_16 = arith.subi %div3A, %sub3A : i32
    %select_n3A = arith.select %and3A, %sub3A_16, %div3A : i32
    %jit3A_17 = arith.constant 4 : i32
    %eq3A = arith.constant 0 : i32
    %eq3A_18 = arith.cmpi eq, %jit3A_17, %eq3A : i32
    %jit3A_19 = arith.constant 1 : i32
    %select_n3A_20 = arith.select %eq3A_18, %jit3A_19, %jit3A_17 : i32
    %rem3A_21 = arith.remsi %add3A, %select_n3A_20 : i32
    %ne3A_22 = arith.constant 0 : i32
    %ne3A_23 = arith.cmpi ne, %rem3A_21, %ne3A_22 : i32
    %lt3A = arith.constant 0 : i32
    %lt3A_24 = arith.cmpi slt, %rem3A_21, %lt3A : i32
    %lt3A_25 = arith.constant 0 : i32
    %lt3A_26 = arith.cmpi slt, %select_n3A_20, %lt3A_25 : i32
    %ne3A_27 = arith.xori %lt3A_24, %lt3A_26 : i1
    %and3A_28 = arith.andi %ne3A_27, %ne3A_23 : i1
    %add3A_29 = arith.addi %rem3A_21, %select_n3A_20 : i32
    %select_n3A_30 = arith.select %and3A_28, %add3A_29, %rem3A_21 : i32
    %mul3A_31 = arith.constant 64 : i32
    %mul3A_32 = arith.muli %select_n3A_30, %mul3A_31 : i32
    "tpu.region"() ({
      %run_scoped3A = tpu.sem_alloc : memref<!tpu.dma_semaphore, #tpu.memory_space<semaphore_mem>>
      %dma_start3A = arith.constant 0 : i32
      %dma_start3A_129 = arith.constant 0 : i32
      %dma_start3A_130 = tpu.memref_slice %arg2[%select_n3A, %dma_start3A, %dma_start3A_129] : memref<8x64x256xf32, #tpu.memory_space<hbm>> -> memref<1x64x256xf32, #tpu.memory_space<hbm>>
      %dma_start3A_131 = tpu.memref_squeeze %dma_start3A_130 : memref<1x64x256xf32, #tpu.memory_space<hbm>> -> memref<64x256xf32, #tpu.memory_space<hbm>>
      %dma_start3A_132 = arith.constant 0 : i32
      %dma_start3A_133 = arith.constant 0 : i32
      %dma_start3A_134 = tpu.memref_slice %arg2[%select_n3A, %dma_start3A_132, %dma_start3A_133] : memref<8x64x256xf32, #tpu.memory_space<hbm>> -> memref<1x64x256xf32, #tpu.memory_space<hbm>>
      %dma_start3A_135 = tpu.memref_squeeze %dma_start3A_134 : memref<1x64x256xf32, #tpu.memory_space<hbm>> -> memref<64x256xf32, #tpu.memory_space<hbm>>
      tpu.enqueue_dma source(%dma_start3A_135 : memref<64x256xf32, #tpu.memory_space<hbm>>) target(%arg8 : memref<64x256xf32, #tpu.memory_space<vmem>>) target_semaphore(%run_scoped3A : memref<!tpu.dma_semaphore, #tpu.memory_space<semaphore_mem>>)
      %dma_wait3A_136 = arith.constant 0 : i32
      %dma_wait3A_137 = arith.constant 0 : i32
      %dma_wait3A_138 = tpu.memref_slice %arg2[%select_n3A, %dma_wait3A_136, %dma_wait3A_137] : memref<8x64x256xf32, #tpu.memory_space<hbm>> -> memref<1x64x256xf32, #tpu.memory_space<hbm>>
      %dma_wait3A_139 = tpu.memref_squeeze %dma_wait3A_138 : memref<1x64x256xf32, #tpu.memory_space<hbm>> -> memref<64x256xf32, #tpu.memory_space<hbm>>
      %dma_wait3A_140 = arith.constant 0 : i32
      %dma_wait3A_141 = arith.constant 0 : i32
      %dma_wait3A_142 = tpu.memref_slice %arg2[%select_n3A, %dma_wait3A_140, %dma_wait3A_141] : memref<8x64x256xf32, #tpu.memory_space<hbm>> -> memref<1x64x256xf32, #tpu.memory_space<hbm>>
      %dma_wait3A_143 = tpu.memref_squeeze %dma_wait3A_142 : memref<1x64x256xf32, #tpu.memory_space<hbm>> -> memref<64x256xf32, #tpu.memory_space<hbm>>
      tpu.wait_dma2 semaphore(%run_scoped3A : memref<!tpu.dma_semaphore, #tpu.memory_space<semaphore_mem>>) src(%dma_wait3A_143 : memref<64x256xf32, #tpu.memory_space<hbm>>) dst(%arg8 : memref<64x256xf32, #tpu.memory_space<vmem>>)
      tpu.yield
    }) : () -> ()
    "tpu.region"() ({
      %run_scoped3A = tpu.sem_alloc : memref<!tpu.dma_semaphore, #tpu.memory_space<semaphore_mem>>
      tpu.enqueue_dma source(%arg3 : memref<1024xf32, #tpu.memory_space<hbm>>) target(%arg9 : memref<1024xf32, #tpu.memory_space<vmem>>) target_semaphore(%run_scoped3A : memref<!tpu.dma_semaphore, #tpu.memory_space<semaphore_mem>>)
      tpu.wait_dma2 semaphore(%run_scoped3A : memref<!tpu.dma_semaphore, #tpu.memory_space<semaphore_mem>>) src(%arg3 : memref<1024xf32, #tpu.memory_space<hbm>>) dst(%arg9 : memref<1024xf32, #tpu.memory_space<vmem>>)
      tpu.yield
    }) : () -> ()
    "tpu.region"() ({
      %run_scoped3A = tpu.sem_alloc : memref<!tpu.dma_semaphore, #tpu.memory_space<semaphore_mem>>
      tpu.enqueue_dma source(%arg4 : memref<1024xf32, #tpu.memory_space<hbm>>) target(%arg10 : memref<1024xf32, #tpu.memory_space<vmem>>) target_semaphore(%run_scoped3A : memref<!tpu.dma_semaphore, #tpu.memory_space<semaphore_mem>>)
      tpu.wait_dma2 semaphore(%run_scoped3A : memref<!tpu.dma_semaphore, #tpu.memory_space<semaphore_mem>>) src(%arg4 : memref<1024xf32, #tpu.memory_space<hbm>>) dst(%arg10 : memref<1024xf32, #tpu.memory_space<vmem>>)
      tpu.yield
    }) : () -> ()
    "tpu.region"() ({
      %run_scoped3A = tpu.sem_alloc : memref<!tpu.dma_semaphore, #tpu.memory_space<semaphore_mem>>
      tpu.enqueue_dma source(%arg5 : memref<256xi32, #tpu.memory_space<hbm>>) target(%arg11 : memref<256xi32, #tpu.memory_space<vmem>>) target_semaphore(%run_scoped3A : memref<!tpu.dma_semaphore, #tpu.memory_space<semaphore_mem>>)
      tpu.wait_dma2 semaphore(%run_scoped3A : memref<!tpu.dma_semaphore, #tpu.memory_space<semaphore_mem>>) src(%arg5 : memref<256xi32, #tpu.memory_space<hbm>>) dst(%arg11 : memref<256xi32, #tpu.memory_space<vmem>>)
      tpu.yield
    }) : () -> ()
    "tpu.region"() ({
      %run_scoped3A = tpu.sem_alloc : memref<!tpu.dma_semaphore, #tpu.memory_space<semaphore_mem>>
      tpu.enqueue_dma source(%arg6 : memref<256xi32, #tpu.memory_space<hbm>>) target(%arg12 : memref<256xi32, #tpu.memory_space<vmem>>) target_semaphore(%run_scoped3A : memref<!tpu.dma_semaphore, #tpu.memory_space<semaphore_mem>>)
      tpu.wait_dma2 semaphore(%run_scoped3A : memref<!tpu.dma_semaphore, #tpu.memory_space<semaphore_mem>>) src(%arg6 : memref<256xi32, #tpu.memory_space<hbm>>) dst(%arg12 : memref<256xi32, #tpu.memory_space<vmem>>)
      tpu.yield
    }) : () -> ()
    %iota3A = tpu.iota {dimensions = array<i32: 0>} : vector<16xi32>
    %mul3A_33 = arith.constant 4 : i32
    %mul3A_34 = vector.broadcast %mul3A_33 : i32 to vector<16xi32>
    %mul3A_35 = arith.muli %iota3A, %mul3A_34 : vector<16xi32>
    %scan3A = arith.constant 0 : i32
    %scan3A_36 = arith.constant 4 : i32
    %scan3A_37 = arith.addi %scan3A, %scan3A_36 : i32
    %scan3A_38 = arith.constant 1 : i32
    scf.for %scan3A_129 = %scan3A to %scan3A_37 step %scan3A_38  : i32 {
      %mul3A_130 = arith.constant 1 : i32
      %mul3A_131 = arith.muli %scan3A_129, %mul3A_130 : i32
      %add3A_132 = arith.constant 0 : i32
      %add3A_133 = arith.addi %add3A_132, %mul3A_131 : i32
      %ge3A = arith.constant 2 : i32
      %ge3A_134 = arith.cmpi sge, %add3A_133, %ge3A : i32
      %convert_element_type3A = arith.extui %ge3A_134 : i1 to i32
      %cond3A = arith.constant 0 : i32
      %cond3A_135 = arith.cmpi ne, %convert_element_type3A, %cond3A : i32
      scf.if %cond3A_135 {
        %dma_wait3A_238 = arith.constant 0 : i32
        %dma_wait3A_239 = arith.constant 0 : i32
        %dma_wait3A_240 = arith.constant 0 : i32
        %dma_wait3A_241 = tpu.memref_slice %arg14[%dma_wait3A_239, %dma_wait3A_240] : memref<32x256xf32, #tpu.memory_space<vmem>> -> memref<16x256xf32, #tpu.memory_space<vmem>>
        %dma_wait3A_242 = arith.constant 0 : i32
        %dma_wait3A_243 = arith.constant 0 : i32
        %dma_wait3A_244 = tpu.memref_slice %arg7[%select_n3A, %dma_wait3A_238, %dma_wait3A_242, %dma_wait3A_243] : memref<8x3x256x256xf32, #tpu.memory_space<hbm>> -> memref<1x1x16x256xf32, #tpu.memory_space<hbm>>
        %dma_wait3A_245 = tpu.memref_squeeze %dma_wait3A_244 : memref<1x1x16x256xf32, #tpu.memory_space<hbm>> -> memref<16x256xf32, #tpu.memory_space<hbm>>
        %dma_wait3A_246 = arith.constant 0 : i32
        %dma_wait3A_247 = arith.constant 0 : i32
        %dma_wait3A_248 = tpu.memref_slice %arg7[%select_n3A, %dma_wait3A_238, %dma_wait3A_246, %dma_wait3A_247] : memref<8x3x256x256xf32, #tpu.memory_space<hbm>> -> memref<1x1x16x256xf32, #tpu.memory_space<hbm>>
        %dma_wait3A_249 = tpu.memref_squeeze %dma_wait3A_248 : memref<1x1x16x256xf32, #tpu.memory_space<hbm>> -> memref<16x256xf32, #tpu.memory_space<hbm>>
        %dma_wait3A_250 = arith.constant 0 : i32
        %dma_wait3A_251 = arith.constant 0 : i32
        %dma_wait3A_252 = tpu.memref_slice %arg14[%dma_wait3A_250, %dma_wait3A_251] : memref<32x256xf32, #tpu.memory_space<vmem>> -> memref<16x256xf32, #tpu.memory_space<vmem>>
        tpu.wait_dma2 semaphore(%arg17 : memref<!tpu.dma_semaphore, #tpu.memory_space<semaphore_mem>>) src(%dma_wait3A_252 : memref<16x256xf32, #tpu.memory_space<vmem>>) dst(%dma_wait3A_249 : memref<16x256xf32, #tpu.memory_space<hbm>>)
        %dma_wait3A_253 = arith.constant 0 : i32
        %dma_wait3A_254 = arith.constant 0 : i32
        %dma_wait3A_255 = arith.constant 0 : i32
        %dma_wait3A_256 = tpu.memref_slice %arg14[%dma_wait3A_254, %dma_wait3A_255] : memref<32x256xf32, #tpu.memory_space<vmem>> -> memref<16x256xf32, #tpu.memory_space<vmem>>
        %dma_wait3A_257 = arith.constant 0 : i32
        %dma_wait3A_258 = arith.constant 0 : i32
        %dma_wait3A_259 = tpu.memref_slice %arg7[%select_n3A, %dma_wait3A_253, %dma_wait3A_257, %dma_wait3A_258] : memref<8x3x256x256xf32, #tpu.memory_space<hbm>> -> memref<1x1x16x256xf32, #tpu.memory_space<hbm>>
        %dma_wait3A_260 = tpu.memref_squeeze %dma_wait3A_259 : memref<1x1x16x256xf32, #tpu.memory_space<hbm>> -> memref<16x256xf32, #tpu.memory_space<hbm>>
        %dma_wait3A_261 = arith.constant 0 : i32
        %dma_wait3A_262 = arith.constant 0 : i32
        %dma_wait3A_263 = tpu.memref_slice %arg7[%select_n3A, %dma_wait3A_253, %dma_wait3A_261, %dma_wait3A_262] : memref<8x3x256x256xf32, #tpu.memory_space<hbm>> -> memref<1x1x16x256xf32, #tpu.memory_space<hbm>>
        %dma_wait3A_264 = tpu.memref_squeeze %dma_wait3A_263 : memref<1x1x16x256xf32, #tpu.memory_space<hbm>> -> memref<16x256xf32, #tpu.memory_space<hbm>>
        %dma_wait3A_265 = arith.constant 0 : i32
        %dma_wait3A_266 = arith.constant 0 : i32
        %dma_wait3A_267 = tpu.memref_slice %arg14[%dma_wait3A_265, %dma_wait3A_266] : memref<32x256xf32, #tpu.memory_space<vmem>> -> memref<16x256xf32, #tpu.memory_space<vmem>>
        tpu.wait_dma2 semaphore(%arg17 : memref<!tpu.dma_semaphore, #tpu.memory_space<semaphore_mem>>) src(%dma_wait3A_267 : memref<16x256xf32, #tpu.memory_space<vmem>>) dst(%dma_wait3A_264 : memref<16x256xf32, #tpu.memory_space<hbm>>)
        %dma_wait3A_268 = arith.constant 0 : i32
        %dma_wait3A_269 = arith.constant 0 : i32
        %dma_wait3A_270 = arith.constant 0 : i32
        %dma_wait3A_271 = tpu.memref_slice %arg14[%dma_wait3A_269, %dma_wait3A_270] : memref<32x256xf32, #tpu.memory_space<vmem>> -> memref<16x256xf32, #tpu.memory_space<vmem>>
        %dma_wait3A_272 = arith.constant 0 : i32
        %dma_wait3A_273 = arith.constant 0 : i32
        %dma_wait3A_274 = tpu.memref_slice %arg7[%select_n3A, %dma_wait3A_268, %dma_wait3A_272, %dma_wait3A_273] : memref<8x3x256x256xf32, #tpu.memory_space<hbm>> -> memref<1x1x16x256xf32, #tpu.memory_space<hbm>>
        %dma_wait3A_275 = tpu.memref_squeeze %dma_wait3A_274 : memref<1x1x16x256xf32, #tpu.memory_space<hbm>> -> memref<16x256xf32, #tpu.memory_space<hbm>>
        %dma_wait3A_276 = arith.constant 0 : i32
        %dma_wait3A_277 = arith.constant 0 : i32
        %dma_wait3A_278 = tpu.memref_slice %arg7[%select_n3A, %dma_wait3A_268, %dma_wait3A_276, %dma_wait3A_277] : memref<8x3x256x256xf32, #tpu.memory_space<hbm>> -> memref<1x1x16x256xf32, #tpu.memory_space<hbm>>
        %dma_wait3A_279 = tpu.memref_squeeze %dma_wait3A_278 : memref<1x1x16x256xf32, #tpu.memory_space<hbm>> -> memref<16x256xf32, #tpu.memory_space<hbm>>
        %dma_wait3A_280 = arith.constant 0 : i32
        %dma_wait3A_281 = arith.constant 0 : i32
        %dma_wait3A_282 = tpu.memref_slice %arg14[%dma_wait3A_280, %dma_wait3A_281] : memref<32x256xf32, #tpu.memory_space<vmem>> -> memref<16x256xf32, #tpu.memory_space<vmem>>
        tpu.wait_dma2 semaphore(%arg17 : memref<!tpu.dma_semaphore, #tpu.memory_space<semaphore_mem>>) src(%dma_wait3A_282 : memref<16x256xf32, #tpu.memory_space<vmem>>) dst(%dma_wait3A_279 : memref<16x256xf32, #tpu.memory_space<hbm>>)
      } else {
      }
      %parallel_loop3A = arith.constant 0 : i32
      %parallel_loop3A_136 = arith.constant 16 : i32
      %parallel_loop3A_137 = arith.constant 1 : i32
      scf.for %parallel_loop3A_238 = %parallel_loop3A to %parallel_loop3A_136 step %parallel_loop3A_137  : i32 {
        %parallel_loop3A_239 = arith.constant 16 : i32
        %parallel_loop3A_240 = arith.muli %add3A_133, %parallel_loop3A_239 : i32
        %parallel_loop3A_241 = arith.addi %mul3A_32, %parallel_loop3A_240 : i32
        %parallel_loop3A_242 = arith.addi %parallel_loop3A_241, %parallel_loop3A_238 : i32
        %parallel_loop3A_243 = arith.constant 0 : i32
        %parallel_loop3A_244 = vector.broadcast %parallel_loop3A_243 : i32 to vector<16xi32>
        %parallel_loop3A_245 = vector.broadcast %parallel_loop3A_242 : i32 to vector<16xi32>
        %parallel_loop3A_246 = arith.addi %parallel_loop3A_244, %parallel_loop3A_245 : vector<16xi32>
        %parallel_loop3A_247 = tpu.vector_load_idx %arg11[%parallel_loop3A_246] : memref<256xi32, #tpu.memory_space<vmem>>[vector<16xi32>], vector<16xi32>,
        %parallel_loop3A_248 = arith.constant 3 : i32
        %parallel_loop3A_249 = vector.broadcast %parallel_loop3A_248 : i32 to vector<16xi32>
        %parallel_loop3A_250 = arith.subi %parallel_loop3A_247, %parallel_loop3A_249 : vector<16xi32>
        %parallel_loop3A_251 = arith.constant 0 : i32
        %parallel_loop3A_252 = vector.broadcast %parallel_loop3A_251 : i32 to vector<16xi32>
        %parallel_loop3A_253 = arith.constant 4 : i32
        %parallel_loop3A_254 = arith.muli %parallel_loop3A_242, %parallel_loop3A_253 : i32
        %parallel_loop3A_255 = vector.broadcast %parallel_loop3A_254 : i32 to vector<16xi32>
        %parallel_loop3A_256 = arith.addi %parallel_loop3A_252, %parallel_loop3A_255 : vector<16xi32>
        %parallel_loop3A_257 = arith.constant 0 : i32
        %parallel_loop3A_258 = vector.broadcast %parallel_loop3A_257 : i32 to vector<16xi32>
        %parallel_loop3A_259 = arith.addi %parallel_loop3A_256, %parallel_loop3A_258 : vector<16xi32>
        %parallel_loop3A_260 = tpu.vector_load_idx %arg9[%parallel_loop3A_259] : memref<1024xf32, #tpu.memory_space<vmem>>[vector<16xi32>], vector<16xf32>,
        %parallel_loop3A_261 = arith.constant 1 : i32
        %parallel_loop3A_262 = vector.broadcast %parallel_loop3A_261 : i32 to vector<16xi32>
        %parallel_loop3A_263 = arith.addi %parallel_loop3A_256, %parallel_loop3A_262 : vector<16xi32>
        %parallel_loop3A_264 = tpu.vector_load_idx %arg9[%parallel_loop3A_263] : memref<1024xf32, #tpu.memory_space<vmem>>[vector<16xi32>], vector<16xf32>,
        %parallel_loop3A_265 = arith.constant 2 : i32
        %parallel_loop3A_266 = vector.broadcast %parallel_loop3A_265 : i32 to vector<16xi32>
        %parallel_loop3A_267 = arith.addi %parallel_loop3A_256, %parallel_loop3A_266 : vector<16xi32>
        %parallel_loop3A_268 = tpu.vector_load_idx %arg9[%parallel_loop3A_267] : memref<1024xf32, #tpu.memory_space<vmem>>[vector<16xi32>], vector<16xf32>,
        %parallel_loop3A_269 = arith.constant 3 : i32
        %parallel_loop3A_270 = vector.broadcast %parallel_loop3A_269 : i32 to vector<16xi32>
        %parallel_loop3A_271 = arith.addi %parallel_loop3A_256, %parallel_loop3A_270 : vector<16xi32>
        %parallel_loop3A_272 = tpu.vector_load_idx %arg9[%parallel_loop3A_271] : memref<1024xf32, #tpu.memory_space<vmem>>[vector<16xi32>], vector<16xf32>,
        %parallel_loop3A_273 = arith.constant 0 : i32
        %parallel_loop3A_274 = vector.broadcast %parallel_loop3A_273 : i32 to vector<16xi32>
        %parallel_loop3A_275 = arith.addi %mul3A_35, %parallel_loop3A_274 : vector<16xi32>
        %parallel_loop3A_276 = tpu.vector_load_idx %arg8[%parallel_loop3A_250, %parallel_loop3A_275] : memref<64x256xf32, #tpu.memory_space<vmem>>[vector<16xi32>, vector<16xi32>], vector<16xf32>,
        %parallel_loop3A_277 = arith.mulf %parallel_loop3A_260, %parallel_loop3A_276 : vector<16xf32>
        %parallel_loop3A_278 = arith.constant 1 : i32
        %parallel_loop3A_279 = vector.broadcast %parallel_loop3A_278 : i32 to vector<16xi32>
        %parallel_loop3A_280 = arith.addi %parallel_loop3A_250, %parallel_loop3A_279 : vector<16xi32>
        %parallel_loop3A_281 = tpu.vector_load_idx %arg8[%parallel_loop3A_280, %parallel_loop3A_275] : memref<64x256xf32, #tpu.memory_space<vmem>>[vector<16xi32>, vector<16xi32>], vector<16xf32>,
        %parallel_loop3A_282 = arith.mulf %parallel_loop3A_264, %parallel_loop3A_281 : vector<16xf32>
        %parallel_loop3A_283 = arith.addf %parallel_loop3A_277, %parallel_loop3A_282 : vector<16xf32>
        %parallel_loop3A_284 = arith.constant 2 : i32
        %parallel_loop3A_285 = vector.broadcast %parallel_loop3A_284 : i32 to vector<16xi32>
        %parallel_loop3A_286 = arith.addi %parallel_loop3A_250, %parallel_loop3A_285 : vector<16xi32>
        %parallel_loop3A_287 = tpu.vector_load_idx %arg8[%parallel_loop3A_286, %parallel_loop3A_275] : memref<64x256xf32, #tpu.memory_space<vmem>>[vector<16xi32>, vector<16xi32>], vector<16xf32>,
        %parallel_loop3A_288 = arith.mulf %parallel_loop3A_268, %parallel_loop3A_287 : vector<16xf32>
        %parallel_loop3A_289 = arith.addf %parallel_loop3A_283, %parallel_loop3A_288 : vector<16xf32>
        %parallel_loop3A_290 = arith.constant 3 : i32
        %parallel_loop3A_291 = vector.broadcast %parallel_loop3A_290 : i32 to vector<16xi32>
        %parallel_loop3A_292 = arith.addi %parallel_loop3A_250, %parallel_loop3A_291 : vector<16xi32>
        %parallel_loop3A_293 = tpu.vector_load_idx %arg8[%parallel_loop3A_292, %parallel_loop3A_275] : memref<64x256xf32, #tpu.memory_space<vmem>>[vector<16xi32>, vector<16xi32>], vector<16xf32>,
        %parallel_loop3A_294 = arith.mulf %parallel_loop3A_272, %parallel_loop3A_293 : vector<16xf32>
        %parallel_loop3A_295 = arith.addf %parallel_loop3A_289, %parallel_loop3A_294 : vector<16xf32>
        %parallel_loop3A_296 = arith.constant 64 : i32
        %parallel_loop3A_297 = arith.muli %parallel_loop3A_238, %parallel_loop3A_296 : i32
        %parallel_loop3A_298 = arith.constant 0 : i32
        %parallel_loop3A_299 = arith.addi %parallel_loop3A_298, %parallel_loop3A_297 : i32
        %parallel_loop3A_300 = arith.constant 0 : i32
        %parallel_loop3A_301 = arith.addi %parallel_loop3A_299, %parallel_loop3A_300 : i32
        %parallel_loop3A_302 = vector.broadcast %parallel_loop3A_301 : i32 to vector<16xi32>
        %parallel_loop3A_303 = arith.addi %iota3A, %parallel_loop3A_302 : vector<16xi32>
        tpu.vector_store_idx %arg13[%parallel_loop3A_303], %parallel_loop3A_295 : memref<4096xf32, #tpu.memory_space<vmem>>[vector<16xi32>], vector<16xf32>,
        %parallel_loop3A_304 = arith.constant 1 : i32
        %parallel_loop3A_305 = vector.broadcast %parallel_loop3A_304 : i32 to vector<16xi32>
        %parallel_loop3A_306 = arith.addi %mul3A_35, %parallel_loop3A_305 : vector<16xi32>
        %parallel_loop3A_307 = tpu.vector_load_idx %arg8[%parallel_loop3A_250, %parallel_loop3A_306] : memref<64x256xf32, #tpu.memory_space<vmem>>[vector<16xi32>, vector<16xi32>], vector<16xf32>,
        %parallel_loop3A_308 = arith.mulf %parallel_loop3A_260, %parallel_loop3A_307 : vector<16xf32>
        %parallel_loop3A_309 = arith.constant 1 : i32
        %parallel_loop3A_310 = vector.broadcast %parallel_loop3A_309 : i32 to vector<16xi32>
        %parallel_loop3A_311 = arith.addi %parallel_loop3A_250, %parallel_loop3A_310 : vector<16xi32>
        %parallel_loop3A_312 = tpu.vector_load_idx %arg8[%parallel_loop3A_311, %parallel_loop3A_306] : memref<64x256xf32, #tpu.memory_space<vmem>>[vector<16xi32>, vector<16xi32>], vector<16xf32>,
        %parallel_loop3A_313 = arith.mulf %parallel_loop3A_264, %parallel_loop3A_312 : vector<16xf32>
        %parallel_loop3A_314 = arith.addf %parallel_loop3A_308, %parallel_loop3A_313 : vector<16xf32>
        %parallel_loop3A_315 = arith.constant 2 : i32
        %parallel_loop3A_316 = vector.broadcast %parallel_loop3A_315 : i32 to vector<16xi32>
        %parallel_loop3A_317 = arith.addi %parallel_loop3A_250, %parallel_loop3A_316 : vector<16xi32>
        %parallel_loop3A_318 = tpu.vector_load_idx %arg8[%parallel_loop3A_317, %parallel_loop3A_306] : memref<64x256xf32, #tpu.memory_space<vmem>>[vector<16xi32>, vector<16xi32>], vector<16xf32>,
        %parallel_loop3A_319 = arith.mulf %parallel_loop3A_268, %parallel_loop3A_318 : vector<16xf32>
        %parallel_loop3A_320 = arith.addf %parallel_loop3A_314, %parallel_loop3A_319 : vector<16xf32>
        %parallel_loop3A_321 = arith.constant 3 : i32
        %parallel_loop3A_322 = vector.broadcast %parallel_loop3A_321 : i32 to vector<16xi32>
        %parallel_loop3A_323 = arith.addi %parallel_loop3A_250, %parallel_loop3A_322 : vector<16xi32>
        %parallel_loop3A_324 = tpu.vector_load_idx %arg8[%parallel_loop3A_323, %parallel_loop3A_306] : memref<64x256xf32, #tpu.memory_space<vmem>>[vector<16xi32>, vector<16xi32>], vector<16xf32>,
        %parallel_loop3A_325 = arith.mulf %parallel_loop3A_272, %parallel_loop3A_324 : vector<16xf32>
        %parallel_loop3A_326 = arith.addf %parallel_loop3A_320, %parallel_loop3A_325 : vector<16xf32>
        %parallel_loop3A_327 = arith.constant 64 : i32
        %parallel_loop3A_328 = arith.muli %parallel_loop3A_238, %parallel_loop3A_327 : i32
        %parallel_loop3A_329 = arith.constant 1024 : i32
        %parallel_loop3A_330 = arith.addi %parallel_loop3A_329, %parallel_loop3A_328 : i32
        %parallel_loop3A_331 = arith.constant 0 : i32
        %parallel_loop3A_332 = arith.addi %parallel_loop3A_330, %parallel_loop3A_331 : i32
        %parallel_loop3A_333 = vector.broadcast %parallel_loop3A_332 : i32 to vector<16xi32>
        %parallel_loop3A_334 = arith.addi %iota3A, %parallel_loop3A_333 : vector<16xi32>
        tpu.vector_store_idx %arg13[%parallel_loop3A_334], %parallel_loop3A_326 : memref<4096xf32, #tpu.memory_space<vmem>>[vector<16xi32>], vector<16xf32>,
        %parallel_loop3A_335 = arith.constant 2 : i32
        %parallel_loop3A_336 = vector.broadcast %parallel_loop3A_335 : i32 to vector<16xi32>
        %parallel_loop3A_337 = arith.addi %mul3A_35, %parallel_loop3A_336 : vector<16xi32>
        %parallel_loop3A_338 = tpu.vector_load_idx %arg8[%parallel_loop3A_250, %parallel_loop3A_337] : memref<64x256xf32, #tpu.memory_space<vmem>>[vector<16xi32>, vector<16xi32>], vector<16xf32>,
        %parallel_loop3A_339 = arith.mulf %parallel_loop3A_260, %parallel_loop3A_338 : vector<16xf32>
        %parallel_loop3A_340 = arith.constant 1 : i32
        %parallel_loop3A_341 = vector.broadcast %parallel_loop3A_340 : i32 to vector<16xi32>
        %parallel_loop3A_342 = arith.addi %parallel_loop3A_250, %parallel_loop3A_341 : vector<16xi32>
        %parallel_loop3A_343 = tpu.vector_load_idx %arg8[%parallel_loop3A_342, %parallel_loop3A_337] : memref<64x256xf32, #tpu.memory_space<vmem>>[vector<16xi32>, vector<16xi32>], vector<16xf32>,
        %parallel_loop3A_344 = arith.mulf %parallel_loop3A_264, %parallel_loop3A_343 : vector<16xf32>
        %parallel_loop3A_345 = arith.addf %parallel_loop3A_339, %parallel_loop3A_344 : vector<16xf32>
        %parallel_loop3A_346 = arith.constant 2 : i32
        %parallel_loop3A_347 = vector.broadcast %parallel_loop3A_346 : i32 to vector<16xi32>
        %parallel_loop3A_348 = arith.addi %parallel_loop3A_250, %parallel_loop3A_347 : vector<16xi32>
        %parallel_loop3A_349 = tpu.vector_load_idx %arg8[%parallel_loop3A_348, %parallel_loop3A_337] : memref<64x256xf32, #tpu.memory_space<vmem>>[vector<16xi32>, vector<16xi32>], vector<16xf32>,
        %parallel_loop3A_350 = arith.mulf %parallel_loop3A_268, %parallel_loop3A_349 : vector<16xf32>
        %parallel_loop3A_351 = arith.addf %parallel_loop3A_345, %parallel_loop3A_350 : vector<16xf32>
        %parallel_loop3A_352 = arith.constant 3 : i32
        %parallel_loop3A_353 = vector.broadcast %parallel_loop3A_352 : i32 to vector<16xi32>
        %parallel_loop3A_354 = arith.addi %parallel_loop3A_250, %parallel_loop3A_353 : vector<16xi32>
        %parallel_loop3A_355 = tpu.vector_load_idx %arg8[%parallel_loop3A_354, %parallel_loop3A_337] : memref<64x256xf32, #tpu.memory_space<vmem>>[vector<16xi32>, vector<16xi32>], vector<16xf32>,
        %parallel_loop3A_356 = arith.mulf %parallel_loop3A_272, %parallel_loop3A_355 : vector<16xf32>
        %parallel_loop3A_357 = arith.addf %parallel_loop3A_351, %parallel_loop3A_356 : vector<16xf32>
        %parallel_loop3A_358 = arith.constant 64 : i32
        %parallel_loop3A_359 = arith.muli %parallel_loop3A_238, %parallel_loop3A_358 : i32
        %parallel_loop3A_360 = arith.constant 2048 : i32
        %parallel_loop3A_361 = arith.addi %parallel_loop3A_360, %parallel_loop3A_359 : i32
        %parallel_loop3A_362 = arith.constant 0 : i32
        %parallel_loop3A_363 = arith.addi %parallel_loop3A_361, %parallel_loop3A_362 : i32
        %parallel_loop3A_364 = vector.broadcast %parallel_loop3A_363 : i32 to vector<16xi32>
        %parallel_loop3A_365 = arith.addi %iota3A, %parallel_loop3A_364 : vector<16xi32>
        tpu.vector_store_idx %arg13[%parallel_loop3A_365], %parallel_loop3A_357 : memref<4096xf32, #tpu.memory_space<vmem>>[vector<16xi32>], vector<16xf32>,
        %parallel_loop3A_366 = arith.constant 3 : i32
        %parallel_loop3A_367 = vector.broadcast %parallel_loop3A_366 : i32 to vector<16xi32>
        %parallel_loop3A_368 = arith.addi %mul3A_35, %parallel_loop3A_367 : vector<16xi32>
        %parallel_loop3A_369 = tpu.vector_load_idx %arg8[%parallel_loop3A_250, %parallel_loop3A_368] : memref<64x256xf32, #tpu.memory_space<vmem>>[vector<16xi32>, vector<16xi32>], vector<16xf32>,
        %parallel_loop3A_370 = arith.mulf %parallel_loop3A_260, %parallel_loop3A_369 : vector<16xf32>
        %parallel_loop3A_371 = arith.constant 1 : i32
        %parallel_loop3A_372 = vector.broadcast %parallel_loop3A_371 : i32 to vector<16xi32>
        %parallel_loop3A_373 = arith.addi %parallel_loop3A_250, %parallel_loop3A_372 : vector<16xi32>
        %parallel_loop3A_374 = tpu.vector_load_idx %arg8[%parallel_loop3A_373, %parallel_loop3A_368] : memref<64x256xf32, #tpu.memory_space<vmem>>[vector<16xi32>, vector<16xi32>], vector<16xf32>,
        %parallel_loop3A_375 = arith.mulf %parallel_loop3A_264, %parallel_loop3A_374 : vector<16xf32>
        %parallel_loop3A_376 = arith.addf %parallel_loop3A_370, %parallel_loop3A_375 : vector<16xf32>
        %parallel_loop3A_377 = arith.constant 2 : i32
        %parallel_loop3A_378 = vector.broadcast %parallel_loop3A_377 : i32 to vector<16xi32>
        %parallel_loop3A_379 = arith.addi %parallel_loop3A_250, %parallel_loop3A_378 : vector<16xi32>
        %parallel_loop3A_380 = tpu.vector_load_idx %arg8[%parallel_loop3A_379, %parallel_loop3A_368] : memref<64x256xf32, #tpu.memory_space<vmem>>[vector<16xi32>, vector<16xi32>], vector<16xf32>,
        %parallel_loop3A_381 = arith.mulf %parallel_loop3A_268, %parallel_loop3A_380 : vector<16xf32>
        %parallel_loop3A_382 = arith.addf %parallel_loop3A_376, %parallel_loop3A_381 : vector<16xf32>
        %parallel_loop3A_383 = arith.constant 3 : i32
        %parallel_loop3A_384 = vector.broadcast %parallel_loop3A_383 : i32 to vector<16xi32>
        %parallel_loop3A_385 = arith.addi %parallel_loop3A_250, %parallel_loop3A_384 : vector<16xi32>
        %parallel_loop3A_386 = tpu.vector_load_idx %arg8[%parallel_loop3A_385, %parallel_loop3A_368] : memref<64x256xf32, #tpu.memory_space<vmem>>[vector<16xi32>, vector<16xi32>], vector<16xf32>,
        %parallel_loop3A_387 = arith.mulf %parallel_loop3A_272, %parallel_loop3A_386 : vector<16xf32>
        %parallel_loop3A_388 = arith.addf %parallel_loop3A_382, %parallel_loop3A_387 : vector<16xf32>
        %parallel_loop3A_389 = arith.constant 64 : i32
        %parallel_loop3A_390 = arith.muli %parallel_loop3A_238, %parallel_loop3A_389 : i32
        %parallel_loop3A_391 = arith.constant 3072 : i32
        %parallel_loop3A_392 = arith.addi %parallel_loop3A_391, %parallel_loop3A_390 : i32
        %parallel_loop3A_393 = arith.constant 0 : i32
        %parallel_loop3A_394 = arith.addi %parallel_loop3A_392, %parallel_loop3A_393 : i32
        %parallel_loop3A_395 = vector.broadcast %parallel_loop3A_394 : i32 to vector<16xi32>
        %parallel_loop3A_396 = arith.addi %iota3A, %parallel_loop3A_395 : vector<16xi32>
        tpu.vector_store_idx %arg13[%parallel_loop3A_396], %parallel_loop3A_388 : memref<4096xf32, #tpu.memory_space<vmem>>[vector<16xi32>], vector<16xf32>,
        %parallel_loop3A_397 = arith.constant 64 : i32
        %parallel_loop3A_398 = vector.broadcast %parallel_loop3A_397 : i32 to vector<16xi32>
        %parallel_loop3A_399 = arith.addi %mul3A_35, %parallel_loop3A_398 : vector<16xi32>
        %parallel_loop3A_400 = tpu.vector_load_idx %arg8[%parallel_loop3A_250, %parallel_loop3A_399] : memref<64x256xf32, #tpu.memory_space<vmem>>[vector<16xi32>, vector<16xi32>], vector<16xf32>,
        %parallel_loop3A_401 = arith.mulf %parallel_loop3A_260, %parallel_loop3A_400 : vector<16xf32>
        %parallel_loop3A_402 = arith.constant 1 : i32
        %parallel_loop3A_403 = vector.broadcast %parallel_loop3A_402 : i32 to vector<16xi32>
        %parallel_loop3A_404 = arith.addi %parallel_loop3A_250, %parallel_loop3A_403 : vector<16xi32>
        %parallel_loop3A_405 = tpu.vector_load_idx %arg8[%parallel_loop3A_404, %parallel_loop3A_399] : memref<64x256xf32, #tpu.memory_space<vmem>>[vector<16xi32>, vector<16xi32>], vector<16xf32>,
        %parallel_loop3A_406 = arith.mulf %parallel_loop3A_264, %parallel_loop3A_405 : vector<16xf32>
        %parallel_loop3A_407 = arith.addf %parallel_loop3A_401, %parallel_loop3A_406 : vector<16xf32>
        %parallel_loop3A_408 = arith.constant 2 : i32
        %parallel_loop3A_409 = vector.broadcast %parallel_loop3A_408 : i32 to vector<16xi32>
        %parallel_loop3A_410 = arith.addi %parallel_loop3A_250, %parallel_loop3A_409 : vector<16xi32>
        %parallel_loop3A_411 = tpu.vector_load_idx %arg8[%parallel_loop3A_410, %parallel_loop3A_399] : memref<64x256xf32, #tpu.memory_space<vmem>>[vector<16xi32>, vector<16xi32>], vector<16xf32>,
        %parallel_loop3A_412 = arith.mulf %parallel_loop3A_268, %parallel_loop3A_411 : vector<16xf32>
        %parallel_loop3A_413 = arith.addf %parallel_loop3A_407, %parallel_loop3A_412 : vector<16xf32>
        %parallel_loop3A_414 = arith.constant 3 : i32
        %parallel_loop3A_415 = vector.broadcast %parallel_loop3A_414 : i32 to vector<16xi32>
        %parallel_loop3A_416 = arith.addi %parallel_loop3A_250, %parallel_loop3A_415 : vector<16xi32>
        %parallel_loop3A_417 = tpu.vector_load_idx %arg8[%parallel_loop3A_416, %parallel_loop3A_399] : memref<64x256xf32, #tpu.memory_space<vmem>>[vector<16xi32>, vector<16xi32>], vector<16xf32>,
        %parallel_loop3A_418 = arith.mulf %parallel_loop3A_272, %parallel_loop3A_417 : vector<16xf32>
        %parallel_loop3A_419 = arith.addf %parallel_loop3A_413, %parallel_loop3A_418 : vector<16xf32>
        %parallel_loop3A_420 = arith.constant 64 : i32
        %parallel_loop3A_421 = arith.muli %parallel_loop3A_238, %parallel_loop3A_420 : i32
        %parallel_loop3A_422 = arith.constant 0 : i32
        %parallel_loop3A_423 = arith.addi %parallel_loop3A_422, %parallel_loop3A_421 : i32
        %parallel_loop3A_424 = arith.constant 16 : i32
        %parallel_loop3A_425 = arith.addi %parallel_loop3A_423, %parallel_loop3A_424 : i32
        %parallel_loop3A_426 = vector.broadcast %parallel_loop3A_425 : i32 to vector<16xi32>
        %parallel_loop3A_427 = arith.addi %iota3A, %parallel_loop3A_426 : vector<16xi32>
        tpu.vector_store_idx %arg13[%parallel_loop3A_427], %parallel_loop3A_419 : memref<4096xf32, #tpu.memory_space<vmem>>[vector<16xi32>], vector<16xf32>,
        %parallel_loop3A_428 = arith.constant 65 : i32
        %parallel_loop3A_429 = vector.broadcast %parallel_loop3A_428 : i32 to vector<16xi32>
        %parallel_loop3A_430 = arith.addi %mul3A_35, %parallel_loop3A_429 : vector<16xi32>
        %parallel_loop3A_431 = tpu.vector_load_idx %arg8[%parallel_loop3A_250, %parallel_loop3A_430] : memref<64x256xf32, #tpu.memory_space<vmem>>[vector<16xi32>, vector<16xi32>], vector<16xf32>,
        %parallel_loop3A_432 = arith.mulf %parallel_loop3A_260, %parallel_loop3A_431 : vector<16xf32>
        %parallel_loop3A_433 = arith.constant 1 : i32
        %parallel_loop3A_434 = vector.broadcast %parallel_loop3A_433 : i32 to vector<16xi32>
        %parallel_loop3A_435 = arith.addi %parallel_loop3A_250, %parallel_loop3A_434 : vector<16xi32>
        %parallel_loop3A_436 = tpu.vector_load_idx %arg8[%parallel_loop3A_435, %parallel_loop3A_430] : memref<64x256xf32, #tpu.memory_space<vmem>>[vector<16xi32>, vector<16xi32>], vector<16xf32>,
        %parallel_loop3A_437 = arith.mulf %parallel_loop3A_264, %parallel_loop3A_436 : vector<16xf32>
        %parallel_loop3A_438 = arith.addf %parallel_loop3A_432, %parallel_loop3A_437 : vector<16xf32>
        %parallel_loop3A_439 = arith.constant 2 : i32
        %parallel_loop3A_440 = vector.broadcast %parallel_loop3A_439 : i32 to vector<16xi32>
        %parallel_loop3A_441 = arith.addi %parallel_loop3A_250, %parallel_loop3A_440 : vector<16xi32>
        %parallel_loop3A_442 = tpu.vector_load_idx %arg8[%parallel_loop3A_441, %parallel_loop3A_430] : memref<64x256xf32, #tpu.memory_space<vmem>>[vector<16xi32>, vector<16xi32>], vector<16xf32>,
        %parallel_loop3A_443 = arith.mulf %parallel_loop3A_268, %parallel_loop3A_442 : vector<16xf32>
        %parallel_loop3A_444 = arith.addf %parallel_loop3A_438, %parallel_loop3A_443 : vector<16xf32>
        %parallel_loop3A_445 = arith.constant 3 : i32
        %parallel_loop3A_446 = vector.broadcast %parallel_loop3A_445 : i32 to vector<16xi32>
        %parallel_loop3A_447 = arith.addi %parallel_loop3A_250, %parallel_loop3A_446 : vector<16xi32>
        %parallel_loop3A_448 = tpu.vector_load_idx %arg8[%parallel_loop3A_447, %parallel_loop3A_430] : memref<64x256xf32, #tpu.memory_space<vmem>>[vector<16xi32>, vector<16xi32>], vector<16xf32>,
        %parallel_loop3A_449 = arith.mulf %parallel_loop3A_272, %parallel_loop3A_448 : vector<16xf32>
        %parallel_loop3A_450 = arith.addf %parallel_loop3A_444, %parallel_loop3A_449 : vector<16xf32>
        %parallel_loop3A_451 = arith.constant 64 : i32
        %parallel_loop3A_452 = arith.muli %parallel_loop3A_238, %parallel_loop3A_451 : i32
        %parallel_loop3A_453 = arith.constant 1024 : i32
        %parallel_loop3A_454 = arith.addi %parallel_loop3A_453, %parallel_loop3A_452 : i32
        %parallel_loop3A_455 = arith.constant 16 : i32
        %parallel_loop3A_456 = arith.addi %parallel_loop3A_454, %parallel_loop3A_455 : i32
        %parallel_loop3A_457 = vector.broadcast %parallel_loop3A_456 : i32 to vector<16xi32>
        %parallel_loop3A_458 = arith.addi %iota3A, %parallel_loop3A_457 : vector<16xi32>
        tpu.vector_store_idx %arg13[%parallel_loop3A_458], %parallel_loop3A_450 : memref<4096xf32, #tpu.memory_space<vmem>>[vector<16xi32>], vector<16xf32>,
        %parallel_loop3A_459 = arith.constant 66 : i32
        %parallel_loop3A_460 = vector.broadcast %parallel_loop3A_459 : i32 to vector<16xi32>
        %parallel_loop3A_461 = arith.addi %mul3A_35, %parallel_loop3A_460 : vector<16xi32>
        %parallel_loop3A_462 = tpu.vector_load_idx %arg8[%parallel_loop3A_250, %parallel_loop3A_461] : memref<64x256xf32, #tpu.memory_space<vmem>>[vector<16xi32>, vector<16xi32>], vector<16xf32>,
        %parallel_loop3A_463 = arith.mulf %parallel_loop3A_260, %parallel_loop3A_462 : vector<16xf32>
        %parallel_loop3A_464 = arith.constant 1 : i32
        %parallel_loop3A_465 = vector.broadcast %parallel_loop3A_464 : i32 to vector<16xi32>
        %parallel_loop3A_466 = arith.addi %parallel_loop3A_250, %parallel_loop3A_465 : vector<16xi32>
        %parallel_loop3A_467 = tpu.vector_load_idx %arg8[%parallel_loop3A_466, %parallel_loop3A_461] : memref<64x256xf32, #tpu.memory_space<vmem>>[vector<16xi32>, vector<16xi32>], vector<16xf32>,
        %parallel_loop3A_468 = arith.mulf %parallel_loop3A_264, %parallel_loop3A_467 : vector<16xf32>
        %parallel_loop3A_469 = arith.addf %parallel_loop3A_463, %parallel_loop3A_468 : vector<16xf32>
        %parallel_loop3A_470 = arith.constant 2 : i32
        %parallel_loop3A_471 = vector.broadcast %parallel_loop3A_470 : i32 to vector<16xi32>
        %parallel_loop3A_472 = arith.addi %parallel_loop3A_250, %parallel_loop3A_471 : vector<16xi32>
        %parallel_loop3A_473 = tpu.vector_load_idx %arg8[%parallel_loop3A_472, %parallel_loop3A_461] : memref<64x256xf32, #tpu.memory_space<vmem>>[vector<16xi32>, vector<16xi32>], vector<16xf32>,
        %parallel_loop3A_474 = arith.mulf %parallel_loop3A_268, %parallel_loop3A_473 : vector<16xf32>
        %parallel_loop3A_475 = arith.addf %parallel_loop3A_469, %parallel_loop3A_474 : vector<16xf32>
        %parallel_loop3A_476 = arith.constant 3 : i32
        %parallel_loop3A_477 = vector.broadcast %parallel_loop3A_476 : i32 to vector<16xi32>
        %parallel_loop3A_478 = arith.addi %parallel_loop3A_250, %parallel_loop3A_477 : vector<16xi32>
        %parallel_loop3A_479 = tpu.vector_load_idx %arg8[%parallel_loop3A_478, %parallel_loop3A_461] : memref<64x256xf32, #tpu.memory_space<vmem>>[vector<16xi32>, vector<16xi32>], vector<16xf32>,
        %parallel_loop3A_480 = arith.mulf %parallel_loop3A_272, %parallel_loop3A_479 : vector<16xf32>
        %parallel_loop3A_481 = arith.addf %parallel_loop3A_475, %parallel_loop3A_480 : vector<16xf32>
        %parallel_loop3A_482 = arith.constant 64 : i32
        %parallel_loop3A_483 = arith.muli %parallel_loop3A_238, %parallel_loop3A_482 : i32
        %parallel_loop3A_484 = arith.constant 2048 : i32
        %parallel_loop3A_485 = arith.addi %parallel_loop3A_484, %parallel_loop3A_483 : i32
        %parallel_loop3A_486 = arith.constant 16 : i32
        %parallel_loop3A_487 = arith.addi %parallel_loop3A_485, %parallel_loop3A_486 : i32
        %parallel_loop3A_488 = vector.broadcast %parallel_loop3A_487 : i32 to vector<16xi32>
        %parallel_loop3A_489 = arith.addi %iota3A, %parallel_loop3A_488 : vector<16xi32>
        tpu.vector_store_idx %arg13[%parallel_loop3A_489], %parallel_loop3A_481 : memref<4096xf32, #tpu.memory_space<vmem>>[vector<16xi32>], vector<16xf32>,
        %parallel_loop3A_490 = arith.constant 67 : i32
        %parallel_loop3A_491 = vector.broadcast %parallel_loop3A_490 : i32 to vector<16xi32>
        %parallel_loop3A_492 = arith.addi %mul3A_35, %parallel_loop3A_491 : vector<16xi32>
        %parallel_loop3A_493 = tpu.vector_load_idx %arg8[%parallel_loop3A_250, %parallel_loop3A_492] : memref<64x256xf32, #tpu.memory_space<vmem>>[vector<16xi32>, vector<16xi32>], vector<16xf32>,
        %parallel_loop3A_494 = arith.mulf %parallel_loop3A_260, %parallel_loop3A_493 : vector<16xf32>
        %parallel_loop3A_495 = arith.constant 1 : i32
        %parallel_loop3A_496 = vector.broadcast %parallel_loop3A_495 : i32 to vector<16xi32>
        %parallel_loop3A_497 = arith.addi %parallel_loop3A_250, %parallel_loop3A_496 : vector<16xi32>
        %parallel_loop3A_498 = tpu.vector_load_idx %arg8[%parallel_loop3A_497, %parallel_loop3A_492] : memref<64x256xf32, #tpu.memory_space<vmem>>[vector<16xi32>, vector<16xi32>], vector<16xf32>,
        %parallel_loop3A_499 = arith.mulf %parallel_loop3A_264, %parallel_loop3A_498 : vector<16xf32>
        %parallel_loop3A_500 = arith.addf %parallel_loop3A_494, %parallel_loop3A_499 : vector<16xf32>
        %parallel_loop3A_501 = arith.constant 2 : i32
        %parallel_loop3A_502 = vector.broadcast %parallel_loop3A_501 : i32 to vector<16xi32>
        %parallel_loop3A_503 = arith.addi %parallel_loop3A_250, %parallel_loop3A_502 : vector<16xi32>
        %parallel_loop3A_504 = tpu.vector_load_idx %arg8[%parallel_loop3A_503, %parallel_loop3A_492] : memref<64x256xf32, #tpu.memory_space<vmem>>[vector<16xi32>, vector<16xi32>], vector<16xf32>,
        %parallel_loop3A_505 = arith.mulf %parallel_loop3A_268, %parallel_loop3A_504 : vector<16xf32>
        %parallel_loop3A_506 = arith.addf %parallel_loop3A_500, %parallel_loop3A_505 : vector<16xf32>
        %parallel_loop3A_507 = arith.constant 3 : i32
        %parallel_loop3A_508 = vector.broadcast %parallel_loop3A_507 : i32 to vector<16xi32>
        %parallel_loop3A_509 = arith.addi %parallel_loop3A_250, %parallel_loop3A_508 : vector<16xi32>
        %parallel_loop3A_510 = tpu.vector_load_idx %arg8[%parallel_loop3A_509, %parallel_loop3A_492] : memref<64x256xf32, #tpu.memory_space<vmem>>[vector<16xi32>, vector<16xi32>], vector<16xf32>,
        %parallel_loop3A_511 = arith.mulf %parallel_loop3A_272, %parallel_loop3A_510 : vector<16xf32>
        %parallel_loop3A_512 = arith.addf %parallel_loop3A_506, %parallel_loop3A_511 : vector<16xf32>
        %parallel_loop3A_513 = arith.constant 64 : i32
        %parallel_loop3A_514 = arith.muli %parallel_loop3A_238, %parallel_loop3A_513 : i32
        %parallel_loop3A_515 = arith.constant 3072 : i32
        %parallel_loop3A_516 = arith.addi %parallel_loop3A_515, %parallel_loop3A_514 : i32
        %parallel_loop3A_517 = arith.constant 16 : i32
        %parallel_loop3A_518 = arith.addi %parallel_loop3A_516, %parallel_loop3A_517 : i32
        %parallel_loop3A_519 = vector.broadcast %parallel_loop3A_518 : i32 to vector<16xi32>
        %parallel_loop3A_520 = arith.addi %iota3A, %parallel_loop3A_519 : vector<16xi32>
        tpu.vector_store_idx %arg13[%parallel_loop3A_520], %parallel_loop3A_512 : memref<4096xf32, #tpu.memory_space<vmem>>[vector<16xi32>], vector<16xf32>,
        %parallel_loop3A_521 = arith.constant 128 : i32
        %parallel_loop3A_522 = vector.broadcast %parallel_loop3A_521 : i32 to vector<16xi32>
        %parallel_loop3A_523 = arith.addi %mul3A_35, %parallel_loop3A_522 : vector<16xi32>
        %parallel_loop3A_524 = tpu.vector_load_idx %arg8[%parallel_loop3A_250, %parallel_loop3A_523] : memref<64x256xf32, #tpu.memory_space<vmem>>[vector<16xi32>, vector<16xi32>], vector<16xf32>,
        %parallel_loop3A_525 = arith.mulf %parallel_loop3A_260, %parallel_loop3A_524 : vector<16xf32>
        %parallel_loop3A_526 = arith.constant 1 : i32
        %parallel_loop3A_527 = vector.broadcast %parallel_loop3A_526 : i32 to vector<16xi32>
        %parallel_loop3A_528 = arith.addi %parallel_loop3A_250, %parallel_loop3A_527 : vector<16xi32>
        %parallel_loop3A_529 = tpu.vector_load_idx %arg8[%parallel_loop3A_528, %parallel_loop3A_523] : memref<64x256xf32, #tpu.memory_space<vmem>>[vector<16xi32>, vector<16xi32>], vector<16xf32>,
        %parallel_loop3A_530 = arith.mulf %parallel_loop3A_264, %parallel_loop3A_529 : vector<16xf32>
        %parallel_loop3A_531 = arith.addf %parallel_loop3A_525, %parallel_loop3A_530 : vector<16xf32>
        %parallel_loop3A_532 = arith.constant 2 : i32
        %parallel_loop3A_533 = vector.broadcast %parallel_loop3A_532 : i32 to vector<16xi32>
        %parallel_loop3A_534 = arith.addi %parallel_loop3A_250, %parallel_loop3A_533 : vector<16xi32>
        %parallel_loop3A_535 = tpu.vector_load_idx %arg8[%parallel_loop3A_534, %parallel_loop3A_523] : memref<64x256xf32, #tpu.memory_space<vmem>>[vector<16xi32>, vector<16xi32>], vector<16xf32>,
        %parallel_loop3A_536 = arith.mulf %parallel_loop3A_268, %parallel_loop3A_535 : vector<16xf32>
        %parallel_loop3A_537 = arith.addf %parallel_loop3A_531, %parallel_loop3A_536 : vector<16xf32>
        %parallel_loop3A_538 = arith.constant 3 : i32
        %parallel_loop3A_539 = vector.broadcast %parallel_loop3A_538 : i32 to vector<16xi32>
        %parallel_loop3A_540 = arith.addi %parallel_loop3A_250, %parallel_loop3A_539 : vector<16xi32>
        %parallel_loop3A_541 = tpu.vector_load_idx %arg8[%parallel_loop3A_540, %parallel_loop3A_523] : memref<64x256xf32, #tpu.memory_space<vmem>>[vector<16xi32>, vector<16xi32>], vector<16xf32>,
        %parallel_loop3A_542 = arith.mulf %parallel_loop3A_272, %parallel_loop3A_541 : vector<16xf32>
        %parallel_loop3A_543 = arith.addf %parallel_loop3A_537, %parallel_loop3A_542 : vector<16xf32>
        %parallel_loop3A_544 = arith.constant 64 : i32
        %parallel_loop3A_545 = arith.muli %parallel_loop3A_238, %parallel_loop3A_544 : i32
        %parallel_loop3A_546 = arith.constant 0 : i32
        %parallel_loop3A_547 = arith.addi %parallel_loop3A_546, %parallel_loop3A_545 : i32
        %parallel_loop3A_548 = arith.constant 32 : i32
        %parallel_loop3A_549 = arith.addi %parallel_loop3A_547, %parallel_loop3A_548 : i32
        %parallel_loop3A_550 = vector.broadcast %parallel_loop3A_549 : i32 to vector<16xi32>
        %parallel_loop3A_551 = arith.addi %iota3A, %parallel_loop3A_550 : vector<16xi32>
        tpu.vector_store_idx %arg13[%parallel_loop3A_551], %parallel_loop3A_543 : memref<4096xf32, #tpu.memory_space<vmem>>[vector<16xi32>], vector<16xf32>,
        %parallel_loop3A_552 = arith.constant 129 : i32
        %parallel_loop3A_553 = vector.broadcast %parallel_loop3A_552 : i32 to vector<16xi32>
        %parallel_loop3A_554 = arith.addi %mul3A_35, %parallel_loop3A_553 : vector<16xi32>
        %parallel_loop3A_555 = tpu.vector_load_idx %arg8[%parallel_loop3A_250, %parallel_loop3A_554] : memref<64x256xf32, #tpu.memory_space<vmem>>[vector<16xi32>, vector<16xi32>], vector<16xf32>,
        %parallel_loop3A_556 = arith.mulf %parallel_loop3A_260, %parallel_loop3A_555 : vector<16xf32>
        %parallel_loop3A_557 = arith.constant 1 : i32
        %parallel_loop3A_558 = vector.broadcast %parallel_loop3A_557 : i32 to vector<16xi32>
        %parallel_loop3A_559 = arith.addi %parallel_loop3A_250, %parallel_loop3A_558 : vector<16xi32>
        %parallel_loop3A_560 = tpu.vector_load_idx %arg8[%parallel_loop3A_559, %parallel_loop3A_554] : memref<64x256xf32, #tpu.memory_space<vmem>>[vector<16xi32>, vector<16xi32>], vector<16xf32>,
        %parallel_loop3A_561 = arith.mulf %parallel_loop3A_264, %parallel_loop3A_560 : vector<16xf32>
        %parallel_loop3A_562 = arith.addf %parallel_loop3A_556, %parallel_loop3A_561 : vector<16xf32>
        %parallel_loop3A_563 = arith.constant 2 : i32
        %parallel_loop3A_564 = vector.broadcast %parallel_loop3A_563 : i32 to vector<16xi32>
        %parallel_loop3A_565 = arith.addi %parallel_loop3A_250, %parallel_loop3A_564 : vector<16xi32>
        %parallel_loop3A_566 = tpu.vector_load_idx %arg8[%parallel_loop3A_565, %parallel_loop3A_554] : memref<64x256xf32, #tpu.memory_space<vmem>>[vector<16xi32>, vector<16xi32>], vector<16xf32>,
        %parallel_loop3A_567 = arith.mulf %parallel_loop3A_268, %parallel_loop3A_566 : vector<16xf32>
        %parallel_loop3A_568 = arith.addf %parallel_loop3A_562, %parallel_loop3A_567 : vector<16xf32>
        %parallel_loop3A_569 = arith.constant 3 : i32
        %parallel_loop3A_570 = vector.broadcast %parallel_loop3A_569 : i32 to vector<16xi32>
        %parallel_loop3A_571 = arith.addi %parallel_loop3A_250, %parallel_loop3A_570 : vector<16xi32>
        %parallel_loop3A_572 = tpu.vector_load_idx %arg8[%parallel_loop3A_571, %parallel_loop3A_554] : memref<64x256xf32, #tpu.memory_space<vmem>>[vector<16xi32>, vector<16xi32>], vector<16xf32>,
        %parallel_loop3A_573 = arith.mulf %parallel_loop3A_272, %parallel_loop3A_572 : vector<16xf32>
        %parallel_loop3A_574 = arith.addf %parallel_loop3A_568, %parallel_loop3A_573 : vector<16xf32>
        %parallel_loop3A_575 = arith.constant 64 : i32
        %parallel_loop3A_576 = arith.muli %parallel_loop3A_238, %parallel_loop3A_575 : i32
        %parallel_loop3A_577 = arith.constant 1024 : i32
        %parallel_loop3A_578 = arith.addi %parallel_loop3A_577, %parallel_loop3A_576 : i32
        %parallel_loop3A_579 = arith.constant 32 : i32
        %parallel_loop3A_580 = arith.addi %parallel_loop3A_578, %parallel_loop3A_579 : i32
        %parallel_loop3A_581 = vector.broadcast %parallel_loop3A_580 : i32 to vector<16xi32>
        %parallel_loop3A_582 = arith.addi %iota3A, %parallel_loop3A_581 : vector<16xi32>
        tpu.vector_store_idx %arg13[%parallel_loop3A_582], %parallel_loop3A_574 : memref<4096xf32, #tpu.memory_space<vmem>>[vector<16xi32>], vector<16xf32>,
        %parallel_loop3A_583 = arith.constant 130 : i32
        %parallel_loop3A_584 = vector.broadcast %parallel_loop3A_583 : i32 to vector<16xi32>
        %parallel_loop3A_585 = arith.addi %mul3A_35, %parallel_loop3A_584 : vector<16xi32>
        %parallel_loop3A_586 = tpu.vector_load_idx %arg8[%parallel_loop3A_250, %parallel_loop3A_585] : memref<64x256xf32, #tpu.memory_space<vmem>>[vector<16xi32>, vector<16xi32>], vector<16xf32>,
        %parallel_loop3A_587 = arith.mulf %parallel_loop3A_260, %parallel_loop3A_586 : vector<16xf32>
        %parallel_loop3A_588 = arith.constant 1 : i32
        %parallel_loop3A_589 = vector.broadcast %parallel_loop3A_588 : i32 to vector<16xi32>
        %parallel_loop3A_590 = arith.addi %parallel_loop3A_250, %parallel_loop3A_589 : vector<16xi32>
        %parallel_loop3A_591 = tpu.vector_load_idx %arg8[%parallel_loop3A_590, %parallel_loop3A_585] : memref<64x256xf32, #tpu.memory_space<vmem>>[vector<16xi32>, vector<16xi32>], vector<16xf32>,
        %parallel_loop3A_592 = arith.mulf %parallel_loop3A_264, %parallel_loop3A_591 : vector<16xf32>
        %parallel_loop3A_593 = arith.addf %parallel_loop3A_587, %parallel_loop3A_592 : vector<16xf32>
        %parallel_loop3A_594 = arith.constant 2 : i32
        %parallel_loop3A_595 = vector.broadcast %parallel_loop3A_594 : i32 to vector<16xi32>
        %parallel_loop3A_596 = arith.addi %parallel_loop3A_250, %parallel_loop3A_595 : vector<16xi32>
        %parallel_loop3A_597 = tpu.vector_load_idx %arg8[%parallel_loop3A_596, %parallel_loop3A_585] : memref<64x256xf32, #tpu.memory_space<vmem>>[vector<16xi32>, vector<16xi32>], vector<16xf32>,
        %parallel_loop3A_598 = arith.mulf %parallel_loop3A_268, %parallel_loop3A_597 : vector<16xf32>
        %parallel_loop3A_599 = arith.addf %parallel_loop3A_593, %parallel_loop3A_598 : vector<16xf32>
        %parallel_loop3A_600 = arith.constant 3 : i32
        %parallel_loop3A_601 = vector.broadcast %parallel_loop3A_600 : i32 to vector<16xi32>
        %parallel_loop3A_602 = arith.addi %parallel_loop3A_250, %parallel_loop3A_601 : vector<16xi32>
        %parallel_loop3A_603 = tpu.vector_load_idx %arg8[%parallel_loop3A_602, %parallel_loop3A_585] : memref<64x256xf32, #tpu.memory_space<vmem>>[vector<16xi32>, vector<16xi32>], vector<16xf32>,
        %parallel_loop3A_604 = arith.mulf %parallel_loop3A_272, %parallel_loop3A_603 : vector<16xf32>
        %parallel_loop3A_605 = arith.addf %parallel_loop3A_599, %parallel_loop3A_604 : vector<16xf32>
        %parallel_loop3A_606 = arith.constant 64 : i32
        %parallel_loop3A_607 = arith.muli %parallel_loop3A_238, %parallel_loop3A_606 : i32
        %parallel_loop3A_608 = arith.constant 2048 : i32
        %parallel_loop3A_609 = arith.addi %parallel_loop3A_608, %parallel_loop3A_607 : i32
        %parallel_loop3A_610 = arith.constant 32 : i32
        %parallel_loop3A_611 = arith.addi %parallel_loop3A_609, %parallel_loop3A_610 : i32
        %parallel_loop3A_612 = vector.broadcast %parallel_loop3A_611 : i32 to vector<16xi32>
        %parallel_loop3A_613 = arith.addi %iota3A, %parallel_loop3A_612 : vector<16xi32>
        tpu.vector_store_idx %arg13[%parallel_loop3A_613], %parallel_loop3A_605 : memref<4096xf32, #tpu.memory_space<vmem>>[vector<16xi32>], vector<16xf32>,
        %parallel_loop3A_614 = arith.constant 131 : i32
        %parallel_loop3A_615 = vector.broadcast %parallel_loop3A_614 : i32 to vector<16xi32>
        %parallel_loop3A_616 = arith.addi %mul3A_35, %parallel_loop3A_615 : vector<16xi32>
        %parallel_loop3A_617 = tpu.vector_load_idx %arg8[%parallel_loop3A_250, %parallel_loop3A_616] : memref<64x256xf32, #tpu.memory_space<vmem>>[vector<16xi32>, vector<16xi32>], vector<16xf32>,
        %parallel_loop3A_618 = arith.mulf %parallel_loop3A_260, %parallel_loop3A_617 : vector<16xf32>
        %parallel_loop3A_619 = arith.constant 1 : i32
        %parallel_loop3A_620 = vector.broadcast %parallel_loop3A_619 : i32 to vector<16xi32>
        %parallel_loop3A_621 = arith.addi %parallel_loop3A_250, %parallel_loop3A_620 : vector<16xi32>
        %parallel_loop3A_622 = tpu.vector_load_idx %arg8[%parallel_loop3A_621, %parallel_loop3A_616] : memref<64x256xf32, #tpu.memory_space<vmem>>[vector<16xi32>, vector<16xi32>], vector<16xf32>,
        %parallel_loop3A_623 = arith.mulf %parallel_loop3A_264, %parallel_loop3A_622 : vector<16xf32>
        %parallel_loop3A_624 = arith.addf %parallel_loop3A_618, %parallel_loop3A_623 : vector<16xf32>
        %parallel_loop3A_625 = arith.constant 2 : i32
        %parallel_loop3A_626 = vector.broadcast %parallel_loop3A_625 : i32 to vector<16xi32>
        %parallel_loop3A_627 = arith.addi %parallel_loop3A_250, %parallel_loop3A_626 : vector<16xi32>
        %parallel_loop3A_628 = tpu.vector_load_idx %arg8[%parallel_loop3A_627, %parallel_loop3A_616] : memref<64x256xf32, #tpu.memory_space<vmem>>[vector<16xi32>, vector<16xi32>], vector<16xf32>,
        %parallel_loop3A_629 = arith.mulf %parallel_loop3A_268, %parallel_loop3A_628 : vector<16xf32>
        %parallel_loop3A_630 = arith.addf %parallel_loop3A_624, %parallel_loop3A_629 : vector<16xf32>
        %parallel_loop3A_631 = arith.constant 3 : i32
        %parallel_loop3A_632 = vector.broadcast %parallel_loop3A_631 : i32 to vector<16xi32>
        %parallel_loop3A_633 = arith.addi %parallel_loop3A_250, %parallel_loop3A_632 : vector<16xi32>
        %parallel_loop3A_634 = tpu.vector_load_idx %arg8[%parallel_loop3A_633, %parallel_loop3A_616] : memref<64x256xf32, #tpu.memory_space<vmem>>[vector<16xi32>, vector<16xi32>], vector<16xf32>,
        %parallel_loop3A_635 = arith.mulf %parallel_loop3A_272, %parallel_loop3A_634 : vector<16xf32>
        %parallel_loop3A_636 = arith.addf %parallel_loop3A_630, %parallel_loop3A_635 : vector<16xf32>
        %parallel_loop3A_637 = arith.constant 64 : i32
        %parallel_loop3A_638 = arith.muli %parallel_loop3A_238, %parallel_loop3A_637 : i32
        %parallel_loop3A_639 = arith.constant 3072 : i32
        %parallel_loop3A_640 = arith.addi %parallel_loop3A_639, %parallel_loop3A_638 : i32
        %parallel_loop3A_641 = arith.constant 32 : i32
        %parallel_loop3A_642 = arith.addi %parallel_loop3A_640, %parallel_loop3A_641 : i32
        %parallel_loop3A_643 = vector.broadcast %parallel_loop3A_642 : i32 to vector<16xi32>
        %parallel_loop3A_644 = arith.addi %iota3A, %parallel_loop3A_643 : vector<16xi32>
        tpu.vector_store_idx %arg13[%parallel_loop3A_644], %parallel_loop3A_636 : memref<4096xf32, #tpu.memory_space<vmem>>[vector<16xi32>], vector<16xf32>,
        %parallel_loop3A_645 = arith.constant 192 : i32
        %parallel_loop3A_646 = vector.broadcast %parallel_loop3A_645 : i32 to vector<16xi32>
        %parallel_loop3A_647 = arith.addi %mul3A_35, %parallel_loop3A_646 : vector<16xi32>
        %parallel_loop3A_648 = tpu.vector_load_idx %arg8[%parallel_loop3A_250, %parallel_loop3A_647] : memref<64x256xf32, #tpu.memory_space<vmem>>[vector<16xi32>, vector<16xi32>], vector<16xf32>,
        %parallel_loop3A_649 = arith.mulf %parallel_loop3A_260, %parallel_loop3A_648 : vector<16xf32>
        %parallel_loop3A_650 = arith.constant 1 : i32
        %parallel_loop3A_651 = vector.broadcast %parallel_loop3A_650 : i32 to vector<16xi32>
        %parallel_loop3A_652 = arith.addi %parallel_loop3A_250, %parallel_loop3A_651 : vector<16xi32>
        %parallel_loop3A_653 = tpu.vector_load_idx %arg8[%parallel_loop3A_652, %parallel_loop3A_647] : memref<64x256xf32, #tpu.memory_space<vmem>>[vector<16xi32>, vector<16xi32>], vector<16xf32>,
        %parallel_loop3A_654 = arith.mulf %parallel_loop3A_264, %parallel_loop3A_653 : vector<16xf32>
        %parallel_loop3A_655 = arith.addf %parallel_loop3A_649, %parallel_loop3A_654 : vector<16xf32>
        %parallel_loop3A_656 = arith.constant 2 : i32
        %parallel_loop3A_657 = vector.broadcast %parallel_loop3A_656 : i32 to vector<16xi32>
        %parallel_loop3A_658 = arith.addi %parallel_loop3A_250, %parallel_loop3A_657 : vector<16xi32>
        %parallel_loop3A_659 = tpu.vector_load_idx %arg8[%parallel_loop3A_658, %parallel_loop3A_647] : memref<64x256xf32, #tpu.memory_space<vmem>>[vector<16xi32>, vector<16xi32>], vector<16xf32>,
        %parallel_loop3A_660 = arith.mulf %parallel_loop3A_268, %parallel_loop3A_659 : vector<16xf32>
        %parallel_loop3A_661 = arith.addf %parallel_loop3A_655, %parallel_loop3A_660 : vector<16xf32>
        %parallel_loop3A_662 = arith.constant 3 : i32
        %parallel_loop3A_663 = vector.broadcast %parallel_loop3A_662 : i32 to vector<16xi32>
        %parallel_loop3A_664 = arith.addi %parallel_loop3A_250, %parallel_loop3A_663 : vector<16xi32>
        %parallel_loop3A_665 = tpu.vector_load_idx %arg8[%parallel_loop3A_664, %parallel_loop3A_647] : memref<64x256xf32, #tpu.memory_space<vmem>>[vector<16xi32>, vector<16xi32>], vector<16xf32>,
        %parallel_loop3A_666 = arith.mulf %parallel_loop3A_272, %parallel_loop3A_665 : vector<16xf32>
        %parallel_loop3A_667 = arith.addf %parallel_loop3A_661, %parallel_loop3A_666 : vector<16xf32>
        %parallel_loop3A_668 = arith.constant 64 : i32
        %parallel_loop3A_669 = arith.muli %parallel_loop3A_238, %parallel_loop3A_668 : i32
        %parallel_loop3A_670 = arith.constant 0 : i32
        %parallel_loop3A_671 = arith.addi %parallel_loop3A_670, %parallel_loop3A_669 : i32
        %parallel_loop3A_672 = arith.constant 48 : i32
        %parallel_loop3A_673 = arith.addi %parallel_loop3A_671, %parallel_loop3A_672 : i32
        %parallel_loop3A_674 = vector.broadcast %parallel_loop3A_673 : i32 to vector<16xi32>
        %parallel_loop3A_675 = arith.addi %iota3A, %parallel_loop3A_674 : vector<16xi32>
        tpu.vector_store_idx %arg13[%parallel_loop3A_675], %parallel_loop3A_667 : memref<4096xf32, #tpu.memory_space<vmem>>[vector<16xi32>], vector<16xf32>,
        %parallel_loop3A_676 = arith.constant 193 : i32
        %parallel_loop3A_677 = vector.broadcast %parallel_loop3A_676 : i32 to vector<16xi32>
        %parallel_loop3A_678 = arith.addi %mul3A_35, %parallel_loop3A_677 : vector<16xi32>
        %parallel_loop3A_679 = tpu.vector_load_idx %arg8[%parallel_loop3A_250, %parallel_loop3A_678] : memref<64x256xf32, #tpu.memory_space<vmem>>[vector<16xi32>, vector<16xi32>], vector<16xf32>,
        %parallel_loop3A_680 = arith.mulf %parallel_loop3A_260, %parallel_loop3A_679 : vector<16xf32>
        %parallel_loop3A_681 = arith.constant 1 : i32
        %parallel_loop3A_682 = vector.broadcast %parallel_loop3A_681 : i32 to vector<16xi32>
        %parallel_loop3A_683 = arith.addi %parallel_loop3A_250, %parallel_loop3A_682 : vector<16xi32>
        %parallel_loop3A_684 = tpu.vector_load_idx %arg8[%parallel_loop3A_683, %parallel_loop3A_678] : memref<64x256xf32, #tpu.memory_space<vmem>>[vector<16xi32>, vector<16xi32>], vector<16xf32>,
        %parallel_loop3A_685 = arith.mulf %parallel_loop3A_264, %parallel_loop3A_684 : vector<16xf32>
        %parallel_loop3A_686 = arith.addf %parallel_loop3A_680, %parallel_loop3A_685 : vector<16xf32>
        %parallel_loop3A_687 = arith.constant 2 : i32
        %parallel_loop3A_688 = vector.broadcast %parallel_loop3A_687 : i32 to vector<16xi32>
        %parallel_loop3A_689 = arith.addi %parallel_loop3A_250, %parallel_loop3A_688 : vector<16xi32>
        %parallel_loop3A_690 = tpu.vector_load_idx %arg8[%parallel_loop3A_689, %parallel_loop3A_678] : memref<64x256xf32, #tpu.memory_space<vmem>>[vector<16xi32>, vector<16xi32>], vector<16xf32>,
        %parallel_loop3A_691 = arith.mulf %parallel_loop3A_268, %parallel_loop3A_690 : vector<16xf32>
        %parallel_loop3A_692 = arith.addf %parallel_loop3A_686, %parallel_loop3A_691 : vector<16xf32>
        %parallel_loop3A_693 = arith.constant 3 : i32
        %parallel_loop3A_694 = vector.broadcast %parallel_loop3A_693 : i32 to vector<16xi32>
        %parallel_loop3A_695 = arith.addi %parallel_loop3A_250, %parallel_loop3A_694 : vector<16xi32>
        %parallel_loop3A_696 = tpu.vector_load_idx %arg8[%parallel_loop3A_695, %parallel_loop3A_678] : memref<64x256xf32, #tpu.memory_space<vmem>>[vector<16xi32>, vector<16xi32>], vector<16xf32>,
        %parallel_loop3A_697 = arith.mulf %parallel_loop3A_272, %parallel_loop3A_696 : vector<16xf32>
        %parallel_loop3A_698 = arith.addf %parallel_loop3A_692, %parallel_loop3A_697 : vector<16xf32>
        %parallel_loop3A_699 = arith.constant 64 : i32
        %parallel_loop3A_700 = arith.muli %parallel_loop3A_238, %parallel_loop3A_699 : i32
        %parallel_loop3A_701 = arith.constant 1024 : i32
        %parallel_loop3A_702 = arith.addi %parallel_loop3A_701, %parallel_loop3A_700 : i32
        %parallel_loop3A_703 = arith.constant 48 : i32
        %parallel_loop3A_704 = arith.addi %parallel_loop3A_702, %parallel_loop3A_703 : i32
        %parallel_loop3A_705 = vector.broadcast %parallel_loop3A_704 : i32 to vector<16xi32>
        %parallel_loop3A_706 = arith.addi %iota3A, %parallel_loop3A_705 : vector<16xi32>
        tpu.vector_store_idx %arg13[%parallel_loop3A_706], %parallel_loop3A_698 : memref<4096xf32, #tpu.memory_space<vmem>>[vector<16xi32>], vector<16xf32>,
        %parallel_loop3A_707 = arith.constant 194 : i32
        %parallel_loop3A_708 = vector.broadcast %parallel_loop3A_707 : i32 to vector<16xi32>
        %parallel_loop3A_709 = arith.addi %mul3A_35, %parallel_loop3A_708 : vector<16xi32>
        %parallel_loop3A_710 = tpu.vector_load_idx %arg8[%parallel_loop3A_250, %parallel_loop3A_709] : memref<64x256xf32, #tpu.memory_space<vmem>>[vector<16xi32>, vector<16xi32>], vector<16xf32>,
        %parallel_loop3A_711 = arith.mulf %parallel_loop3A_260, %parallel_loop3A_710 : vector<16xf32>
        %parallel_loop3A_712 = arith.constant 1 : i32
        %parallel_loop3A_713 = vector.broadcast %parallel_loop3A_712 : i32 to vector<16xi32>
        %parallel_loop3A_714 = arith.addi %parallel_loop3A_250, %parallel_loop3A_713 : vector<16xi32>
        %parallel_loop3A_715 = tpu.vector_load_idx %arg8[%parallel_loop3A_714, %parallel_loop3A_709] : memref<64x256xf32, #tpu.memory_space<vmem>>[vector<16xi32>, vector<16xi32>], vector<16xf32>,
        %parallel_loop3A_716 = arith.mulf %parallel_loop3A_264, %parallel_loop3A_715 : vector<16xf32>
        %parallel_loop3A_717 = arith.addf %parallel_loop3A_711, %parallel_loop3A_716 : vector<16xf32>
        %parallel_loop3A_718 = arith.constant 2 : i32
        %parallel_loop3A_719 = vector.broadcast %parallel_loop3A_718 : i32 to vector<16xi32>
        %parallel_loop3A_720 = arith.addi %parallel_loop3A_250, %parallel_loop3A_719 : vector<16xi32>
        %parallel_loop3A_721 = tpu.vector_load_idx %arg8[%parallel_loop3A_720, %parallel_loop3A_709] : memref<64x256xf32, #tpu.memory_space<vmem>>[vector<16xi32>, vector<16xi32>], vector<16xf32>,
        %parallel_loop3A_722 = arith.mulf %parallel_loop3A_268, %parallel_loop3A_721 : vector<16xf32>
        %parallel_loop3A_723 = arith.addf %parallel_loop3A_717, %parallel_loop3A_722 : vector<16xf32>
        %parallel_loop3A_724 = arith.constant 3 : i32
        %parallel_loop3A_725 = vector.broadcast %parallel_loop3A_724 : i32 to vector<16xi32>
        %parallel_loop3A_726 = arith.addi %parallel_loop3A_250, %parallel_loop3A_725 : vector<16xi32>
        %parallel_loop3A_727 = tpu.vector_load_idx %arg8[%parallel_loop3A_726, %parallel_loop3A_709] : memref<64x256xf32, #tpu.memory_space<vmem>>[vector<16xi32>, vector<16xi32>], vector<16xf32>,
        %parallel_loop3A_728 = arith.mulf %parallel_loop3A_272, %parallel_loop3A_727 : vector<16xf32>
        %parallel_loop3A_729 = arith.addf %parallel_loop3A_723, %parallel_loop3A_728 : vector<16xf32>
        %parallel_loop3A_730 = arith.constant 64 : i32
        %parallel_loop3A_731 = arith.muli %parallel_loop3A_238, %parallel_loop3A_730 : i32
        %parallel_loop3A_732 = arith.constant 2048 : i32
        %parallel_loop3A_733 = arith.addi %parallel_loop3A_732, %parallel_loop3A_731 : i32
        %parallel_loop3A_734 = arith.constant 48 : i32
        %parallel_loop3A_735 = arith.addi %parallel_loop3A_733, %parallel_loop3A_734 : i32
        %parallel_loop3A_736 = vector.broadcast %parallel_loop3A_735 : i32 to vector<16xi32>
        %parallel_loop3A_737 = arith.addi %iota3A, %parallel_loop3A_736 : vector<16xi32>
        tpu.vector_store_idx %arg13[%parallel_loop3A_737], %parallel_loop3A_729 : memref<4096xf32, #tpu.memory_space<vmem>>[vector<16xi32>], vector<16xf32>,
        %parallel_loop3A_738 = arith.constant 195 : i32
        %parallel_loop3A_739 = vector.broadcast %parallel_loop3A_738 : i32 to vector<16xi32>
        %parallel_loop3A_740 = arith.addi %mul3A_35, %parallel_loop3A_739 : vector<16xi32>
        %parallel_loop3A_741 = tpu.vector_load_idx %arg8[%parallel_loop3A_250, %parallel_loop3A_740] : memref<64x256xf32, #tpu.memory_space<vmem>>[vector<16xi32>, vector<16xi32>], vector<16xf32>,
        %parallel_loop3A_742 = arith.mulf %parallel_loop3A_260, %parallel_loop3A_741 : vector<16xf32>
        %parallel_loop3A_743 = arith.constant 1 : i32
        %parallel_loop3A_744 = vector.broadcast %parallel_loop3A_743 : i32 to vector<16xi32>
        %parallel_loop3A_745 = arith.addi %parallel_loop3A_250, %parallel_loop3A_744 : vector<16xi32>
        %parallel_loop3A_746 = tpu.vector_load_idx %arg8[%parallel_loop3A_745, %parallel_loop3A_740] : memref<64x256xf32, #tpu.memory_space<vmem>>[vector<16xi32>, vector<16xi32>], vector<16xf32>,
        %parallel_loop3A_747 = arith.mulf %parallel_loop3A_264, %parallel_loop3A_746 : vector<16xf32>
        %parallel_loop3A_748 = arith.addf %parallel_loop3A_742, %parallel_loop3A_747 : vector<16xf32>
        %parallel_loop3A_749 = arith.constant 2 : i32
        %parallel_loop3A_750 = vector.broadcast %parallel_loop3A_749 : i32 to vector<16xi32>
        %parallel_loop3A_751 = arith.addi %parallel_loop3A_250, %parallel_loop3A_750 : vector<16xi32>
        %parallel_loop3A_752 = tpu.vector_load_idx %arg8[%parallel_loop3A_751, %parallel_loop3A_740] : memref<64x256xf32, #tpu.memory_space<vmem>>[vector<16xi32>, vector<16xi32>], vector<16xf32>,
        %parallel_loop3A_753 = arith.mulf %parallel_loop3A_268, %parallel_loop3A_752 : vector<16xf32>
        %parallel_loop3A_754 = arith.addf %parallel_loop3A_748, %parallel_loop3A_753 : vector<16xf32>
        %parallel_loop3A_755 = arith.constant 3 : i32
        %parallel_loop3A_756 = vector.broadcast %parallel_loop3A_755 : i32 to vector<16xi32>
        %parallel_loop3A_757 = arith.addi %parallel_loop3A_250, %parallel_loop3A_756 : vector<16xi32>
        %parallel_loop3A_758 = tpu.vector_load_idx %arg8[%parallel_loop3A_757, %parallel_loop3A_740] : memref<64x256xf32, #tpu.memory_space<vmem>>[vector<16xi32>, vector<16xi32>], vector<16xf32>,
        %parallel_loop3A_759 = arith.mulf %parallel_loop3A_272, %parallel_loop3A_758 : vector<16xf32>
        %parallel_loop3A_760 = arith.addf %parallel_loop3A_754, %parallel_loop3A_759 : vector<16xf32>
        %parallel_loop3A_761 = arith.constant 64 : i32
        %parallel_loop3A_762 = arith.muli %parallel_loop3A_238, %parallel_loop3A_761 : i32
        %parallel_loop3A_763 = arith.constant 3072 : i32
        %parallel_loop3A_764 = arith.addi %parallel_loop3A_763, %parallel_loop3A_762 : i32
        %parallel_loop3A_765 = arith.constant 48 : i32
        %parallel_loop3A_766 = arith.addi %parallel_loop3A_764, %parallel_loop3A_765 : i32
        %parallel_loop3A_767 = vector.broadcast %parallel_loop3A_766 : i32 to vector<16xi32>
        %parallel_loop3A_768 = arith.addi %iota3A, %parallel_loop3A_767 : vector<16xi32>
        tpu.vector_store_idx %arg13[%parallel_loop3A_768], %parallel_loop3A_760 : memref<4096xf32, #tpu.memory_space<vmem>>[vector<16xi32>], vector<16xf32>,
      } {sc.loop_unroll_factor = 4 : i64, sc.parallel_access}
      %scan3A_138 = arith.constant 0 : i32
      %scan3A_139 = arith.constant 16 : i32
      %scan3A_140 = arith.addi %scan3A_138, %scan3A_139 : i32
      %scan3A_141 = arith.constant 1 : i32
      scf.for %scan3A_238 = %scan3A_138 to %scan3A_140 step %scan3A_141  : i32 {
        %mul3A_239 = arith.constant 1 : i32
        %mul3A_240 = arith.muli %scan3A_238, %mul3A_239 : i32
        %add3A_241 = arith.constant 0 : i32
        %add3A_242 = arith.addi %add3A_241, %mul3A_240 : i32
        %mul3A_243 = arith.constant 16 : i32
        %mul3A_244 = arith.muli %add3A_242, %mul3A_243 : i32
        %add3A_245 = vector.broadcast %mul3A_244 : i32 to vector<16xi32>
        %add3A_246 = arith.addi %iota3A, %add3A_245 : vector<16xi32>
        %gather3A = tpu.vector_load_idx %arg12[%add3A_246] : memref<256xi32, #tpu.memory_space<vmem>>[vector<16xi32>], vector<16xi32>,
        %sub3A_247 = arith.constant 3 : i32
        %sub3A_248 = vector.broadcast %sub3A_247 : i32 to vector<16xi32>
        %sub3A_249 = arith.subi %gather3A, %sub3A_248 : vector<16xi32>
        %mul3A_250 = arith.constant 4 : i32
        %mul3A_251 = vector.broadcast %mul3A_250 : i32 to vector<16xi32>
        %mul3A_252 = arith.muli %add3A_246, %mul3A_251 : vector<16xi32>
        %add3A_253 = arith.constant 0 : i32
        %add3A_254 = vector.broadcast %add3A_253 : i32 to vector<16xi32>
        %add3A_255 = arith.addi %sub3A_249, %add3A_254 : vector<16xi32>
        %add3A_256 = arith.constant 1 : i32
        %add3A_257 = vector.broadcast %add3A_256 : i32 to vector<16xi32>
        %add3A_258 = arith.addi %sub3A_249, %add3A_257 : vector<16xi32>
        %add3A_259 = arith.constant 2 : i32
        %add3A_260 = vector.broadcast %add3A_259 : i32 to vector<16xi32>
        %add3A_261 = arith.addi %sub3A_249, %add3A_260 : vector<16xi32>
        %add3A_262 = arith.constant 3 : i32
        %add3A_263 = vector.broadcast %add3A_262 : i32 to vector<16xi32>
        %add3A_264 = arith.addi %sub3A_249, %add3A_263 : vector<16xi32>
        %add3A_265 = arith.constant 0 : i32
        %add3A_266 = vector.broadcast %add3A_265 : i32 to vector<16xi32>
        %add3A_267 = arith.addi %mul3A_252, %add3A_266 : vector<16xi32>
        %gather3A_268 = tpu.vector_load_idx %arg10[%add3A_267] : memref<1024xf32, #tpu.memory_space<vmem>>[vector<16xi32>], vector<16xf32>,
        %add3A_269 = arith.constant 1 : i32
        %add3A_270 = vector.broadcast %add3A_269 : i32 to vector<16xi32>
        %add3A_271 = arith.addi %mul3A_252, %add3A_270 : vector<16xi32>
        %gather3A_272 = tpu.vector_load_idx %arg10[%add3A_271] : memref<1024xf32, #tpu.memory_space<vmem>>[vector<16xi32>], vector<16xf32>,
        %add3A_273 = arith.constant 2 : i32
        %add3A_274 = vector.broadcast %add3A_273 : i32 to vector<16xi32>
        %add3A_275 = arith.addi %mul3A_252, %add3A_274 : vector<16xi32>
        %gather3A_276 = tpu.vector_load_idx %arg10[%add3A_275] : memref<1024xf32, #tpu.memory_space<vmem>>[vector<16xi32>], vector<16xf32>,
        %add3A_277 = arith.constant 3 : i32
        %add3A_278 = vector.broadcast %add3A_277 : i32 to vector<16xi32>
        %add3A_279 = arith.addi %mul3A_252, %add3A_278 : vector<16xi32>
        %gather3A_280 = tpu.vector_load_idx %arg10[%add3A_279] : memref<1024xf32, #tpu.memory_space<vmem>>[vector<16xi32>], vector<16xf32>,
        %parallel_loop3A_281 = arith.constant 0 : i32
        %parallel_loop3A_282 = arith.constant 16 : i32
        %parallel_loop3A_283 = arith.constant 1 : i32
        scf.for %parallel_loop3A_284 = %parallel_loop3A_281 to %parallel_loop3A_282 step %parallel_loop3A_283  : i32 {
          %parallel_loop3A_285 = arith.constant 64 : i32
          %parallel_loop3A_286 = arith.muli %parallel_loop3A_284, %parallel_loop3A_285 : i32
          %parallel_loop3A_287 = arith.constant 0 : i32
          %parallel_loop3A_288 = arith.addi %parallel_loop3A_287, %parallel_loop3A_286 : i32
          %parallel_loop3A_289 = vector.broadcast %parallel_loop3A_288 : i32 to vector<16xi32>
          %parallel_loop3A_290 = arith.addi %add3A_255, %parallel_loop3A_289 : vector<16xi32>
          %parallel_loop3A_291 = tpu.vector_load_idx %arg13[%parallel_loop3A_290] : memref<4096xf32, #tpu.memory_space<vmem>>[vector<16xi32>], vector<16xf32>,
          %parallel_loop3A_292 = arith.mulf %gather3A_268, %parallel_loop3A_291 : vector<16xf32>
          %parallel_loop3A_293 = vector.broadcast %parallel_loop3A_288 : i32 to vector<16xi32>
          %parallel_loop3A_294 = arith.addi %add3A_258, %parallel_loop3A_293 : vector<16xi32>
          %parallel_loop3A_295 = tpu.vector_load_idx %arg13[%parallel_loop3A_294] : memref<4096xf32, #tpu.memory_space<vmem>>[vector<16xi32>], vector<16xf32>,
          %parallel_loop3A_296 = arith.mulf %gather3A_272, %parallel_loop3A_295 : vector<16xf32>
          %parallel_loop3A_297 = arith.addf %parallel_loop3A_292, %parallel_loop3A_296 : vector<16xf32>
          %parallel_loop3A_298 = vector.broadcast %parallel_loop3A_288 : i32 to vector<16xi32>
          %parallel_loop3A_299 = arith.addi %add3A_261, %parallel_loop3A_298 : vector<16xi32>
          %parallel_loop3A_300 = tpu.vector_load_idx %arg13[%parallel_loop3A_299] : memref<4096xf32, #tpu.memory_space<vmem>>[vector<16xi32>], vector<16xf32>,
          %parallel_loop3A_301 = arith.mulf %gather3A_276, %parallel_loop3A_300 : vector<16xf32>
          %parallel_loop3A_302 = arith.addf %parallel_loop3A_297, %parallel_loop3A_301 : vector<16xf32>
          %parallel_loop3A_303 = vector.broadcast %parallel_loop3A_288 : i32 to vector<16xi32>
          %parallel_loop3A_304 = arith.addi %add3A_264, %parallel_loop3A_303 : vector<16xi32>
          %parallel_loop3A_305 = tpu.vector_load_idx %arg13[%parallel_loop3A_304] : memref<4096xf32, #tpu.memory_space<vmem>>[vector<16xi32>], vector<16xf32>,
          %parallel_loop3A_306 = arith.mulf %gather3A_280, %parallel_loop3A_305 : vector<16xf32>
          %parallel_loop3A_307 = arith.addf %parallel_loop3A_302, %parallel_loop3A_306 : vector<16xf32>
          %parallel_loop3A_308 = arith.constant 1024 : i32
          %parallel_loop3A_309 = arith.addi %parallel_loop3A_308, %parallel_loop3A_286 : i32
          %parallel_loop3A_310 = vector.broadcast %parallel_loop3A_309 : i32 to vector<16xi32>
          %parallel_loop3A_311 = arith.addi %add3A_255, %parallel_loop3A_310 : vector<16xi32>
          %parallel_loop3A_312 = tpu.vector_load_idx %arg13[%parallel_loop3A_311] : memref<4096xf32, #tpu.memory_space<vmem>>[vector<16xi32>], vector<16xf32>,
          %parallel_loop3A_313 = arith.mulf %gather3A_268, %parallel_loop3A_312 : vector<16xf32>
          %parallel_loop3A_314 = vector.broadcast %parallel_loop3A_309 : i32 to vector<16xi32>
          %parallel_loop3A_315 = arith.addi %add3A_258, %parallel_loop3A_314 : vector<16xi32>
          %parallel_loop3A_316 = tpu.vector_load_idx %arg13[%parallel_loop3A_315] : memref<4096xf32, #tpu.memory_space<vmem>>[vector<16xi32>], vector<16xf32>,
          %parallel_loop3A_317 = arith.mulf %gather3A_272, %parallel_loop3A_316 : vector<16xf32>
          %parallel_loop3A_318 = arith.addf %parallel_loop3A_313, %parallel_loop3A_317 : vector<16xf32>
          %parallel_loop3A_319 = vector.broadcast %parallel_loop3A_309 : i32 to vector<16xi32>
          %parallel_loop3A_320 = arith.addi %add3A_261, %parallel_loop3A_319 : vector<16xi32>
          %parallel_loop3A_321 = tpu.vector_load_idx %arg13[%parallel_loop3A_320] : memref<4096xf32, #tpu.memory_space<vmem>>[vector<16xi32>], vector<16xf32>,
          %parallel_loop3A_322 = arith.mulf %gather3A_276, %parallel_loop3A_321 : vector<16xf32>
          %parallel_loop3A_323 = arith.addf %parallel_loop3A_318, %parallel_loop3A_322 : vector<16xf32>
          %parallel_loop3A_324 = vector.broadcast %parallel_loop3A_309 : i32 to vector<16xi32>
          %parallel_loop3A_325 = arith.addi %add3A_264, %parallel_loop3A_324 : vector<16xi32>
          %parallel_loop3A_326 = tpu.vector_load_idx %arg13[%parallel_loop3A_325] : memref<4096xf32, #tpu.memory_space<vmem>>[vector<16xi32>], vector<16xf32>,
          %parallel_loop3A_327 = arith.mulf %gather3A_280, %parallel_loop3A_326 : vector<16xf32>
          %parallel_loop3A_328 = arith.addf %parallel_loop3A_323, %parallel_loop3A_327 : vector<16xf32>
          %parallel_loop3A_329 = arith.constant 2048 : i32
          %parallel_loop3A_330 = arith.addi %parallel_loop3A_329, %parallel_loop3A_286 : i32
          %parallel_loop3A_331 = vector.broadcast %parallel_loop3A_330 : i32 to vector<16xi32>
          %parallel_loop3A_332 = arith.addi %add3A_255, %parallel_loop3A_331 : vector<16xi32>
          %parallel_loop3A_333 = tpu.vector_load_idx %arg13[%parallel_loop3A_332] : memref<4096xf32, #tpu.memory_space<vmem>>[vector<16xi32>], vector<16xf32>,
          %parallel_loop3A_334 = arith.mulf %gather3A_268, %parallel_loop3A_333 : vector<16xf32>
          %parallel_loop3A_335 = vector.broadcast %parallel_loop3A_330 : i32 to vector<16xi32>
          %parallel_loop3A_336 = arith.addi %add3A_258, %parallel_loop3A_335 : vector<16xi32>
          %parallel_loop3A_337 = tpu.vector_load_idx %arg13[%parallel_loop3A_336] : memref<4096xf32, #tpu.memory_space<vmem>>[vector<16xi32>], vector<16xf32>,
          %parallel_loop3A_338 = arith.mulf %gather3A_272, %parallel_loop3A_337 : vector<16xf32>
          %parallel_loop3A_339 = arith.addf %parallel_loop3A_334, %parallel_loop3A_338 : vector<16xf32>
          %parallel_loop3A_340 = vector.broadcast %parallel_loop3A_330 : i32 to vector<16xi32>
          %parallel_loop3A_341 = arith.addi %add3A_261, %parallel_loop3A_340 : vector<16xi32>
          %parallel_loop3A_342 = tpu.vector_load_idx %arg13[%parallel_loop3A_341] : memref<4096xf32, #tpu.memory_space<vmem>>[vector<16xi32>], vector<16xf32>,
          %parallel_loop3A_343 = arith.mulf %gather3A_276, %parallel_loop3A_342 : vector<16xf32>
          %parallel_loop3A_344 = arith.addf %parallel_loop3A_339, %parallel_loop3A_343 : vector<16xf32>
          %parallel_loop3A_345 = vector.broadcast %parallel_loop3A_330 : i32 to vector<16xi32>
          %parallel_loop3A_346 = arith.addi %add3A_264, %parallel_loop3A_345 : vector<16xi32>
          %parallel_loop3A_347 = tpu.vector_load_idx %arg13[%parallel_loop3A_346] : memref<4096xf32, #tpu.memory_space<vmem>>[vector<16xi32>], vector<16xf32>,
          %parallel_loop3A_348 = arith.mulf %gather3A_280, %parallel_loop3A_347 : vector<16xf32>
          %parallel_loop3A_349 = arith.addf %parallel_loop3A_344, %parallel_loop3A_348 : vector<16xf32>
          %parallel_loop3A_350 = arith.constant 3072 : i32
          %parallel_loop3A_351 = arith.addi %parallel_loop3A_350, %parallel_loop3A_286 : i32
          %parallel_loop3A_352 = vector.broadcast %parallel_loop3A_351 : i32 to vector<16xi32>
          %parallel_loop3A_353 = arith.addi %add3A_255, %parallel_loop3A_352 : vector<16xi32>
          %parallel_loop3A_354 = tpu.vector_load_idx %arg13[%parallel_loop3A_353] : memref<4096xf32, #tpu.memory_space<vmem>>[vector<16xi32>], vector<16xf32>,
          %parallel_loop3A_355 = arith.mulf %gather3A_268, %parallel_loop3A_354 : vector<16xf32>
          %parallel_loop3A_356 = vector.broadcast %parallel_loop3A_351 : i32 to vector<16xi32>
          %parallel_loop3A_357 = arith.addi %add3A_258, %parallel_loop3A_356 : vector<16xi32>
          %parallel_loop3A_358 = tpu.vector_load_idx %arg13[%parallel_loop3A_357] : memref<4096xf32, #tpu.memory_space<vmem>>[vector<16xi32>], vector<16xf32>,
          %parallel_loop3A_359 = arith.mulf %gather3A_272, %parallel_loop3A_358 : vector<16xf32>
          %parallel_loop3A_360 = arith.addf %parallel_loop3A_355, %parallel_loop3A_359 : vector<16xf32>
          %parallel_loop3A_361 = vector.broadcast %parallel_loop3A_351 : i32 to vector<16xi32>
          %parallel_loop3A_362 = arith.addi %add3A_261, %parallel_loop3A_361 : vector<16xi32>
          %parallel_loop3A_363 = tpu.vector_load_idx %arg13[%parallel_loop3A_362] : memref<4096xf32, #tpu.memory_space<vmem>>[vector<16xi32>], vector<16xf32>,
          %parallel_loop3A_364 = arith.mulf %gather3A_276, %parallel_loop3A_363 : vector<16xf32>
          %parallel_loop3A_365 = arith.addf %parallel_loop3A_360, %parallel_loop3A_364 : vector<16xf32>
          %parallel_loop3A_366 = vector.broadcast %parallel_loop3A_351 : i32 to vector<16xi32>
          %parallel_loop3A_367 = arith.addi %add3A_264, %parallel_loop3A_366 : vector<16xi32>
          %parallel_loop3A_368 = tpu.vector_load_idx %arg13[%parallel_loop3A_367] : memref<4096xf32, #tpu.memory_space<vmem>>[vector<16xi32>], vector<16xf32>,
          %parallel_loop3A_369 = arith.mulf %gather3A_280, %parallel_loop3A_368 : vector<16xf32>
          %parallel_loop3A_370 = arith.addf %parallel_loop3A_365, %parallel_loop3A_369 : vector<16xf32>
          %parallel_loop3A_371 = arith.constant 1.000000e+00 : f32
          %parallel_loop3A_372 = vector.broadcast %parallel_loop3A_371 : f32 to vector<16xf32>
          %parallel_loop3A_373 = arith.divf %parallel_loop3A_372, %parallel_loop3A_370 : vector<16xf32>
          %parallel_loop3A_374 = arith.constant 0 : i32
          %parallel_loop3A_375 = vector.broadcast %parallel_loop3A_374 : i32 to vector<16xi32>
          %parallel_loop3A_376 = arith.constant 2 : i32
          %parallel_loop3A_377 = arith.constant 0 : i32
          %parallel_loop3A_378 = arith.cmpi eq, %parallel_loop3A_376, %parallel_loop3A_377 : i32
          %parallel_loop3A_379 = arith.constant 1 : i32
          %parallel_loop3A_380 = arith.select %parallel_loop3A_378, %parallel_loop3A_379, %parallel_loop3A_376 : i32
          %parallel_loop3A_381 = arith.remsi %add3A_133, %parallel_loop3A_380 : i32
          %parallel_loop3A_382 = arith.constant 0 : i32
          %parallel_loop3A_383 = arith.cmpi ne, %parallel_loop3A_381, %parallel_loop3A_382 : i32
          %parallel_loop3A_384 = arith.constant 0 : i32
          %parallel_loop3A_385 = arith.cmpi slt, %parallel_loop3A_381, %parallel_loop3A_384 : i32
          %parallel_loop3A_386 = arith.constant 0 : i32
          %parallel_loop3A_387 = arith.cmpi slt, %parallel_loop3A_380, %parallel_loop3A_386 : i32
          %parallel_loop3A_388 = arith.xori %parallel_loop3A_385, %parallel_loop3A_387 : i1
          %parallel_loop3A_389 = arith.andi %parallel_loop3A_388, %parallel_loop3A_383 : i1
          %parallel_loop3A_390 = arith.addi %parallel_loop3A_381, %parallel_loop3A_380 : i32
          %parallel_loop3A_391 = arith.select %parallel_loop3A_389, %parallel_loop3A_390, %parallel_loop3A_381 : i32
          %parallel_loop3A_392 = arith.constant 16 : i32
          %parallel_loop3A_393 = arith.muli %parallel_loop3A_391, %parallel_loop3A_392 : i32
          %parallel_loop3A_394 = arith.addi %parallel_loop3A_284, %parallel_loop3A_393 : i32
          %parallel_loop3A_395 = vector.broadcast %parallel_loop3A_394 : i32 to vector<16xi32>
          %parallel_loop3A_396 = arith.addi %parallel_loop3A_375, %parallel_loop3A_395 : vector<16xi32>
          %parallel_loop3A_397 = arith.constant 16 : i32
          %parallel_loop3A_398 = arith.muli %add3A_242, %parallel_loop3A_397 : i32
          %parallel_loop3A_399 = vector.broadcast %parallel_loop3A_398 : i32 to vector<16xi32>
          %parallel_loop3A_400 = arith.addi %iota3A, %parallel_loop3A_399 : vector<16xi32>
          %parallel_loop3A_401 = arith.mulf %parallel_loop3A_307, %parallel_loop3A_373 : vector<16xf32>
          tpu.vector_store_idx %arg14[%parallel_loop3A_396, %parallel_loop3A_400], %parallel_loop3A_401 : memref<32x256xf32, #tpu.memory_space<vmem>>[vector<16xi32>, vector<16xi32>], vector<16xf32>,
          %parallel_loop3A_402 = arith.mulf %parallel_loop3A_328, %parallel_loop3A_373 : vector<16xf32>
          tpu.vector_store_idx %arg15[%parallel_loop3A_396, %parallel_loop3A_400], %parallel_loop3A_402 : memref<32x256xf32, #tpu.memory_space<vmem>>[vector<16xi32>, vector<16xi32>], vector<16xf32>,
          %parallel_loop3A_403 = arith.mulf %parallel_loop3A_349, %parallel_loop3A_373 : vector<16xf32>
          tpu.vector_store_idx %arg16[%parallel_loop3A_396, %parallel_loop3A_400], %parallel_loop3A_403 : memref<32x256xf32, #tpu.memory_space<vmem>>[vector<16xi32>, vector<16xi32>], vector<16xf32>,
        } {sc.loop_unroll_factor = 16 : i64, sc.parallel_access}
      }
      %scan3A_142 = arith.constant 16 : i32
      %jit3A_143 = arith.constant 2 : i32
      %eq3A_144 = arith.constant 0 : i32
      %eq3A_145 = arith.cmpi eq, %jit3A_143, %eq3A_144 : i32
      %jit3A_146 = arith.constant 1 : i32
      %select_n3A_147 = arith.select %eq3A_145, %jit3A_146, %jit3A_143 : i32
      %rem3A_148 = arith.remsi %add3A_133, %select_n3A_147 : i32
      %ne3A_149 = arith.constant 0 : i32
      %ne3A_150 = arith.cmpi ne, %rem3A_148, %ne3A_149 : i32
      %lt3A_151 = arith.constant 0 : i32
      %lt3A_152 = arith.cmpi slt, %rem3A_148, %lt3A_151 : i32
      %lt3A_153 = arith.constant 0 : i32
      %lt3A_154 = arith.cmpi slt, %select_n3A_147, %lt3A_153 : i32
      %ne3A_155 = arith.xori %lt3A_152, %lt3A_154 : i1
      %and3A_156 = arith.andi %ne3A_155, %ne3A_150 : i1
      %add3A_157 = arith.addi %rem3A_148, %select_n3A_147 : i32
      %select_n3A_158 = arith.select %and3A_156, %add3A_157, %rem3A_148 : i32
      %mul3A_159 = arith.constant 16 : i32
      %mul3A_160 = arith.muli %select_n3A_158, %mul3A_159 : i32
      %mul3A_161 = arith.constant 16 : i32
      %mul3A_162 = arith.muli %add3A_133, %mul3A_161 : i32
      %add3A_163 = arith.addi %mul3A_32, %mul3A_162 : i32
      %dma_start3A = arith.constant 0 : i32
      %dma_start3A_164 = arith.constant 0 : i32
      %dma_start3A_165 = tpu.memref_slice %arg14[%mul3A_160, %dma_start3A_164] : memref<32x256xf32, #tpu.memory_space<vmem>> -> memref<16x256xf32, #tpu.memory_space<vmem>>
      %dma_start3A_166 = arith.constant 0 : i32
      %dma_start3A_167 = tpu.memref_slice %arg7[%select_n3A, %dma_start3A, %add3A_163, %dma_start3A_166] : memref<8x3x256x256xf32, #tpu.memory_space<hbm>> -> memref<1x1x16x256xf32, #tpu.memory_space<hbm>>
      %dma_start3A_168 = tpu.memref_squeeze %dma_start3A_167 : memref<1x1x16x256xf32, #tpu.memory_space<hbm>> -> memref<16x256xf32, #tpu.memory_space<hbm>>
      %dma_start3A_169 = arith.constant 0 : i32
      %dma_start3A_170 = tpu.memref_slice %arg7[%select_n3A, %dma_start3A, %add3A_163, %dma_start3A_169] : memref<8x3x256x256xf32, #tpu.memory_space<hbm>> -> memref<1x1x16x256xf32, #tpu.memory_space<hbm>>
      %dma_start3A_171 = tpu.memref_squeeze %dma_start3A_170 : memref<1x1x16x256xf32, #tpu.memory_space<hbm>> -> memref<16x256xf32, #tpu.memory_space<hbm>>
      %dma_start3A_172 = arith.constant 0 : i32
      %dma_start3A_173 = tpu.memref_slice %arg14[%mul3A_160, %dma_start3A_172] : memref<32x256xf32, #tpu.memory_space<vmem>> -> memref<16x256xf32, #tpu.memory_space<vmem>>
      tpu.enqueue_dma source(%dma_start3A_173 : memref<16x256xf32, #tpu.memory_space<vmem>>) target(%dma_start3A_171 : memref<16x256xf32, #tpu.memory_space<hbm>>) target_semaphore(%arg17 : memref<!tpu.dma_semaphore, #tpu.memory_space<semaphore_mem>>)
      %jit3A_174 = arith.constant 2 : i32
      %eq3A_175 = arith.constant 0 : i32
      %eq3A_176 = arith.cmpi eq, %jit3A_174, %eq3A_175 : i32
      %jit3A_177 = arith.constant 1 : i32
      %select_n3A_178 = arith.select %eq3A_176, %jit3A_177, %jit3A_174 : i32
      %rem3A_179 = arith.remsi %add3A_133, %select_n3A_178 : i32
      %ne3A_180 = arith.constant 0 : i32
      %ne3A_181 = arith.cmpi ne, %rem3A_179, %ne3A_180 : i32
      %lt3A_182 = arith.constant 0 : i32
      %lt3A_183 = arith.cmpi slt, %rem3A_179, %lt3A_182 : i32
      %lt3A_184 = arith.constant 0 : i32
      %lt3A_185 = arith.cmpi slt, %select_n3A_178, %lt3A_184 : i32
      %ne3A_186 = arith.xori %lt3A_183, %lt3A_185 : i1
      %and3A_187 = arith.andi %ne3A_186, %ne3A_181 : i1
      %add3A_188 = arith.addi %rem3A_179, %select_n3A_178 : i32
      %select_n3A_189 = arith.select %and3A_187, %add3A_188, %rem3A_179 : i32
      %mul3A_190 = arith.constant 16 : i32
      %mul3A_191 = arith.muli %select_n3A_189, %mul3A_190 : i32
      %mul3A_192 = arith.constant 16 : i32
      %mul3A_193 = arith.muli %add3A_133, %mul3A_192 : i32
      %add3A_194 = arith.addi %mul3A_32, %mul3A_193 : i32
      %dma_start3A_195 = arith.constant 1 : i32
      %dma_start3A_196 = arith.constant 0 : i32
      %dma_start3A_197 = tpu.memref_slice %arg15[%mul3A_191, %dma_start3A_196] : memref<32x256xf32, #tpu.memory_space<vmem>> -> memref<16x256xf32, #tpu.memory_space<vmem>>
      %dma_start3A_198 = arith.constant 0 : i32
      %dma_start3A_199 = tpu.memref_slice %arg7[%select_n3A, %dma_start3A_195, %add3A_194, %dma_start3A_198] : memref<8x3x256x256xf32, #tpu.memory_space<hbm>> -> memref<1x1x16x256xf32, #tpu.memory_space<hbm>>
      %dma_start3A_200 = tpu.memref_squeeze %dma_start3A_199 : memref<1x1x16x256xf32, #tpu.memory_space<hbm>> -> memref<16x256xf32, #tpu.memory_space<hbm>>
      %dma_start3A_201 = arith.constant 0 : i32
      %dma_start3A_202 = tpu.memref_slice %arg7[%select_n3A, %dma_start3A_195, %add3A_194, %dma_start3A_201] : memref<8x3x256x256xf32, #tpu.memory_space<hbm>> -> memref<1x1x16x256xf32, #tpu.memory_space<hbm>>
      %dma_start3A_203 = tpu.memref_squeeze %dma_start3A_202 : memref<1x1x16x256xf32, #tpu.memory_space<hbm>> -> memref<16x256xf32, #tpu.memory_space<hbm>>
      %dma_start3A_204 = arith.constant 0 : i32
      %dma_start3A_205 = tpu.memref_slice %arg15[%mul3A_191, %dma_start3A_204] : memref<32x256xf32, #tpu.memory_space<vmem>> -> memref<16x256xf32, #tpu.memory_space<vmem>>
      tpu.enqueue_dma source(%dma_start3A_205 : memref<16x256xf32, #tpu.memory_space<vmem>>) target(%dma_start3A_203 : memref<16x256xf32, #tpu.memory_space<hbm>>) target_semaphore(%arg17 : memref<!tpu.dma_semaphore, #tpu.memory_space<semaphore_mem>>)
      %jit3A_206 = arith.constant 2 : i32
      %eq3A_207 = arith.constant 0 : i32
      %eq3A_208 = arith.cmpi eq, %jit3A_206, %eq3A_207 : i32
      %jit3A_209 = arith.constant 1 : i32
      %select_n3A_210 = arith.select %eq3A_208, %jit3A_209, %jit3A_206 : i32
      %rem3A_211 = arith.remsi %add3A_133, %select_n3A_210 : i32
      %ne3A_212 = arith.constant 0 : i32
      %ne3A_213 = arith.cmpi ne, %rem3A_211, %ne3A_212 : i32
      %lt3A_214 = arith.constant 0 : i32
      %lt3A_215 = arith.cmpi slt, %rem3A_211, %lt3A_214 : i32
      %lt3A_216 = arith.constant 0 : i32
      %lt3A_217 = arith.cmpi slt, %select_n3A_210, %lt3A_216 : i32
      %ne3A_218 = arith.xori %lt3A_215, %lt3A_217 : i1
      %and3A_219 = arith.andi %ne3A_218, %ne3A_213 : i1
      %add3A_220 = arith.addi %rem3A_211, %select_n3A_210 : i32
      %select_n3A_221 = arith.select %and3A_219, %add3A_220, %rem3A_211 : i32
      %mul3A_222 = arith.constant 16 : i32
      %mul3A_223 = arith.muli %select_n3A_221, %mul3A_222 : i32
      %mul3A_224 = arith.constant 16 : i32
      %mul3A_225 = arith.muli %add3A_133, %mul3A_224 : i32
      %add3A_226 = arith.addi %mul3A_32, %mul3A_225 : i32
      %dma_start3A_227 = arith.constant 2 : i32
      %dma_start3A_228 = arith.constant 0 : i32
      %dma_start3A_229 = tpu.memref_slice %arg16[%mul3A_223, %dma_start3A_228] : memref<32x256xf32, #tpu.memory_space<vmem>> -> memref<16x256xf32, #tpu.memory_space<vmem>>
      %dma_start3A_230 = arith.constant 0 : i32
      %dma_start3A_231 = tpu.memref_slice %arg7[%select_n3A, %dma_start3A_227, %add3A_226, %dma_start3A_230] : memref<8x3x256x256xf32, #tpu.memory_space<hbm>> -> memref<1x1x16x256xf32, #tpu.memory_space<hbm>>
      %dma_start3A_232 = tpu.memref_squeeze %dma_start3A_231 : memref<1x1x16x256xf32, #tpu.memory_space<hbm>> -> memref<16x256xf32, #tpu.memory_space<hbm>>
      %dma_start3A_233 = arith.constant 0 : i32
      %dma_start3A_234 = tpu.memref_slice %arg7[%select_n3A, %dma_start3A_227, %add3A_226, %dma_start3A_233] : memref<8x3x256x256xf32, #tpu.memory_space<hbm>> -> memref<1x1x16x256xf32, #tpu.memory_space<hbm>>
      %dma_start3A_235 = tpu.memref_squeeze %dma_start3A_234 : memref<1x1x16x256xf32, #tpu.memory_space<hbm>> -> memref<16x256xf32, #tpu.memory_space<hbm>>
      %dma_start3A_236 = arith.constant 0 : i32
      %dma_start3A_237 = tpu.memref_slice %arg16[%mul3A_223, %dma_start3A_236] : memref<32x256xf32, #tpu.memory_space<vmem>> -> memref<16x256xf32, #tpu.memory_space<vmem>>
      tpu.enqueue_dma source(%dma_start3A_237 : memref<16x256xf32, #tpu.memory_space<vmem>>) target(%dma_start3A_235 : memref<16x256xf32, #tpu.memory_space<hbm>>) target_semaphore(%arg17 : memref<!tpu.dma_semaphore, #tpu.memory_space<semaphore_mem>>)
    }
    %scan3A_39 = arith.constant 4 : i32
    %dma_wait3A = arith.constant 0 : i32
    %dma_wait3A_40 = arith.constant 0 : i32
    %dma_wait3A_41 = arith.constant 0 : i32
    %dma_wait3A_42 = tpu.memref_slice %arg14[%dma_wait3A_40, %dma_wait3A_41] : memref<32x256xf32, #tpu.memory_space<vmem>> -> memref<16x256xf32, #tpu.memory_space<vmem>>
    %dma_wait3A_43 = arith.constant 0 : i32
    %dma_wait3A_44 = arith.constant 0 : i32
    %dma_wait3A_45 = tpu.memref_slice %arg7[%select_n3A, %dma_wait3A, %dma_wait3A_43, %dma_wait3A_44] : memref<8x3x256x256xf32, #tpu.memory_space<hbm>> -> memref<1x1x16x256xf32, #tpu.memory_space<hbm>>
    %dma_wait3A_46 = tpu.memref_squeeze %dma_wait3A_45 : memref<1x1x16x256xf32, #tpu.memory_space<hbm>> -> memref<16x256xf32, #tpu.memory_space<hbm>>
    %dma_wait3A_47 = arith.constant 0 : i32
    %dma_wait3A_48 = arith.constant 0 : i32
    %dma_wait3A_49 = tpu.memref_slice %arg7[%select_n3A, %dma_wait3A, %dma_wait3A_47, %dma_wait3A_48] : memref<8x3x256x256xf32, #tpu.memory_space<hbm>> -> memref<1x1x16x256xf32, #tpu.memory_space<hbm>>
    %dma_wait3A_50 = tpu.memref_squeeze %dma_wait3A_49 : memref<1x1x16x256xf32, #tpu.memory_space<hbm>> -> memref<16x256xf32, #tpu.memory_space<hbm>>
    %dma_wait3A_51 = arith.constant 0 : i32
    %dma_wait3A_52 = arith.constant 0 : i32
    %dma_wait3A_53 = tpu.memref_slice %arg14[%dma_wait3A_51, %dma_wait3A_52] : memref<32x256xf32, #tpu.memory_space<vmem>> -> memref<16x256xf32, #tpu.memory_space<vmem>>
    tpu.wait_dma2 semaphore(%arg17 : memref<!tpu.dma_semaphore, #tpu.memory_space<semaphore_mem>>) src(%dma_wait3A_53 : memref<16x256xf32, #tpu.memory_space<vmem>>) dst(%dma_wait3A_50 : memref<16x256xf32, #tpu.memory_space<hbm>>)
    %dma_wait3A_54 = arith.constant 0 : i32
    %dma_wait3A_55 = arith.constant 0 : i32
    %dma_wait3A_56 = arith.constant 0 : i32
    %dma_wait3A_57 = tpu.memref_slice %arg14[%dma_wait3A_55, %dma_wait3A_56] : memref<32x256xf32, #tpu.memory_space<vmem>> -> memref<16x256xf32, #tpu.memory_space<vmem>>
    %dma_wait3A_58 = arith.constant 0 : i32
    %dma_wait3A_59 = arith.constant 0 : i32
    %dma_wait3A_60 = tpu.memref_slice %arg7[%select_n3A, %dma_wait3A_54, %dma_wait3A_58, %dma_wait3A_59] : memref<8x3x256x256xf32, #tpu.memory_space<hbm>> -> memref<1x1x16x256xf32, #tpu.memory_space<hbm>>
    %dma_wait3A_61 = tpu.memref_squeeze %dma_wait3A_60 : memref<1x1x16x256xf32, #tpu.memory_space<hbm>> -> memref<16x256xf32, #tpu.memory_space<hbm>>
    %dma_wait3A_62 = arith.constant 0 : i32
    %dma_wait3A_63 = arith.constant 0 : i32
    %dma_wait3A_64 = tpu.memref_slice %arg7[%select_n3A, %dma_wait3A_54, %dma_wait3A_62, %dma_wait3A_63] : memref<8x3x256x256xf32, #tpu.memory_space<hbm>> -> memref<1x1x16x256xf32, #tpu.memory_space<hbm>>
    %dma_wait3A_65 = tpu.memref_squeeze %dma_wait3A_64 : memref<1x1x16x256xf32, #tpu.memory_space<hbm>> -> memref<16x256xf32, #tpu.memory_space<hbm>>
    %dma_wait3A_66 = arith.constant 0 : i32
    %dma_wait3A_67 = arith.constant 0 : i32
    %dma_wait3A_68 = tpu.memref_slice %arg14[%dma_wait3A_66, %dma_wait3A_67] : memref<32x256xf32, #tpu.memory_space<vmem>> -> memref<16x256xf32, #tpu.memory_space<vmem>>
    tpu.wait_dma2 semaphore(%arg17 : memref<!tpu.dma_semaphore, #tpu.memory_space<semaphore_mem>>) src(%dma_wait3A_68 : memref<16x256xf32, #tpu.memory_space<vmem>>) dst(%dma_wait3A_65 : memref<16x256xf32, #tpu.memory_space<hbm>>)
    %dma_wait3A_69 = arith.constant 0 : i32
    %dma_wait3A_70 = arith.constant 0 : i32
    %dma_wait3A_71 = arith.constant 0 : i32
    %dma_wait3A_72 = tpu.memref_slice %arg14[%dma_wait3A_70, %dma_wait3A_71] : memref<32x256xf32, #tpu.memory_space<vmem>> -> memref<16x256xf32, #tpu.memory_space<vmem>>
    %dma_wait3A_73 = arith.constant 0 : i32
    %dma_wait3A_74 = arith.constant 0 : i32
    %dma_wait3A_75 = tpu.memref_slice %arg7[%select_n3A, %dma_wait3A_69, %dma_wait3A_73, %dma_wait3A_74] : memref<8x3x256x256xf32, #tpu.memory_space<hbm>> -> memref<1x1x16x256xf32, #tpu.memory_space<hbm>>
    %dma_wait3A_76 = tpu.memref_squeeze %dma_wait3A_75 : memref<1x1x16x256xf32, #tpu.memory_space<hbm>> -> memref<16x256xf32, #tpu.memory_space<hbm>>
    %dma_wait3A_77 = arith.constant 0 : i32
    %dma_wait3A_78 = arith.constant 0 : i32
    %dma_wait3A_79 = tpu.memref_slice %arg7[%select_n3A, %dma_wait3A_69, %dma_wait3A_77, %dma_wait3A_78] : memref<8x3x256x256xf32, #tpu.memory_space<hbm>> -> memref<1x1x16x256xf32, #tpu.memory_space<hbm>>
    %dma_wait3A_80 = tpu.memref_squeeze %dma_wait3A_79 : memref<1x1x16x256xf32, #tpu.memory_space<hbm>> -> memref<16x256xf32, #tpu.memory_space<hbm>>
    %dma_wait3A_81 = arith.constant 0 : i32
    %dma_wait3A_82 = arith.constant 0 : i32
    %dma_wait3A_83 = tpu.memref_slice %arg14[%dma_wait3A_81, %dma_wait3A_82] : memref<32x256xf32, #tpu.memory_space<vmem>> -> memref<16x256xf32, #tpu.memory_space<vmem>>
    tpu.wait_dma2 semaphore(%arg17 : memref<!tpu.dma_semaphore, #tpu.memory_space<semaphore_mem>>) src(%dma_wait3A_83 : memref<16x256xf32, #tpu.memory_space<vmem>>) dst(%dma_wait3A_80 : memref<16x256xf32, #tpu.memory_space<hbm>>)
    %dma_wait3A_84 = arith.constant 0 : i32
    %dma_wait3A_85 = arith.constant 0 : i32
    %dma_wait3A_86 = arith.constant 0 : i32
    %dma_wait3A_87 = tpu.memref_slice %arg14[%dma_wait3A_85, %dma_wait3A_86] : memref<32x256xf32, #tpu.memory_space<vmem>> -> memref<16x256xf32, #tpu.memory_space<vmem>>
    %dma_wait3A_88 = arith.constant 0 : i32
    %dma_wait3A_89 = arith.constant 0 : i32
    %dma_wait3A_90 = tpu.memref_slice %arg7[%select_n3A, %dma_wait3A_84, %dma_wait3A_88, %dma_wait3A_89] : memref<8x3x256x256xf32, #tpu.memory_space<hbm>> -> memref<1x1x16x256xf32, #tpu.memory_space<hbm>>
    %dma_wait3A_91 = tpu.memref_squeeze %dma_wait3A_90 : memref<1x1x16x256xf32, #tpu.memory_space<hbm>> -> memref<16x256xf32, #tpu.memory_space<hbm>>
    %dma_wait3A_92 = arith.constant 0 : i32
    %dma_wait3A_93 = arith.constant 0 : i32
    %dma_wait3A_94 = tpu.memref_slice %arg7[%select_n3A, %dma_wait3A_84, %dma_wait3A_92, %dma_wait3A_93] : memref<8x3x256x256xf32, #tpu.memory_space<hbm>> -> memref<1x1x16x256xf32, #tpu.memory_space<hbm>>
    %dma_wait3A_95 = tpu.memref_squeeze %dma_wait3A_94 : memref<1x1x16x256xf32, #tpu.memory_space<hbm>> -> memref<16x256xf32, #tpu.memory_space<hbm>>
    %dma_wait3A_96 = arith.constant 0 : i32
    %dma_wait3A_97 = arith.constant 0 : i32
    %dma_wait3A_98 = tpu.memref_slice %arg14[%dma_wait3A_96, %dma_wait3A_97] : memref<32x256xf32, #tpu.memory_space<vmem>> -> memref<16x256xf32, #tpu.memory_space<vmem>>
    tpu.wait_dma2 semaphore(%arg17 : memref<!tpu.dma_semaphore, #tpu.memory_space<semaphore_mem>>) src(%dma_wait3A_98 : memref<16x256xf32, #tpu.memory_space<vmem>>) dst(%dma_wait3A_95 : memref<16x256xf32, #tpu.memory_space<hbm>>)
    %dma_wait3A_99 = arith.constant 0 : i32
    %dma_wait3A_100 = arith.constant 0 : i32
    %dma_wait3A_101 = arith.constant 0 : i32
    %dma_wait3A_102 = tpu.memref_slice %arg14[%dma_wait3A_100, %dma_wait3A_101] : memref<32x256xf32, #tpu.memory_space<vmem>> -> memref<16x256xf32, #tpu.memory_space<vmem>>
    %dma_wait3A_103 = arith.constant 0 : i32
    %dma_wait3A_104 = arith.constant 0 : i32
    %dma_wait3A_105 = tpu.memref_slice %arg7[%select_n3A, %dma_wait3A_99, %dma_wait3A_103, %dma_wait3A_104] : memref<8x3x256x256xf32, #tpu.memory_space<hbm>> -> memref<1x1x16x256xf32, #tpu.memory_space<hbm>>
    %dma_wait3A_106 = tpu.memref_squeeze %dma_wait3A_105 : memref<1x1x16x256xf32, #tpu.memory_space<hbm>> -> memref<16x256xf32, #tpu.memory_space<hbm>>
    %dma_wait3A_107 = arith.constant 0 : i32
    %dma_wait3A_108 = arith.constant 0 : i32
    %dma_wait3A_109 = tpu.memref_slice %arg7[%select_n3A, %dma_wait3A_99, %dma_wait3A_107, %dma_wait3A_108] : memref<8x3x256x256xf32, #tpu.memory_space<hbm>> -> memref<1x1x16x256xf32, #tpu.memory_space<hbm>>
    %dma_wait3A_110 = tpu.memref_squeeze %dma_wait3A_109 : memref<1x1x16x256xf32, #tpu.memory_space<hbm>> -> memref<16x256xf32, #tpu.memory_space<hbm>>
    %dma_wait3A_111 = arith.constant 0 : i32
    %dma_wait3A_112 = arith.constant 0 : i32
    %dma_wait3A_113 = tpu.memref_slice %arg14[%dma_wait3A_111, %dma_wait3A_112] : memref<32x256xf32, #tpu.memory_space<vmem>> -> memref<16x256xf32, #tpu.memory_space<vmem>>
    tpu.wait_dma2 semaphore(%arg17 : memref<!tpu.dma_semaphore, #tpu.memory_space<semaphore_mem>>) src(%dma_wait3A_113 : memref<16x256xf32, #tpu.memory_space<vmem>>) dst(%dma_wait3A_110 : memref<16x256xf32, #tpu.memory_space<hbm>>)
    %dma_wait3A_114 = arith.constant 0 : i32
    %dma_wait3A_115 = arith.constant 0 : i32
    %dma_wait3A_116 = arith.constant 0 : i32
    %dma_wait3A_117 = tpu.memref_slice %arg14[%dma_wait3A_115, %dma_wait3A_116] : memref<32x256xf32, #tpu.memory_space<vmem>> -> memref<16x256xf32, #tpu.memory_space<vmem>>
    %dma_wait3A_118 = arith.constant 0 : i32
    %dma_wait3A_119 = arith.constant 0 : i32
    %dma_wait3A_120 = tpu.memref_slice %arg7[%select_n3A, %dma_wait3A_114, %dma_wait3A_118, %dma_wait3A_119] : memref<8x3x256x256xf32, #tpu.memory_space<hbm>> -> memref<1x1x16x256xf32, #tpu.memory_space<hbm>>
    %dma_wait3A_121 = tpu.memref_squeeze %dma_wait3A_120 : memref<1x1x16x256xf32, #tpu.memory_space<hbm>> -> memref<16x256xf32, #tpu.memory_space<hbm>>
    %dma_wait3A_122 = arith.constant 0 : i32
    %dma_wait3A_123 = arith.constant 0 : i32
    %dma_wait3A_124 = tpu.memref_slice %arg7[%select_n3A, %dma_wait3A_114, %dma_wait3A_122, %dma_wait3A_123] : memref<8x3x256x256xf32, #tpu.memory_space<hbm>> -> memref<1x1x16x256xf32, #tpu.memory_space<hbm>>
    %dma_wait3A_125 = tpu.memref_squeeze %dma_wait3A_124 : memref<1x1x16x256xf32, #tpu.memory_space<hbm>> -> memref<16x256xf32, #tpu.memory_space<hbm>>
    %dma_wait3A_126 = arith.constant 0 : i32
    %dma_wait3A_127 = arith.constant 0 : i32
    %dma_wait3A_128 = tpu.memref_slice %arg14[%dma_wait3A_126, %dma_wait3A_127] : memref<32x256xf32, #tpu.memory_space<vmem>> -> memref<16x256xf32, #tpu.memory_space<vmem>>
    tpu.wait_dma2 semaphore(%arg17 : memref<!tpu.dma_semaphore, #tpu.memory_space<semaphore_mem>>) src(%dma_wait3A_128 : memref<16x256xf32, #tpu.memory_space<vmem>>) dst(%dma_wait3A_125 : memref<16x256xf32, #tpu.memory_space<hbm>>)
    return
  }
}

module attributes {stable_mosaic.version = 14 : i64} {
  func.func @_tc_body(%arg0: i32, %arg1: memref<256x1xi32, #tpu.memory_space<vmem>>, %arg2: memref<1x256xi32, #tpu.memory_space<vmem>>, %arg3: memref<256x4xf32, #tpu.memory_space<vmem>>, %arg4: memref<4x256xf32, #tpu.memory_space<vmem>>, %arg5: memref<1x4x64x64xf32, #tpu.memory_space<vmem>>, %arg6: memref<1x3x256x256xf32, #tpu.memory_space<vmem>>, %arg7: memref<256x64xf32, #tpu.memory_space<vmem>>, %arg8: memref<64x256xf32, #tpu.memory_space<vmem>>) attributes {dimension_semantics = [#tpu.dimension_semantics<arbitrary>], iteration_bounds = array<i64: 24>, scalar_prefetch = 0 : i64, scratch_operands = 2 : i64, tpu.core_type = #tpu.core_type<tc>, window_params = [{pipeline_mode = #tpu.pipeline_mode<synchronous>, transform_indices = @transform_0, window_bounds = array<i64: 256, 1>}, {pipeline_mode = #tpu.pipeline_mode<synchronous>, transform_indices = @transform_1, window_bounds = array<i64: 1, 256>}, {pipeline_mode = #tpu.pipeline_mode<synchronous>, transform_indices = @transform_2, window_bounds = array<i64: 256, 4>}, {pipeline_mode = #tpu.pipeline_mode<synchronous>, transform_indices = @transform_3, window_bounds = array<i64: 4, 256>}, {transform_indices = @transform_4, window_bounds = array<i64: 1, 4, 64, 64>}, {transform_indices = @transform_5, window_bounds = array<i64: 1, 3, 256, 256>}]} {
    %eq3A = arith.constant 0 : i32
    %eq3A_0 = arith.cmpi eq, %arg0, %eq3A : i32
    %convert_element_type3A = arith.extui %eq3A_0 : i1 to i32
    %cond3A = arith.constant 0 : i32
    %cond3A_1 = arith.cmpi ne, %convert_element_type3A, %cond3A : i32
    scf.if %cond3A_1 {
      %iota3A = tpu.iota {dimensions = array<i32: 1>} : vector<256x64xi32>
      %get3A_70 = arith.constant 0 : index
      %get3A_71 = arith.constant 0 : index
      %get3A_72 = vector.load %arg1[%get3A_70, %get3A_71] : memref<256x1xi32, #tpu.memory_space<vmem>>, vector<256x1xi32>
      %broadcast_in_dim3A = arith.constant 0.000000e+00 : f32
      %broadcast_in_dim3A_73 = vector.broadcast %broadcast_in_dim3A : f32 to vector<256x64xf32>
      %sub3A = arith.constant 3 : i32
      %sub3A_74 = vector.broadcast %sub3A : i32 to vector<256x1xi32>
      %sub3A_75 = arith.subi %get3A_72, %sub3A_74 : vector<256x1xi32>
      %add3A = arith.constant 0 : i32
      %add3A_76 = vector.broadcast %add3A : i32 to vector<256x1xi32>
      %add3A_77 = arith.addi %sub3A_75, %add3A_76 : vector<256x1xi32>
      %eq3A_78 = vector.broadcast %add3A_77 : vector<256x1xi32> to vector<256x64xi32>
      %eq3A_79 = arith.cmpi eq, %iota3A, %eq3A_78 : vector<256x64xi32>
      %get3A_80 = arith.constant 0 : index
      %get3A_81 = arith.constant 0 : index
      %get3A_82 = vector.load %arg3[%get3A_80, %get3A_81] : memref<256x4xf32, #tpu.memory_space<vmem>>, vector<256x1xf32>
      %jit3A = arith.constant 0.000000e+00 : f32
      %broadcast_in_dim3A_83 = vector.shape_cast %get3A_82 : vector<256x1xf32> to vector<256x1xf32>
      %broadcast_in_dim3A_84 = vector.broadcast %broadcast_in_dim3A_83 : vector<256x1xf32> to vector<256x64xf32>
      %broadcast_in_dim3A_85 = vector.broadcast %jit3A : f32 to vector<256x64xf32>
      %select_n3A = arith.select %eq3A_79, %broadcast_in_dim3A_84, %broadcast_in_dim3A_85 : vector<256x64xi1>, vector<256x64xf32>
      %add3A_86 = arith.addf %broadcast_in_dim3A_73, %select_n3A : vector<256x64xf32>
      %sub3A_87 = arith.constant 3 : i32
      %sub3A_88 = vector.broadcast %sub3A_87 : i32 to vector<256x1xi32>
      %sub3A_89 = arith.subi %get3A_72, %sub3A_88 : vector<256x1xi32>
      %add3A_90 = arith.constant 1 : i32
      %add3A_91 = vector.broadcast %add3A_90 : i32 to vector<256x1xi32>
      %add3A_92 = arith.addi %sub3A_89, %add3A_91 : vector<256x1xi32>
      %eq3A_93 = vector.broadcast %add3A_92 : vector<256x1xi32> to vector<256x64xi32>
      %eq3A_94 = arith.cmpi eq, %iota3A, %eq3A_93 : vector<256x64xi32>
      %get3A_95 = arith.constant 0 : index
      %get3A_96 = arith.constant 1 : index
      %get3A_97 = vector.load %arg3[%get3A_95, %get3A_96] : memref<256x4xf32, #tpu.memory_space<vmem>>, vector<256x1xf32>
      %jit3A_98 = arith.constant 0.000000e+00 : f32
      %broadcast_in_dim3A_99 = vector.shape_cast %get3A_97 : vector<256x1xf32> to vector<256x1xf32>
      %broadcast_in_dim3A_100 = vector.broadcast %broadcast_in_dim3A_99 : vector<256x1xf32> to vector<256x64xf32>
      %broadcast_in_dim3A_101 = vector.broadcast %jit3A_98 : f32 to vector<256x64xf32>
      %select_n3A_102 = arith.select %eq3A_94, %broadcast_in_dim3A_100, %broadcast_in_dim3A_101 : vector<256x64xi1>, vector<256x64xf32>
      %add3A_103 = arith.addf %add3A_86, %select_n3A_102 : vector<256x64xf32>
      %sub3A_104 = arith.constant 3 : i32
      %sub3A_105 = vector.broadcast %sub3A_104 : i32 to vector<256x1xi32>
      %sub3A_106 = arith.subi %get3A_72, %sub3A_105 : vector<256x1xi32>
      %add3A_107 = arith.constant 2 : i32
      %add3A_108 = vector.broadcast %add3A_107 : i32 to vector<256x1xi32>
      %add3A_109 = arith.addi %sub3A_106, %add3A_108 : vector<256x1xi32>
      %eq3A_110 = vector.broadcast %add3A_109 : vector<256x1xi32> to vector<256x64xi32>
      %eq3A_111 = arith.cmpi eq, %iota3A, %eq3A_110 : vector<256x64xi32>
      %get3A_112 = arith.constant 0 : index
      %get3A_113 = arith.constant 2 : index
      %get3A_114 = vector.load %arg3[%get3A_112, %get3A_113] : memref<256x4xf32, #tpu.memory_space<vmem>>, vector<256x1xf32>
      %jit3A_115 = arith.constant 0.000000e+00 : f32
      %broadcast_in_dim3A_116 = vector.shape_cast %get3A_114 : vector<256x1xf32> to vector<256x1xf32>
      %broadcast_in_dim3A_117 = vector.broadcast %broadcast_in_dim3A_116 : vector<256x1xf32> to vector<256x64xf32>
      %broadcast_in_dim3A_118 = vector.broadcast %jit3A_115 : f32 to vector<256x64xf32>
      %select_n3A_119 = arith.select %eq3A_111, %broadcast_in_dim3A_117, %broadcast_in_dim3A_118 : vector<256x64xi1>, vector<256x64xf32>
      %add3A_120 = arith.addf %add3A_103, %select_n3A_119 : vector<256x64xf32>
      %sub3A_121 = arith.constant 3 : i32
      %sub3A_122 = vector.broadcast %sub3A_121 : i32 to vector<256x1xi32>
      %sub3A_123 = arith.subi %get3A_72, %sub3A_122 : vector<256x1xi32>
      %add3A_124 = arith.constant 3 : i32
      %add3A_125 = vector.broadcast %add3A_124 : i32 to vector<256x1xi32>
      %add3A_126 = arith.addi %sub3A_123, %add3A_125 : vector<256x1xi32>
      %eq3A_127 = vector.broadcast %add3A_126 : vector<256x1xi32> to vector<256x64xi32>
      %eq3A_128 = arith.cmpi eq, %iota3A, %eq3A_127 : vector<256x64xi32>
      %get3A_129 = arith.constant 0 : index
      %get3A_130 = arith.constant 3 : index
      %get3A_131 = vector.load %arg3[%get3A_129, %get3A_130] : memref<256x4xf32, #tpu.memory_space<vmem>>, vector<256x1xf32>
      %jit3A_132 = arith.constant 0.000000e+00 : f32
      %broadcast_in_dim3A_133 = vector.shape_cast %get3A_131 : vector<256x1xf32> to vector<256x1xf32>
      %broadcast_in_dim3A_134 = vector.broadcast %broadcast_in_dim3A_133 : vector<256x1xf32> to vector<256x64xf32>
      %broadcast_in_dim3A_135 = vector.broadcast %jit3A_132 : f32 to vector<256x64xf32>
      %select_n3A_136 = arith.select %eq3A_128, %broadcast_in_dim3A_134, %broadcast_in_dim3A_135 : vector<256x64xi1>, vector<256x64xf32>
      %add3A_137 = arith.addf %add3A_120, %select_n3A_136 : vector<256x64xf32>
      %swap3A_138 = arith.constant 0 : index
      %swap3A_139 = arith.constant 0 : index
      %swap3A_140 = vector.load %arg7[%swap3A_138, %swap3A_139] : memref<256x64xf32, #tpu.memory_space<vmem>>, vector<256x64xf32>
      tpu.vector_store %arg7[%swap3A_138, %swap3A_139], %add3A_137 {strides = array<i32>} : memref<256x64xf32, #tpu.memory_space<vmem>>, vector<256x64xf32>,
      %iota3A_141 = tpu.iota {dimensions = array<i32: 0>} : vector<64x256xi32>
      %get3A_142 = arith.constant 0 : index
      %get3A_143 = arith.constant 0 : index
      %get3A_144 = vector.load %arg2[%get3A_142, %get3A_143] : memref<1x256xi32, #tpu.memory_space<vmem>>, vector<1x256xi32>
      %broadcast_in_dim3A_145 = arith.constant 0.000000e+00 : f32
      %broadcast_in_dim3A_146 = vector.broadcast %broadcast_in_dim3A_145 : f32 to vector<64x256xf32>
      %sub3A_147 = arith.constant 3 : i32
      %sub3A_148 = vector.broadcast %sub3A_147 : i32 to vector<1x256xi32>
      %sub3A_149 = arith.subi %get3A_144, %sub3A_148 : vector<1x256xi32>
      %add3A_150 = arith.constant 0 : i32
      %add3A_151 = vector.broadcast %add3A_150 : i32 to vector<1x256xi32>
      %add3A_152 = arith.addi %sub3A_149, %add3A_151 : vector<1x256xi32>
      %eq3A_153 = vector.broadcast %add3A_152 : vector<1x256xi32> to vector<64x256xi32>
      %eq3A_154 = arith.cmpi eq, %iota3A_141, %eq3A_153 : vector<64x256xi32>
      %get3A_155 = arith.constant 0 : index
      %get3A_156 = arith.constant 0 : index
      %get3A_157 = vector.load %arg4[%get3A_155, %get3A_156] : memref<4x256xf32, #tpu.memory_space<vmem>>, vector<1x256xf32>
      %jit3A_158 = arith.constant 0.000000e+00 : f32
      %broadcast_in_dim3A_159 = vector.shape_cast %get3A_157 : vector<1x256xf32> to vector<1x256xf32>
      %broadcast_in_dim3A_160 = vector.broadcast %broadcast_in_dim3A_159 : vector<1x256xf32> to vector<64x256xf32>
      %broadcast_in_dim3A_161 = vector.broadcast %jit3A_158 : f32 to vector<64x256xf32>
      %select_n3A_162 = arith.select %eq3A_154, %broadcast_in_dim3A_160, %broadcast_in_dim3A_161 : vector<64x256xi1>, vector<64x256xf32>
      %add3A_163 = arith.addf %broadcast_in_dim3A_146, %select_n3A_162 : vector<64x256xf32>
      %sub3A_164 = arith.constant 3 : i32
      %sub3A_165 = vector.broadcast %sub3A_164 : i32 to vector<1x256xi32>
      %sub3A_166 = arith.subi %get3A_144, %sub3A_165 : vector<1x256xi32>
      %add3A_167 = arith.constant 1 : i32
      %add3A_168 = vector.broadcast %add3A_167 : i32 to vector<1x256xi32>
      %add3A_169 = arith.addi %sub3A_166, %add3A_168 : vector<1x256xi32>
      %eq3A_170 = vector.broadcast %add3A_169 : vector<1x256xi32> to vector<64x256xi32>
      %eq3A_171 = arith.cmpi eq, %iota3A_141, %eq3A_170 : vector<64x256xi32>
      %get3A_172 = arith.constant 1 : index
      %get3A_173 = arith.constant 0 : index
      %get3A_174 = vector.load %arg4[%get3A_172, %get3A_173] : memref<4x256xf32, #tpu.memory_space<vmem>>, vector<1x256xf32>
      %jit3A_175 = arith.constant 0.000000e+00 : f32
      %broadcast_in_dim3A_176 = vector.shape_cast %get3A_174 : vector<1x256xf32> to vector<1x256xf32>
      %broadcast_in_dim3A_177 = vector.broadcast %broadcast_in_dim3A_176 : vector<1x256xf32> to vector<64x256xf32>
      %broadcast_in_dim3A_178 = vector.broadcast %jit3A_175 : f32 to vector<64x256xf32>
      %select_n3A_179 = arith.select %eq3A_171, %broadcast_in_dim3A_177, %broadcast_in_dim3A_178 : vector<64x256xi1>, vector<64x256xf32>
      %add3A_180 = arith.addf %add3A_163, %select_n3A_179 : vector<64x256xf32>
      %sub3A_181 = arith.constant 3 : i32
      %sub3A_182 = vector.broadcast %sub3A_181 : i32 to vector<1x256xi32>
      %sub3A_183 = arith.subi %get3A_144, %sub3A_182 : vector<1x256xi32>
      %add3A_184 = arith.constant 2 : i32
      %add3A_185 = vector.broadcast %add3A_184 : i32 to vector<1x256xi32>
      %add3A_186 = arith.addi %sub3A_183, %add3A_185 : vector<1x256xi32>
      %eq3A_187 = vector.broadcast %add3A_186 : vector<1x256xi32> to vector<64x256xi32>
      %eq3A_188 = arith.cmpi eq, %iota3A_141, %eq3A_187 : vector<64x256xi32>
      %get3A_189 = arith.constant 2 : index
      %get3A_190 = arith.constant 0 : index
      %get3A_191 = vector.load %arg4[%get3A_189, %get3A_190] : memref<4x256xf32, #tpu.memory_space<vmem>>, vector<1x256xf32>
      %jit3A_192 = arith.constant 0.000000e+00 : f32
      %broadcast_in_dim3A_193 = vector.shape_cast %get3A_191 : vector<1x256xf32> to vector<1x256xf32>
      %broadcast_in_dim3A_194 = vector.broadcast %broadcast_in_dim3A_193 : vector<1x256xf32> to vector<64x256xf32>
      %broadcast_in_dim3A_195 = vector.broadcast %jit3A_192 : f32 to vector<64x256xf32>
      %select_n3A_196 = arith.select %eq3A_188, %broadcast_in_dim3A_194, %broadcast_in_dim3A_195 : vector<64x256xi1>, vector<64x256xf32>
      %add3A_197 = arith.addf %add3A_180, %select_n3A_196 : vector<64x256xf32>
      %sub3A_198 = arith.constant 3 : i32
      %sub3A_199 = vector.broadcast %sub3A_198 : i32 to vector<1x256xi32>
      %sub3A_200 = arith.subi %get3A_144, %sub3A_199 : vector<1x256xi32>
      %add3A_201 = arith.constant 3 : i32
      %add3A_202 = vector.broadcast %add3A_201 : i32 to vector<1x256xi32>
      %add3A_203 = arith.addi %sub3A_200, %add3A_202 : vector<1x256xi32>
      %eq3A_204 = vector.broadcast %add3A_203 : vector<1x256xi32> to vector<64x256xi32>
      %eq3A_205 = arith.cmpi eq, %iota3A_141, %eq3A_204 : vector<64x256xi32>
      %get3A_206 = arith.constant 3 : index
      %get3A_207 = arith.constant 0 : index
      %get3A_208 = vector.load %arg4[%get3A_206, %get3A_207] : memref<4x256xf32, #tpu.memory_space<vmem>>, vector<1x256xf32>
      %jit3A_209 = arith.constant 0.000000e+00 : f32
      %broadcast_in_dim3A_210 = vector.shape_cast %get3A_208 : vector<1x256xf32> to vector<1x256xf32>
      %broadcast_in_dim3A_211 = vector.broadcast %broadcast_in_dim3A_210 : vector<1x256xf32> to vector<64x256xf32>
      %broadcast_in_dim3A_212 = vector.broadcast %jit3A_209 : f32 to vector<64x256xf32>
      %select_n3A_213 = arith.select %eq3A_205, %broadcast_in_dim3A_211, %broadcast_in_dim3A_212 : vector<64x256xi1>, vector<64x256xf32>
      %add3A_214 = arith.addf %add3A_197, %select_n3A_213 : vector<64x256xf32>
      %swap3A_215 = arith.constant 0 : index
      %swap3A_216 = arith.constant 0 : index
      %swap3A_217 = vector.load %arg8[%swap3A_215, %swap3A_216] : memref<64x256xf32, #tpu.memory_space<vmem>>, vector<64x256xf32>
      tpu.vector_store %arg8[%swap3A_215, %swap3A_216], %add3A_214 {strides = array<i32>} : memref<64x256xf32, #tpu.memory_space<vmem>>, vector<64x256xf32>,
    } else {
    }
    %get3A = arith.constant 0 : index
    %get3A_2 = arith.constant 0 : index
    %get3A_3 = vector.load %arg7[%get3A, %get3A_2] : memref<256x64xf32, #tpu.memory_space<vmem>>, vector<256x64xf32>
    %get3A_4 = arith.constant 0 : index
    %get3A_5 = arith.constant 0 : index
    %get3A_6 = vector.load %arg8[%get3A_4, %get3A_5] : memref<64x256xf32, #tpu.memory_space<vmem>>, vector<64x256xf32>
    %get3A_7 = arith.constant 0 : index
    %get3A_8 = arith.constant 0 : index
    %get3A_9 = arith.constant 0 : index
    %get3A_10 = arith.constant 0 : index
    %get3A_11 = vector.load %arg5[%get3A_7, %get3A_8, %get3A_9, %get3A_10] : memref<1x4x64x64xf32, #tpu.memory_space<vmem>>, vector<1x1x64x64xf32>
    %get3A_12 = vector.shape_cast %get3A_11 : vector<1x1x64x64xf32> to vector<64x64xf32>
    %dot_general3A = arith.constant dense<0.000000e+00> : vector<256x64xf32>
    %dot_general3A_13 = tpu.matmul %get3A_3, %get3A_12, %dot_general3A {dimension_numbers = #tpu.dot_dimension_numbers<[1], [0], [0], [1], [0, 0, 1, 1], [], []>, transpose_lhs_hint = false} : vector<256x64xf32>, vector<64x64xf32>, vector<256x64xf32> -> vector<256x64xf32>
    %dot_general3A_14 = arith.constant dense<0.000000e+00> : vector<256x256xf32>
    %dot_general3A_15 = tpu.matmul %dot_general3A_13, %get3A_6, %dot_general3A_14 {dimension_numbers = #tpu.dot_dimension_numbers<[1], [0], [0], [1], [0, 0, 1, 1], [], []>, transpose_lhs_hint = false} : vector<256x64xf32>, vector<64x256xf32>, vector<256x256xf32> -> vector<256x256xf32>
    %get3A_16 = arith.constant 0 : index
    %get3A_17 = arith.constant 1 : index
    %get3A_18 = arith.constant 0 : index
    %get3A_19 = arith.constant 0 : index
    %get3A_20 = vector.load %arg5[%get3A_16, %get3A_17, %get3A_18, %get3A_19] : memref<1x4x64x64xf32, #tpu.memory_space<vmem>>, vector<1x1x64x64xf32>
    %get3A_21 = vector.shape_cast %get3A_20 : vector<1x1x64x64xf32> to vector<64x64xf32>
    %dot_general3A_22 = arith.constant dense<0.000000e+00> : vector<256x64xf32>
    %dot_general3A_23 = tpu.matmul %get3A_3, %get3A_21, %dot_general3A_22 {dimension_numbers = #tpu.dot_dimension_numbers<[1], [0], [0], [1], [0, 0, 1, 1], [], []>, transpose_lhs_hint = false} : vector<256x64xf32>, vector<64x64xf32>, vector<256x64xf32> -> vector<256x64xf32>
    %dot_general3A_24 = arith.constant dense<0.000000e+00> : vector<256x256xf32>
    %dot_general3A_25 = tpu.matmul %dot_general3A_23, %get3A_6, %dot_general3A_24 {dimension_numbers = #tpu.dot_dimension_numbers<[1], [0], [0], [1], [0, 0, 1, 1], [], []>, transpose_lhs_hint = false} : vector<256x64xf32>, vector<64x256xf32>, vector<256x256xf32> -> vector<256x256xf32>
    %get3A_26 = arith.constant 0 : index
    %get3A_27 = arith.constant 2 : index
    %get3A_28 = arith.constant 0 : index
    %get3A_29 = arith.constant 0 : index
    %get3A_30 = vector.load %arg5[%get3A_26, %get3A_27, %get3A_28, %get3A_29] : memref<1x4x64x64xf32, #tpu.memory_space<vmem>>, vector<1x1x64x64xf32>
    %get3A_31 = vector.shape_cast %get3A_30 : vector<1x1x64x64xf32> to vector<64x64xf32>
    %dot_general3A_32 = arith.constant dense<0.000000e+00> : vector<256x64xf32>
    %dot_general3A_33 = tpu.matmul %get3A_3, %get3A_31, %dot_general3A_32 {dimension_numbers = #tpu.dot_dimension_numbers<[1], [0], [0], [1], [0, 0, 1, 1], [], []>, transpose_lhs_hint = false} : vector<256x64xf32>, vector<64x64xf32>, vector<256x64xf32> -> vector<256x64xf32>
    %dot_general3A_34 = arith.constant dense<0.000000e+00> : vector<256x256xf32>
    %dot_general3A_35 = tpu.matmul %dot_general3A_33, %get3A_6, %dot_general3A_34 {dimension_numbers = #tpu.dot_dimension_numbers<[1], [0], [0], [1], [0, 0, 1, 1], [], []>, transpose_lhs_hint = false} : vector<256x64xf32>, vector<64x256xf32>, vector<256x256xf32> -> vector<256x256xf32>
    %get3A_36 = arith.constant 0 : index
    %get3A_37 = arith.constant 3 : index
    %get3A_38 = arith.constant 0 : index
    %get3A_39 = arith.constant 0 : index
    %get3A_40 = vector.load %arg5[%get3A_36, %get3A_37, %get3A_38, %get3A_39] : memref<1x4x64x64xf32, #tpu.memory_space<vmem>>, vector<1x1x64x64xf32>
    %get3A_41 = vector.shape_cast %get3A_40 : vector<1x1x64x64xf32> to vector<64x64xf32>
    %dot_general3A_42 = arith.constant dense<0.000000e+00> : vector<256x64xf32>
    %dot_general3A_43 = tpu.matmul %get3A_3, %get3A_41, %dot_general3A_42 {dimension_numbers = #tpu.dot_dimension_numbers<[1], [0], [0], [1], [0, 0, 1, 1], [], []>, transpose_lhs_hint = false} : vector<256x64xf32>, vector<64x64xf32>, vector<256x64xf32> -> vector<256x64xf32>
    %dot_general3A_44 = arith.constant dense<0.000000e+00> : vector<256x256xf32>
    %dot_general3A_45 = tpu.matmul %dot_general3A_43, %get3A_6, %dot_general3A_44 {dimension_numbers = #tpu.dot_dimension_numbers<[1], [0], [0], [1], [0, 0, 1, 1], [], []>, transpose_lhs_hint = false} : vector<256x64xf32>, vector<64x256xf32>, vector<256x256xf32> -> vector<256x256xf32>
    %div3A = arith.constant 1.000000e+00 : f32
    %div3A_46 = vector.broadcast %div3A : f32 to vector<256x256xf32>
    %div3A_47 = arith.divf %div3A_46, %dot_general3A_45 : vector<256x256xf32>
    %mul3A = arith.mulf %dot_general3A_15, %div3A_47 : vector<256x256xf32>
    %swap3A = arith.constant 0 : index
    %swap3A_48 = arith.constant 0 : index
    %swap3A_49 = arith.constant 0 : index
    %swap3A_50 = arith.constant 0 : index
    %swap3A_51 = vector.load %arg6[%swap3A, %swap3A_48, %swap3A_49, %swap3A_50] : memref<1x3x256x256xf32, #tpu.memory_space<vmem>>, vector<1x1x256x256xf32>
    %swap3A_52 = vector.shape_cast %swap3A_51 : vector<1x1x256x256xf32> to vector<256x256xf32>
    %swap3A_53 = vector.shape_cast %mul3A : vector<256x256xf32> to vector<1x1x256x256xf32>
    tpu.vector_store %arg6[%swap3A, %swap3A_48, %swap3A_49, %swap3A_50], %swap3A_53 {strides = array<i32>} : memref<1x3x256x256xf32, #tpu.memory_space<vmem>>, vector<1x1x256x256xf32>,
    %mul3A_54 = arith.mulf %dot_general3A_25, %div3A_47 : vector<256x256xf32>
    %swap3A_55 = arith.constant 0 : index
    %swap3A_56 = arith.constant 1 : index
    %swap3A_57 = arith.constant 0 : index
    %swap3A_58 = arith.constant 0 : index
    %swap3A_59 = vector.load %arg6[%swap3A_55, %swap3A_56, %swap3A_57, %swap3A_58] : memref<1x3x256x256xf32, #tpu.memory_space<vmem>>, vector<1x1x256x256xf32>
    %swap3A_60 = vector.shape_cast %swap3A_59 : vector<1x1x256x256xf32> to vector<256x256xf32>
    %swap3A_61 = vector.shape_cast %mul3A_54 : vector<256x256xf32> to vector<1x1x256x256xf32>
    tpu.vector_store %arg6[%swap3A_55, %swap3A_56, %swap3A_57, %swap3A_58], %swap3A_61 {strides = array<i32>} : memref<1x3x256x256xf32, #tpu.memory_space<vmem>>, vector<1x1x256x256xf32>,
    %mul3A_62 = arith.mulf %dot_general3A_35, %div3A_47 : vector<256x256xf32>
    %swap3A_63 = arith.constant 0 : index
    %swap3A_64 = arith.constant 2 : index
    %swap3A_65 = arith.constant 0 : index
    %swap3A_66 = arith.constant 0 : index
    %swap3A_67 = vector.load %arg6[%swap3A_63, %swap3A_64, %swap3A_65, %swap3A_66] : memref<1x3x256x256xf32, #tpu.memory_space<vmem>>, vector<1x1x256x256xf32>
    %swap3A_68 = vector.shape_cast %swap3A_67 : vector<1x1x256x256xf32> to vector<256x256xf32>
    %swap3A_69 = vector.shape_cast %mul3A_62 : vector<256x256xf32> to vector<1x1x256x256xf32>
    tpu.vector_store %arg6[%swap3A_63, %swap3A_64, %swap3A_65, %swap3A_66], %swap3A_69 {strides = array<i32>} : memref<1x3x256x256xf32, #tpu.memory_space<vmem>>, vector<1x1x256x256xf32>,
    return
  }
  func.func @transform_0(%arg0: i32) -> (i32, i32) {
    %c0_i32 = arith.constant 0 : i32
    %c0_i32_0 = arith.constant 0 : i32
    %c0_i32_1 = arith.constant 0 : i32
    return %c0_i32, %c0_i32_0 : i32, i32
  }
  func.func @transform_1(%arg0: i32) -> (i32, i32) {
    %c0_i32 = arith.constant 0 : i32
    %c0_i32_0 = arith.constant 0 : i32
    %c0_i32_1 = arith.constant 0 : i32
    return %c0_i32, %c0_i32_0 : i32, i32
  }
  func.func @transform_2(%arg0: i32) -> (i32, i32) {
    %c0_i32 = arith.constant 0 : i32
    %c0_i32_0 = arith.constant 0 : i32
    %c0_i32_1 = arith.constant 0 : i32
    return %c0_i32, %c0_i32_0 : i32, i32
  }
  func.func @transform_3(%arg0: i32) -> (i32, i32) {
    %c0_i32 = arith.constant 0 : i32
    %c0_i32_0 = arith.constant 0 : i32
    %c0_i32_1 = arith.constant 0 : i32
    return %c0_i32, %c0_i32_0 : i32, i32
  }
  func.func @transform_4(%arg0: i32) -> (i32, i32, i32, i32) {
    %c0_i32 = arith.constant 0 : i32
    %c0_i32_0 = arith.constant 0 : i32
    %c0_i32_1 = arith.constant 0 : i32
    %c0_i32_2 = arith.constant 0 : i32
    return %arg0, %c0_i32, %c0_i32_0, %c0_i32_1 : i32, i32, i32, i32
  }
  func.func @transform_5(%arg0: i32) -> (i32, i32, i32, i32) {
    %c0_i32 = arith.constant 0 : i32
    %c0_i32_0 = arith.constant 0 : i32
    %c0_i32_1 = arith.constant 0 : i32
    %c0_i32_2 = arith.constant 0 : i32
    return %arg0, %c0_i32, %c0_i32_0, %c0_i32_1 : i32, i32, i32, i32
  }
}

</mosaic_0001>

<sc_bundles>
// kernel: kernel.4.cloned.1.call-start
scs
__scs_entry_jumppad:
0x0: {  	(pc) =	sbr.rel $0x88, $3  }
0x1: {  	(tag) =	ssettag $0x0;
	lr =	simm.s32 $0x1  }
0x2: {  	[smem:$0x3F9C] =	sst lr;
	_ =	strace $0xD0000000  }
0x3: {  	_ = 	snop  }
0x4: {  	_ = 	snop  }
0x5: {  	_ = 	snop  }
0x6: {  	_ = 	snop  }
0x7: {  	_ = 	snop  }
__scs_overlays_trampoline_lowered:
0x8: {  	[smem:$0x3FAB] =	sst s0  }
0x9: {  	[smem:$0x3FAC] =	sst s1  }
0xa: {  	[smem:$0x3FAD] =	sst s2  }
0xb: {  	[smem:$0x3FAE] =	sst s3  }
0xc: {  	[smem:$0x3FAF] =	sst s4  }
0xd: {  	[smem:$0x3FB0] =	sst s5  }
0xe: {  	[smem:$0x3FB1] =	sst s6  }
0xf: {  	[smem:$0x3FB2] =	sst s7  }
0x10: {  	[smem:$0x3FB3] =	sst s8  }
0x11: {  	[smem:$0x3FB4] =	sst s9;
	s0 =	simm.s32 @!p0 $0x0  }
0x12: {  	s1 =	sld [smem:$0x3F9A];
	s0 =	simm.s32 @p0 $0x1  }
0x13: {  	[smem:$0x3FB5] =	sst s0;
	s0 =	simm.s32 @!p1 $0x0  }
0x14: {  	s2 =	sld [smem:$0x3F99];
	s0 =	simm.s32 @p1 $0x1  }
0x15: {  	[smem:$0x3FB6] =	sst s0;
	s0 =	simm.s32 @!p2 $0x0  }
0x16: {  	s3 =	sld [smem:$0x3FDB];
	s0 =	simm.s32 @p2 $0x1  }
0x17: {  	s4 =	simm.s32 $0x1BF5;
	[smem:$0x3FB8] =	sst s0  }
0x18: {  	s0 =	sld [smem:$0x3F9B];
	_ =	swait.ge [sflag:s4], $0x0  }
0x19: {  	s7 =	sld [smem:$0x3F9C]  }
0x1a: {  	s8 =	sadd.s32 $0xFFFFE003, lr  }
0x1b: {  	s9 =	sadd.s32 $0xFFFFFEF7, lr;
	s5 =	simm.s32 $0xFFFFFFFF;
	p2 =	slt.u32 s8, $0xFFFFF086  }
0x1c: {  	p1 =	slt.u32 s9, $0xF7A;
	s5 =	simm.s32 @!p2 $0x0  }
0x1d: {  	s5 =	simm.s32 @p1 $0x1;
	p0 =	seq.s32 s7, s2  }
0x1e: {  	s7 =	smul.u32 @!p0 $0xF7A, s2;
	p2 =	seq.s32 @!p0 s5, $0x0  }
0x1f: {  	s9 =	smul.u32 $0xF7A, s1;
	s8 =	simm.s32 @!p0 $0x1BF5;
	p2 =	por !p2, p0  }
0x20: {  	[sflag:s8] =	ssyncset.s32 @!p0 $0xFFFFF086;
	s6 =	sadd.s32 @!p0 s3, s7;
	s7 =	simm.s32 @!p0 $0x108  }
0x21: {  	s3 =	sadd.s32 s3, s9;
	s6 =	sadd.s32 @!p0 $0x88, s6;
	s7 =	simm.s32 @p2 $0x1082  }
0x22: {  	[simem:s7], [sflag:s8] =	dma.local @!p0 [hbm:s6], $0xF7A  }
0x23: {  	s9 =	sor.u32 $0xD0000000, s2;
	s6 =	simm.s32 $0x108;
	_ =	swait.ge @!p0 [sflag:s8], $0x0  }
0x24: {  	s3 =	sadd.s32 $0x88, s3;
	s6 =	simm.s32 @!p1 $0x1082;
	[sflag:s4] =	ssyncset.s32 $0xFFFFF086  }
0x25: {  	[simem:s6], [sflag:s4] =	dma.local [hbm:s3], $0xF7A  }
0x26: {  	[smem:$0x3F9C] =	sst s1;
	(tag) =	ssettag s2;
	_ =	strace s9  }
0x27: {  	s1 =	sld [smem:$0x3FAC]  }
0x28: {  	s2 =	sld [smem:$0x3FAD]  }
0x29: {  	s4 =	sld [smem:$0x3FAF]  }
0x2a: {  	p0 =	seq.s32 s5, $0x0;
	s5 =	sld [smem:$0x3FB0]  }
0x2b: {  	s6 =	sld [smem:$0x3FB1]  }
0x2c: {  	s7 =	sld [smem:$0x3FB2]  }
0x2d: {  	s3 =	simm.s32 $0x108;
	s8 =	sld [smem:$0x3FB3]  }
0x2e: {  	s3 =	simm.s32 @!p0 $0x1082;
	s9 =	sld [smem:$0x3FB4]  }
0x2f: {  	lr =	sadd.s32 s0, s3;
	s0 =	sld [smem:$0x3FAB]  }
0x30: {  	s3 =	sld [smem:$0x3FAE]  }
0x31: {  	[smem:$0x3FB7] =	sst s10  }
0x32: {  	s10 =	sld [smem:$0x3FB5];
	_ =	sdelay $0x3  }
0x33: {  	p0 =	seq.s32 s10, $0x1;
	s10 =	sld [smem:$0x3FB7];
	_ =	sdelay $0x3  }
0x34: {  	[smem:$0x3FB7] =	sst s10  }
0x35: {  	s10 =	sld [smem:$0x3FB6];
	_ =	sdelay $0x3  }
0x36: {  	p1 =	seq.s32 s10, $0x1;
	s10 =	sld [smem:$0x3FB7];
	_ =	sdelay $0x3  }
0x37: {  	[smem:$0x3FB7] =	sst s10  }
0x38: {  	s10 =	sld [smem:$0x3FB8]  }
0x39: {  	_ = 	snop;
	(pc) =	sbr.ind lr, $3  }
0x3a: {  	_ = 	snop  }
0x3b: {  	_ = 	snop  }
0x3c: {  	p2 =	seq.s32 s10, $0x1;
	s10 =	sld [smem:$0x3FB7]  }
0x3d: {  	_ =	shalt  }
0x3e: {  	_ =	shalt  }
0x3f: {  	_ =	shalt  }
0x40: {  	_ =	shalt  }
0x41: {  	_ =	shalt  }
0x42: {  	_ =	shalt  }
0x43: {  	_ =	shalt  }
0x44: {  	_ =	shalt  }
0x45: {  	_ =	shalt  }
0x46: {  	_ =	shalt  }
0x47: {  	_ =	shalt  }
0x48: {  	_ =	shalt  }
0x49: {  	_ =	shalt  }
0x4a: {  	_ =	shalt  }
0x4b: {  	_ =	shalt  }
0x4c: {  	_ =	shalt  }
0x4d: {  	_ =	shalt  }
0x4e: {  	_ =	shalt  }
0x4f: {  	_ =	shalt  }
0x50: {  	_ =	shalt  }
0x51: {  	_ =	shalt  }
0x52: {  	_ =	shalt  }
0x53: {  	_ =	shalt  }
0x54: {  	_ =	shalt  }
0x55: {  	_ =	shalt  }
0x56: {  	_ =	shalt  }
0x57: {  	_ =	shalt  }
0x58: {  	_ =	shalt  }
0x59: {  	_ =	shalt  }
0x5a: {  	_ =	shalt  }
0x5b: {  	_ =	shalt  }
0x5c: {  	_ =	shalt  }
0x5d: {  	_ =	shalt  }
0x5e: {  	_ =	shalt  }
0x5f: {  	_ =	shalt  }
0x60: {  	_ =	shalt  }
0x61: {  	_ =	shalt  }
0x62: {  	_ =	shalt  }
0x63: {  	_ =	shalt  }
0x64: {  	_ =	shalt  }
0x65: {  	_ =	shalt  }
0x66: {  	_ =	shalt  }
0x67: {  	_ =	shalt  }
0x68: {  	_ =	shalt  }
0x69: {  	_ =	shalt  }
0x6a: {  	_ =	shalt  }
0x6b: {  	_ =	shalt  }
0x6c: {  	_ =	shalt  }
0x6d: {  	_ =	shalt  }
0x6e: {  	_ =	shalt  }
0x6f: {  	_ =	shalt  }
0x70: {  	_ =	shalt  }
0x71: {  	_ =	shalt  }
0x72: {  	_ =	shalt  }
0x73: {  	_ =	shalt  }
0x74: {  	_ =	shalt  }
0x75: {  	_ =	shalt  }
0x76: {  	_ =	shalt  }
0x77: {  	_ =	shalt  }
0x78: {  	_ =	shalt  }
0x79: {  	_ =	shalt  }
0x7a: {  	_ =	shalt  }
0x7b: {  	_ =	shalt  }
0x7c: {  	_ =	shalt  }
0x7d: {  	_ =	shalt  }
0x7e: {  	_ =	shalt  }
0x7f: {  	_ =	shalt  }
0x80: {  	_ =	shalt  }
0x81: {  	_ =	shalt  }
0x82: {  	_ =	shalt  }
0x83: {  	_ =	shalt  }
0x84: {  	_ =	shalt  }
0x85: {  	_ =	shalt  }
0x86: {  	_ =	shalt  }
0x87: {  	_ =	shalt  }
.Lfunc_end0:
.L_simem_size_0:
called_computation_lowered:
.L_overlay_start_0:
0x88: {  	s2 =	sld [smem:$0x3FD9]  }
0x89: {  	s3 =	sld [smem:$0x3FFE];
	_ =	sdelay $0x1  }
0x8a: {  	s1 =	srdreg.scid  }
0x8b: {  	s0 =	sand.u32 $0x1, s1  }
0x8c: {  	s17 =	sshll.u32 s0, $0xA;
	s2 =	sadd.s32 s3, s2  }
0x8d: {  	s2 =	sadd.s32 s2, s17  }
0x8e: {  	[smem:$0x3FC3] =	sst s2  }
0x8f: {  	_ = 	snop  }
0x90: {  	s2 =	sld [smem:$0x3FC6]  }
0x91: {  	s18 =	sld [smem:$0x3FC5]  }
0x92: {  	s4 =	sld [smem:$0x3FD0];
	(tm) =	ssettm $0x1  }
0x93: {  	s5 =	sld [smem:$0x3FFB];
	_ =	sdelay $0x3  }
0x94: {  	_ =	strace s5  }
0x95: {  	s5 =	sld [smem:$0x3FFC];
	_ =	sdelay $0x3  }
0x96: {  	_ =	strace s5  }
0x97: {  	s5 =	sld [smem:$0x3FFD];
	_ =	sdelay $0x3  }
0x98: {  	_ =	strace s5  }
0x99: {  	_ =	strace $0x8FFFFFFF  }
0x9a: {  	s19 =	sld [smem:$0x3FDB];
	_ =	sdelay $0x1  }
0x9b: {  	s6 =	simm.s32 $_scs_section_size  }
0x9c: {  	s7 =	simm.s32 $_size__tile_overlayer_lowered;
	s8 =	simm.s32 $_tile_overlayer_lowered  }
0x9d: {  	s22 =	simm.s32 $0x1BFF;
	s21 =	sshll.u32 s8, $0x1;
	s5 =	sadd.s32 s6, s19  }
0x9e: {  	s9 =	simm.s32 $0x0;
	s20 =	sshll.u32 s7, $0x1;
	s7 =	sadd.s32 s21, s5  }
0x9f: {  	[timem:s9], [sflag:s22] =	dma.local [hbm:s7], s20  }
0xa0: {  	_ =	swait.ge [sflag:s22], s20  }
0xa1: {  	s6 =	ssub.s32 $0x0, s20;
	[sflag:s22] =	ssyncset.done $0x0  }
0xa2: {  	[sflag:s22] =	ssyncadd.s32 s6;
	_ =	sdelay $0x1  }
0xa3: {  	s23 =	simm.s32 $0x1B8B  }
0xa4: {  	_ =	swait.ge [sflag:s23], $0x1  }
0xa5: {  	[sflag:s23] =	ssyncset.done $0x0  }
0xa6: {  	s25 =	simm.s32 $0x1B8E;
	s24 =	sld [smem:$0x3FFE];
	[sflag:s23] =	ssyncadd.s32 $0xFFFFFFFF  }
0xa7: {  	s26 =	simm.s32 $execute0_lowered;
	[smem:$0x3FD2] =	sst s25  }
0xa8: {  	s7 =	sshll.u32 s26, $0x1;
	_ =	strace $0x80000046;
	[dreg:$0x1] =	wrdreg $0xFFFFFFFF  }
0xa9: {  	s28 =	simm.s32 $_size_execute0_lowered;
	s5 =	sadd.s32 s5, s7;
	[dreg:$0x0] =	wrdreg $0x0  }
0xaa: {  	s7 =	sshll.u32 s28, $0x1;
	[dreg:$0x2] =	wrdreg s5  }
0xab: {  	[dreg:$0x3] =	wrdreg s7  }
0xac: {  	[dreg:$0x4] =	wrdreg $0xC0  }
0xad: {  	_ =	task [dreg:s9], $0x5FFFF  }
0xae: {  	[dreg:$0x1] =	wrdreg $0xFFFFFFFF  }
0xaf: {  	[dreg:$0x0] =	wrdreg $0x60  }
0xb0: {  	[dreg:$0x2] =	wrdreg s4  }
0xb1: {  	[dreg:$0x3] =	wrdreg s24  }
0xb2: {  	[dreg:$0x4] =	wrdreg s2  }
0xb3: {  	[dreg:$0x5] =	wrdreg s18  }
0xb4: {  	[dreg:$0x6] =	wrdreg $0x9  }
0xb5: {  	_ =	task.clear_ibuf [dreg:s9], $0x7FFFF;
	_ =	strace $0x90000046  }
0xb6: {  	s29 =	simm.s32 $0x9;
	_ =	strace $0x80000048  }
0xb7: {  	_ =	swait.ge [sflag:s29], $0x1  }
0xb8: {  	[sflag:s29] =	ssyncadd.s32 $0xFFFFFFFF  }
0xb9: {  	_ =	strace $0x90000048  }
0xba: {  	_ =	sfence  }
0xbb: {  	s30 =	sld [smem:$0x0];
	_ =	sdelay $0x2  }
0xbc: {  	s31 =	sshll.u32 s1, $0xD;
	s1 =	sshrl.u32 s1, $0x2  }
0xbd: {  	s3 =	sand.u32 $0x4000, s31;
	s1 =	sadd.s32 s1, s30  }
0xbe: {  	s0 =	sor.u32 s3, s0;
	s1 =	sshll.u32 s1, $0x11  }
0xbf: {  	s0 =	sor.u32 s1, s0  }
0xc0: {  	s0 =	sadd.s32 $0x8F2B, s0  }
0xc1: {  	[sflag:s0] =	ssyncadd.remote.s32 $0x1  }
0xc2: {  	_ =	sfence.sel $0xFFFF  }
0xc3: {  	[dreg:$0x0] =	wrdreg $0xFFFFFFFF;
	(pc) =	sbr.abs _section_cstart, $3  }
0xc4: {  	[dreg:$0x1] =	wrdreg $0xFFFFFFFF  }
0xc5: {  	_ =	task.clear_ibuf [dreg:s9], $0x2FFFF;
	_ =	strace $0x9FFFFFFF  }
0xc6: {  	(tm) =	ssettm $0x7FFFFFFF  }
0xc7: {  	_ =	shalt  }
tec
execute0_lowered:
.L_overlay_start_1:
0x0: {  	(tag) =	ssettag $0x1  }
0x1: {  	s0 =	rddreg [dreg:$0x0]  }
0x2: {  	s4 =	rddreg [dreg:$0x1];
	s3 =	simm.s32 $0x0;
	v62 =	vlaneseq.u32  }
0x3: {  	[smem:$0x7FF] =	sst s3;
	v63 =	vmul.u32 $0x4, v62;
	v16 =	vor.u32 $0x10, v62  }
0x4: {  	s2 =	rddreg [dreg:$0x3];
	v0 =	vimm.s32 $0x0;
	vm0 =	vcmask $0x300;
	_ =	strace $0x80000047;
	[tilespmem:$0x1FFC0] =	vst v16  }
0x5: {  	v6 =	vsel vm0, $0x7, v0;
	v0 =	vor.u32 $0x41, v63;
	[tilespmem:$0x1FFF0] =	vst v63  }
0x6: {  	v3 =	vor.u32 $0x1, v63;
	[tilespmem:$0x1FEF0] =	vst v0  }
0x7: {  	v12 =	vor.u32 $0x443, v63;
	[tilespmem:$0x1FFD0] =	vst v3  }
0x8: {  	s8 =	srdreg.scid;
	v0 =	vor.u32 $0x42, v63;
	[tilespmem:$0x1FFE0] =	vst v12  }
0x9: {  	s1 =	stileid.u32;
	s13 =	simm.s32 $0x2;
	s14 =	simm.s32 $0x4000;
	[tilespmem:$0x1FF00] =	vst v0;
	v0 =	vor.u32 $0x43, v63  }
0xa: {  	s15 =	simm.s32 $0x4400;
	s16 =	simm.s32 $0x4800;
	s17 =	simm.s32 $0x4900;
	[tilespmem:$0x1FF10] =	vst v0;
	v0 =	vor.u32 $0x400, v63  }
0xb: {  	s18 =	simm.s32 $0x4A00;
	s19 =	simm.s32 $0x5A00;
	s20 =	simm.s32 $0x7A00;
	[tilespmem:$0x1FF20] =	vst v0;
	v0 =	vor.u32 $0x20, v62  }
0xc: {  	s21 =	simm.s32 $0x9A00;
	s22 =	simm.s32 $0x1;
	s23 =	simm.s32 $0x0;
	[tilespmem:$0x1FF30] =	vst v0;
	v0 =	vor.u32 $0x401, v63  }
0xd: {  	s5 =	sadd.s32 $0xE00, s4;
	s6 =	sadd.s32 $0x1000, s4;
	s7 =	sadd.s32 $0x1200, s4;
	[tilespmem:$0x1FF40] =	vst v0;
	v0 =	vor.u32 $0x30, v62  }
0xe: {  	s24 =	sand.u32 $0x1, s8;
	s25 =	sshll.u32 s1, $0x1;
	s10 =	sshrl.u32 s1, $0x1;
	[tilespmem:$0x1FF50] =	vst v0;
	v0 =	vor.u32 $0x441, v63  }
0xf: {  	s29 =	sand.u32 $0x1, s1;
	s9 =	ssub.s32 $0x2, s24;
	s8 =	sand.u32 $0x2, s25;
	[tilespmem:$0x1FF60] =	vst v0;
	v0 =	vor.u32 $0x442, v63  }
0x10: {  	s12 =	smul.u32 $0x30000, s10;
	s26 =	sshll.u32 s10, $0xB;
	s30 =	sshll.u32 s29, $0x7;
	[tilespmem:$0x1FF70] =	vst v0;
	v0 =	vor.u32 $0x40, v62  }
0x11: {  	s31 =	sshll.u32 s24, $0x6;
	s11 =	sshrl.u32 s9, $0x1;
	s8 =	sor.u32 s24, s8;
	[tilespmem:$0x1FF80] =	vst v0;
	v0 =	vor.u32 $0x50, v62  }
0x12: {  	s4 =	sshll.u32 s24, $0x8;
	v15 =	vor.u32 $0x2, v63;
	s11 =	ssub.s32 s9, s11;
	s28 =	sshll.u32 s8, $0xE;
	[tilespmem:$0x1FF90] =	vst v0;
	v0 =	vor.u32 $0x60, v62  }
0x13: {  	v9 =	vor.u32 $0x3, v63;
	v10 =	vor.u32 $0x40, v63;
	s8 =	sadd.s32 s0, s26;
	s0 =	sshll.u32 s29, $0x9;
	s9 =	sor.u32 s12, s28;
	[tilespmem:$0x1FFA0] =	vst v0;
	v0 =	vor.u32 $0x70, v62  }
0x14: {  	v17 =	vor.u32 $0x402, v63;
	v20 =	vor.u32 $0x403, v63;
	v21 =	vor.u32 $0x440, v63;
	s10 =	smax.u32 s11, $0x1;
	s11 =	sor.u32 s31, s30;
	s12 =	sor.u32 s4, s0;
	[tilespmem:$0x1FFB0] =	vst v0  }
.LBB2_1:
0x15: {  	[tilespmem:s3], [sflag:$0x2] =	stream.linear.gather [hbm4b:s8+s3], $0x4000, $0x38;
	[tilespmem:$0xBA00] =	vst v63  }
0x16: {  	_ =	swait.ge [sflag:s13], $0x4000  }
0x17: {  	[sflag:s13] =	ssyncset.done $0x0  }
0x18: {  	[sflag:s13] =	ssyncadd.s32 $0xFFFFC000  }
0x19: {  	[tilespmem:s14], [sflag:$0x2] =	stream.linear.gather [hbm4b:s5+s3], $0x400, $0x38;
	[tilespmem:$0xBA00] =	vst v63  }
0x1a: {  	_ =	swait.ge [sflag:s13], $0x400  }
0x1b: {  	[sflag:s13] =	ssyncset.done $0x0  }
0x1c: {  	[sflag:s13] =	ssyncadd.s32 $0xFFFFFC00  }
0x1d: {  	[tilespmem:s15], [sflag:$0x2] =	stream.linear.gather [hbm4b:s6+s3], $0x400, $0x38;
	[tilespmem:$0xBA00] =	vst v63  }
0x1e: {  	_ =	swait.ge [sflag:s13], $0x400  }
0x1f: {  	[sflag:s13] =	ssyncset.done $0x0  }
0x20: {  	[sflag:s13] =	ssyncadd.s32 $0xFFFFFC00  }
0x21: {  	s0 =	rddreg [dreg:$0x2]  }
0x22: {  	[tilespmem:s16], [sflag:$0x2] =	stream.linear.gather [hbm4b:s0+s3], $0x100, $0x38;
	[tilespmem:$0xBA00] =	vst v63  }
0x23: {  	_ =	swait.ge [sflag:s13], $0x100  }
0x24: {  	[sflag:s13] =	ssyncset.done $0x0  }
0x25: {  	[sflag:s13] =	ssyncadd.s32 $0xFFFFFF00  }
0x26: {  	[tilespmem:s17], [sflag:$0x2] =	stream.linear.gather [hbm4b:s2+s3], $0x100, $0x38;
	[tilespmem:$0xBA00] =	vst v63  }
0x27: {  	_ =	swait.ge [sflag:s13], $0x100  }
0x28: {  	s24 =	smov.u32 s12;
	[sflag:s13] =	ssyncset.done $0x0  }
0x29: {  	s25 =	smov.u32 s11;
	s26 =	simm.s32 $0x0;
	[sflag:s13] =	ssyncadd.s32 $0xFFFFFF00  }
.LBB2_2:
0x2a: {  	p0 =	slt.u32 s26, $0x2  }
0x2b: {  	s0 =	simm.s32 @!p0 $0x1  }
0x2c: {  	_ =	swait.ge @!p0 [sflag:s0], $0x1000  }
0x2d: {  	[sflag:s0] =	ssyncset.done @!p0 $0x0  }
0x2e: {  	[sflag:s0] =	ssyncadd.s32 @!p0 $0xFFFFF000  }
0x2f: {  	_ =	swait.ge @!p0 [sflag:s0], $0x1000  }
0x30: {  	[sflag:s0] =	ssyncset.done @!p0 $0x0  }
0x31: {  	[sflag:s0] =	ssyncadd.s32 @!p0 $0xFFFFF000  }
0x32: {  	_ =	swait.ge @!p0 [sflag:s0], $0x1000  }
0x33: {  	s28 =	sshll.u32 s26, $0x4;
	s29 =	simm.s32 $0xFFFFFFFC;
	[sflag:s0] =	ssyncset.done @!p0 $0x0  }
0x34: {  	s30 =	simm.s32 $0x0;
	s31 =	simm.s32 $0xCF0;
	v19 =	vld [tilespmem:$0x1FF70];
	[sflag:s0] =	ssyncadd.s32 @!p0 $0xFFFFF000  }
.LBB2_3:
0x35: {  	s4 =	sadd.s32 s29, s25  }
0x36: {  	s0 =	sadd.s32 $0x4, s4  }
0x37: {  	v26 =	vmov s0  }
0x38: {  	v26 =	vand.u32 $0xFFFFFFFC, v26  }
0x39: {  	v26 =	vbroadcast v26, $0x0;
	_ =	sdelay $0x5  }
0x3a: {  	v26 =	vld.idx.msk [tilespmem:v26+s16+$0x0], $0xffff;
	_ =	sdelay $0x2  }
0x3b: {  	s0 =	sadd.s32 s30, s24  }
0x3c: {  	v29 =	vmov s0  }
0x3d: {  	v33 =	vor.u32 $0x1, v29;
	v34 =	vor.u32 $0x2, v29;
	v27 =	vadd.s32 $0xFFFFFFFD, v26  }
0x3e: {  	v38 =	vadd.s32 $0xFFFFFFFE, v26;
	v28 =	vshll.u32 v27, $0x8;
	v27 =	vshll.u32 v27, $0x7  }
0x3f: {  	v32 =	vadd.s32 $0xFFFFFFFF, v26;
	v28 =	vand.u32 $0xFFFFF800, v28;
	v27 =	vand.u32 $0x380, v27  }
0x40: {  	v39 =	vshll.u32 v38, $0x8;
	v30 =	vor.u32 v27, v28;
	v27 =	vshll.u32 v38, $0x7  }
0x41: {  	v40 =	vshll.u32 v32, $0x8;
	v28 =	vand.u32 $0xFFFFF800, v39;
	v27 =	vand.u32 $0x380, v27  }
0x42: {  	v41 =	vshll.u32 v32, $0x7;
	v35 =	vor.u32 v63, v30;
	v31 =	vor.u32 v27, v28  }
0x43: {  	v27 =	vand.u32 $0xFFFFF800, v40;
	v28 =	vand.u32 $0x380, v41;
	v36 =	vor.u32 v63, v31  }
0x44: {  	v42 =	vshll.u32 v26, $0x8;
	v26 =	vshll.u32 v26, $0x7;
	v32 =	vor.u32 v28, v27  }
0x45: {  	v26 =	vand.u32 $0x380, v26;
	v38 =	vand.u32 $0xFFFFF800, v42;
	v27 =	vld.idx.msk [tilespmem:v29+s14+$0x0], $0xffff;
	v37 =	vor.u32 v63, v32  }
0x46: {  	v39 =	vor.u32 $0x3, v29;
	v28 =	vld.idx.msk [tilespmem:v33+s14+$0x0], $0xffff;
	v33 =	vor.u32 v26, v38  }
0x47: {  	v38 =	vor.u32 v63, v33;
	v35 =	vld.idx.msk [tilespmem:v35+s3+$0x0], $0xffff  }
0x48: {  	v36 =	vld.idx.msk [tilespmem:v36+s3+$0x0], $0xffff  }
0x49: {  	v29 =	vld.idx.msk [tilespmem:v34+s14+$0x0], $0xffff  }
0x4a: {  	s1 =	sadd.s32 $0xFFFFF310, s31;
	v43 =	vld.idx.msk [tilespmem:v37+s3+$0x0], $0xffff  }
0x4b: {  	v44 =	vmov s1;
	v26 =	vld.idx.msk [tilespmem:v39+s14+$0x0], $0xffff  }
0x4c: {  	v38 =	vld.idx.msk [tilespmem:v38+s3+$0x0], $0xffff;
	v37 =	vshrl.u32 v44, $0x7  }
0x4d: {  	v37 =	vshll.u32 v37, v6;
	v35 =	vmul.f32 v35, v27;
	v36 =	vmul.f32 v36, v28  }
0x4e: {  	v11 =	vbroadcast v37, $0x0  }
0x4f: {  	v34 =	vmul.f32 v43, v29;
	v35 =	vadd.f32 v36, v35  }
0x50: {  	v45 =	vor.u32 v62, v11  }
0x51: {  	v47 =	vor.u32 v3, v30;
	v46 =	vmul.f32 v38, v26;
	v34 =	vadd.f32 v34, v35  }
0x52: {  	v48 =	vor.u32 v3, v31  }
0x53: {  	v34 =	vadd.f32 v46, v34  }
0x54: {  	v49 =	vor.u32 v3, v32  }
0x55: {  	[tilespmem:v45+s18+$0x0] =	vst.idx.msk $0xffff, v34  }
0x56: {  	v50 =	vor.u32 v3, v33;
	v34 =	vld.idx.msk [tilespmem:v47+s3+$0x0], $0xffff  }
0x57: {  	v51 =	vld.idx.msk [tilespmem:v48+s3+$0x0], $0xffff;
	_ =	sdelay $0x1  }
0x58: {  	s1 =	sadd.s32 $0xFFFFF710, s31;
	v35 =	vld.idx.msk [tilespmem:v49+s3+$0x0], $0xffff  }
0x59: {  	v52 =	vmov s1  }
0x5a: {  	v38 =	vshrl.u32 v52, $0x7;
	v36 =	vld.idx.msk [tilespmem:v50+s3+$0x0], $0xffff  }
0x5b: {  	v38 =	vshll.u32 v38, v6;
	v34 =	vmul.f32 v34, v27;
	v37 =	vmul.f32 v51, v28  }
0x5c: {  	v38 =	vbroadcast v38, $0x0  }
0x5d: {  	v35 =	vmul.f32 v35, v29;
	v34 =	vadd.f32 v37, v34  }
0x5e: {  	v53 =	vor.u32 v62, v38  }
0x5f: {  	v55 =	vor.u32 v15, v30;
	v54 =	vmul.f32 v36, v26;
	v34 =	vadd.f32 v35, v34  }
0x60: {  	v56 =	vor.u32 v15, v31  }
0x61: {  	v34 =	vadd.f32 v54, v34  }
0x62: {  	v57 =	vor.u32 v15, v32  }
0x63: {  	[tilespmem:v53+s18+$0x0] =	vst.idx.msk $0xffff, v34  }
0x64: {  	v58 =	vor.u32 v15, v33;
	v34 =	vld.idx.msk [tilespmem:v55+s3+$0x0], $0xffff  }
0x65: {  	v37 =	vld.idx.msk [tilespmem:v56+s3+$0x0], $0xffff;
	_ =	sdelay $0x1  }
0x66: {  	s1 =	sadd.s32 $0xFFFFFB10, s31;
	v35 =	vld.idx.msk [tilespmem:v57+s3+$0x0], $0xffff  }
0x67: {  	v59 =	vmov s1  }
0x68: {  	v38 =	vshrl.u32 v59, $0x7;
	v36 =	vld.idx.msk [tilespmem:v58+s3+$0x0], $0xffff  }
0x69: {  	v38 =	vshll.u32 v38, v6;
	v34 =	vmul.f32 v34, v27;
	v37 =	vmul.f32 v37, v28  }
0x6a: {  	v38 =	vbroadcast v38, $0x0  }
0x6b: {  	v35 =	vmul.f32 v35, v29;
	v34 =	vadd.f32 v37, v34  }
0x6c: {  	v60 =	vor.u32 v62, v38  }
0x6d: {  	v24 =	vor.u32 v9, v30;
	v61 =	vmul.f32 v36, v26;
	v34 =	vadd.f32 v35, v34  }
0x6e: {  	v25 =	vor.u32 v9, v31  }
0x6f: {  	v34 =	vadd.f32 v61, v34  }
0x70: {  	v40 =	vor.u32 v9, v32  }
0x71: {  	[tilespmem:v60+s18+$0x0] =	vst.idx.msk $0xffff, v34  }
0x72: {  	v41 =	vor.u32 v9, v33;
	v34 =	vld.idx.msk [tilespmem:v24+s3+$0x0], $0xffff  }
0x73: {  	v37 =	vld.idx.msk [tilespmem:v25+s3+$0x0], $0xffff;
	_ =	sdelay $0x1  }
0x74: {  	s1 =	sadd.s32 $0xFFFFFF10, s31;
	v35 =	vld.idx.msk [tilespmem:v40+s3+$0x0], $0xffff  }
0x75: {  	v42 =	vmov s1  }
0x76: {  	v38 =	vshrl.u32 v42, $0x7;
	v36 =	vld.idx.msk [tilespmem:v41+s3+$0x0], $0xffff  }
0x77: {  	v38 =	vshll.u32 v38, v6;
	v34 =	vmul.f32 v34, v27;
	v37 =	vmul.f32 v37, v28  }
0x78: {  	v38 =	vbroadcast v38, $0x0  }
0x79: {  	v35 =	vmul.f32 v35, v29;
	v34 =	vadd.f32 v37, v34  }
0x7a: {  	v43 =	vor.u32 v62, v38  }
0x7b: {  	v45 =	vor.u32 v10, v30;
	v44 =	vmul.f32 v36, v26;
	v34 =	vadd.f32 v35, v34  }
0x7c: {  	v46 =	vor.u32 v10, v31  }
0x7d: {  	v34 =	vadd.f32 v44, v34  }
0x7e: {  	v47 =	vor.u32 v10, v32  }
0x7f: {  	[tilespmem:v43+s18+$0x0] =	vst.idx.msk $0xffff, v34  }
0x80: {  	v48 =	vor.u32 v10, v33;
	v34 =	vld.idx.msk [tilespmem:v45+s3+$0x0], $0xffff  }
0x81: {  	v37 =	vld.idx.msk [tilespmem:v46+s3+$0x0], $0xffff;
	_ =	sdelay $0x1  }
0x82: {  	v35 =	vld.idx.msk [tilespmem:v47+s3+$0x0], $0xffff  }
0x83: {  	v1 =	vld [tilespmem:$0x1FEF0];
	s1 =	sadd.s32 $0x5, s4  }
0x84: {  	v55 =	vmov s1;
	v36 =	vld.idx.msk [tilespmem:v48+s3+$0x0], $0xffff  }
0x85: {  	v38 =	vand.u32 $0xFFFFFFFD, v55;
	v34 =	vmul.f32 v34, v27;
	v37 =	vmul.f32 v37, v28  }
0x86: {  	v38 =	vbroadcast v38, $0x0  }
0x87: {  	v35 =	vmul.f32 v35, v29;
	v34 =	vadd.f32 v37, v34  }
0x88: {  	v49 =	vor.u32 v16, v11  }
0x89: {  	v51 =	vor.u32 v1, v30;
	v50 =	vmul.f32 v36, v26;
	v34 =	vadd.f32 v35, v34  }
0x8a: {  	v52 =	vor.u32 v1, v31  }
0x8b: {  	v34 =	vadd.f32 v50, v34  }
0x8c: {  	v53 =	vor.u32 v1, v32;
	v38 =	vld.idx.msk [tilespmem:v38+s16+$0x0], $0xffff  }
0x8d: {  	v54 =	vor.u32 v1, v33;
	[tilespmem:v49+s18+$0x0] =	vst.idx.msk $0xffff, v34  }
0x8e: {  	v34 =	vld.idx.msk [tilespmem:v51+s3+$0x0], $0xffff  }
0x8f: {  	v37 =	vld.idx.msk [tilespmem:v52+s3+$0x0], $0xffff;
	_ =	sdelay $0x1  }
0x90: {  	s1 =	sadd.s32 $0xFFFFF720, s31;
	v62 =	vadd.s32 $0xFFFFFFFD, v38;
	v35 =	vld.idx.msk [tilespmem:v53+s3+$0x0], $0xffff  }
0x91: {  	v56 =	vmov s1;
	v40 =	vshll.u32 v62, $0x8;
	v36 =	vld.idx.msk [tilespmem:v54+s3+$0x0], $0xffff  }
0x92: {  	v39 =	vshll.u32 v62, $0x7;
	v24 =	vadd.s32 $0xFFFFFFFE, v38;
	v40 =	vand.u32 $0xFFFFF800, v40  }
0x93: {  	v39 =	vand.u32 $0x380, v39;
	v34 =	vmul.f32 v34, v27;
	v37 =	vmul.f32 v37, v28  }
0x94: {  	v39 =	vor.u32 v39, v40;
	v40 =	vshll.u32 v24, $0x7;
	v52 =	vshll.u32 v24, $0x8  }
0x95: {  	v14 =	vld [tilespmem:$0x1FF00];
	v35 =	vmul.f32 v35, v29;
	v34 =	vadd.f32 v37, v34;
	v37 =	vshrl.u32 v56, $0x7  }
0x96: {  	v53 =	vand.u32 $0x380, v40;
	v57 =	vmul.f32 v36, v26;
	v58 =	vshll.u32 v37, v6  }
0x97: {  	v34 =	vadd.f32 v35, v34;
	v36 =	vbroadcast v58, $0x0;
	v35 =	vand.u32 $0xFFFFF800, v52  }
0x98: {  	v25 =	vor.u32 v63, v39;
	v40 =	vor.u32 v53, v35  }
0x99: {  	v59 =	vor.u32 v16, v36;
	v48 =	vor.u32 v63, v40  }
0x9a: {  	v60 =	vor.u32 v14, v30  }
0x9b: {  	v4 =	vld [tilespmem:$0x1FF10];
	v42 =	vor.u32 v14, v33;
	s1 =	sadd.s32 $0x4, s0;
	v61 =	vor.u32 v14, v31  }
0x9c: {  	v5 =	vld [tilespmem:$0x1FF80];
	v41 =	vor.u32 v14, v32;
	v43 =	vmov s1;
	v34 =	vadd.f32 v57, v34  }
0x9d: {  	v47 =	vadd.s32 $0xFFFFFFFF, v38;
	v58 =	vld.idx.msk [tilespmem:v25+s3+$0x0], $0xffff;
	v57 =	vshll.u32 v38, $0x8;
	v38 =	vshll.u32 v38, $0x7  }
0x9e: {  	v44 =	vor.u32 $0x1, v43;
	v51 =	vand.u32 $0xFFFFF800, v57;
	v38 =	vand.u32 $0x380, v38;
	[tilespmem:v59+s18+$0x0] =	vst.idx.msk $0xffff, v34;
	v48 =	vld.idx.msk [tilespmem:v48+s3+$0x0], $0xffff  }
0x9f: {  	v55 =	vshll.u32 v47, $0x7;
	v54 =	vshll.u32 v47, $0x8;
	v38 =	vor.u32 v38, v51;
	v46 =	vld.idx.msk [tilespmem:v60+s3+$0x0], $0xffff  }
0xa0: {  	v35 =	vand.u32 $0xFFFFF800, v54;
	v36 =	vand.u32 $0x380, v55;
	v51 =	vor.u32 v63, v38;
	v37 =	vld.idx.msk [tilespmem:v61+s3+$0x0], $0xffff  }
0xa1: {  	v45 =	vor.u32 $0x2, v43;
	v56 =	vld.idx.msk [tilespmem:v41+s3+$0x0], $0xffff;
	v41 =	vor.u32 v36, v35  }
0xa2: {  	v42 =	vld.idx.msk [tilespmem:v42+s3+$0x0], $0xffff;
	v49 =	vor.u32 v63, v41  }
0xa3: {  	s1 =	sadd.s32 $0xFFFFFB20, s31;
	v35 =	vld.idx.msk [tilespmem:v43+s14+$0x0], $0xffff;
	v43 =	vor.u32 $0x3, v43  }
0xa4: {  	v52 =	vmov s1;
	v36 =	vld.idx.msk [tilespmem:v44+s14+$0x0], $0xffff  }
0xa5: {  	v24 =	vshrl.u32 v52, $0x7;
	v55 =	vld.idx.msk [tilespmem:v51+s3+$0x0], $0xffff  }
0xa6: {  	v52 =	vshll.u32 v24, v6;
	v60 =	vmul.f32 v37, v28;
	v37 =	vld.idx.msk [tilespmem:v45+s14+$0x0], $0xffff  }
0xa7: {  	s1 =	sadd.s32 $0xFFFFF350, s31;
	v54 =	vbroadcast v52, $0x0;
	v25 =	vld.idx.msk [tilespmem:v49+s3+$0x0], $0xffff  }
0xa8: {  	v53 =	vmov s1;
	v59 =	vmul.f32 v46, v27;
	v62 =	vmul.f32 v56, v29;
	v34 =	vld.idx.msk [tilespmem:v43+s14+$0x0], $0xffff  }
0xa9: {  	v43 =	vshrl.u32 v53, $0x7;
	v44 =	vmul.f32 v58, v35;
	v48 =	vmul.f32 v48, v36  }
0xaa: {  	v42 =	vmul.f32 v42, v26;
	v43 =	vshll.u32 v43, v6;
	v61 =	vadd.f32 v60, v59  }
0xab: {  	v46 =	vor.u32 v16, v54;
	v59 =	vbroadcast v43, $0x0;
	v60 =	vor.u32 v4, v30  }
0xac: {  	v44 =	vadd.f32 v48, v44;
	v45 =	vadd.f32 v62, v61;
	v47 =	vmul.f32 v25, v37  }
0xad: {  	v61 =	vor.u32 v4, v31;
	v62 =	vor.u32 v5, v59;
	v24 =	vmul.f32 v55, v34  }
0xae: {  	v42 =	vadd.f32 v42, v45;
	v25 =	vor.u32 v3, v39;
	v44 =	vadd.f32 v47, v44  }
0xaf: {  	v54 =	vor.u32 v3, v40  }
0xb0: {  	[tilespmem:v46+s18+$0x0] =	vst.idx.msk $0xffff, v42;
	v55 =	vadd.f32 v24, v44  }
0xb1: {  	v56 =	vor.u32 v3, v41;
	v43 =	vld.idx.msk [tilespmem:v60+s3+$0x0], $0xffff  }
0xb2: {  	v57 =	vor.u32 v4, v32;
	v45 =	vld.idx.msk [tilespmem:v61+s3+$0x0], $0xffff;
	[tilespmem:v62+s18+$0x0] =	vst.idx.msk $0xffff, v55  }
0xb3: {  	s1 =	sadd.s32 $0xFFFFF750, s31;
	v58 =	vor.u32 v3, v38;
	v42 =	vld.idx.msk [tilespmem:v25+s3+$0x0], $0xffff  }
0xb4: {  	v60 =	vor.u32 v4, v33;
	v61 =	vmov s1;
	s1 =	sadd.s32 $0xFFFFFF20, s31;
	v48 =	vld.idx.msk [tilespmem:v54+s3+$0x0], $0xffff  }
0xb5: {  	v62 =	vmov s1  }
0xb6: {  	v51 =	vshrl.u32 v61, $0x7;
	v44 =	vld.idx.msk [tilespmem:v56+s3+$0x0], $0xffff;
	v25 =	vshrl.u32 v62, $0x7  }
0xb7: {  	v46 =	vld.idx.msk [tilespmem:v57+s3+$0x0], $0xffff;
	v51 =	vshll.u32 v51, v6;
	v49 =	vshll.u32 v25, v6  }
0xb8: {  	v51 =	vbroadcast v51, $0x0;
	v47 =	vld.idx.msk [tilespmem:v58+s3+$0x0], $0xffff;
	v54 =	vbroadcast v49, $0x0  }
0xb9: {  	v24 =	vld.idx.msk [tilespmem:v60+s3+$0x0], $0xffff;
	v42 =	vmul.f32 v42, v35;
	v48 =	vmul.f32 v48, v36  }
0xba: {  	v43 =	vmul.f32 v43, v27;
	v45 =	vmul.f32 v45, v28;
	v58 =	vor.u32 v16, v54;
	v16 =	vld [tilespmem:$0x1FF20]  }
0xbb: {  	v44 =	vmul.f32 v44, v37;
	v42 =	vadd.f32 v48, v42  }
0xbc: {  	v46 =	vmul.f32 v46, v29;
	v55 =	vor.u32 v5, v51;
	v43 =	vadd.f32 v45, v43  }
0xbd: {  	v57 =	vor.u32 v15, v39;
	v56 =	vmul.f32 v47, v34;
	v42 =	vadd.f32 v44, v42  }
0xbe: {  	v60 =	vor.u32 v15, v40;
	v43 =	vadd.f32 v46, v43  }
0xbf: {  	v45 =	vmul.f32 v24, v26;
	v61 =	vor.u32 v16, v30;
	v42 =	vadd.f32 v56, v42  }
0xc0: {  	v62 =	vor.u32 v15, v41  }
0xc1: {  	v43 =	vadd.f32 v45, v43;
	v24 =	vor.u32 v16, v31;
	[tilespmem:v55+s18+$0x0] =	vst.idx.msk $0xffff, v42  }
0xc2: {  	s1 =	sadd.s32 $0x6, s4;
	v25 =	vor.u32 v15, v38;
	v42 =	vld.idx.msk [tilespmem:v57+s3+$0x0], $0xffff  }
0xc3: {  	v52 =	vmov s1;
	[tilespmem:v58+s18+$0x0] =	vst.idx.msk $0xffff, v43;
	v54 =	vld.idx.msk [tilespmem:v60+s3+$0x0], $0xffff  }
0xc4: {  	v55 =	vand.u32 $0xFFFFFFFE, v52;
	v56 =	vld.idx.msk [tilespmem:v61+s3+$0x0], $0xffff  }
0xc5: {  	v53 =	vor.u32 v16, v32;
	v48 =	vbroadcast v55, $0x0;
	v44 =	vld.idx.msk [tilespmem:v62+s3+$0x0], $0xffff  }
0xc6: {  	v45 =	vld.idx.msk [tilespmem:v24+s3+$0x0], $0xffff  }
0xc7: {  	v47 =	vld.idx.msk [tilespmem:v25+s3+$0x0], $0xffff  }
0xc8: {  	s1 =	sadd.s32 $0xFFFFFB50, s31  }
0xc9: {  	v57 =	vmov s1;
	v62 =	vor.u32 v16, v33  }
0xca: {  	v43 =	vld.idx.msk [tilespmem:v53+s3+$0x0], $0xffff;
	v25 =	vor.u32 v9, v39;
	v42 =	vmul.f32 v42, v35;
	v46 =	vmul.f32 v54, v36  }
0xcb: {  	v53 =	vor.u32 v9, v41;
	v44 =	vmul.f32 v44, v37;
	v60 =	vmul.f32 v56, v27;
	v51 =	vld.idx.msk [tilespmem:v48+s16+$0x0], $0xffff  }
0xcc: {  	s1 =	sadd.s32 $0x8, s0;
	v58 =	vshrl.u32 v57, $0x7;
	v45 =	vmul.f32 v45, v28;
	v61 =	vmul.f32 v47, v34  }
0xcd: {  	v54 =	vmov s1;
	v42 =	vadd.f32 v46, v42;
	v46 =	vshll.u32 v58, v6  }
0xce: {  	v47 =	vor.u32 v9, v40;
	s1 =	sadd.s32 $0xFFFFF390, s31;
	v55 =	vor.u32 $0x1, v54;
	v46 =	vbroadcast v46, $0x0  }
0xcf: {  	v56 =	vor.u32 $0x2, v54;
	v13 =	vmov s1;
	v42 =	vadd.f32 v44, v42  }
0xd0: {  	v52 =	vadd.f32 v45, v60;
	v24 =	vor.u32 v5, v46;
	v58 =	vadd.s32 $0xFFFFFFFD, v51  }
0xd1: {  	v8 =	vld [tilespmem:$0x1FFF0];
	v42 =	vadd.f32 v61, v42;
	v60 =	vshll.u32 v58, $0x8;
	v48 =	vshll.u32 v58, $0x7  }
0xd2: {  	v61 =	vadd.s32 $0xFFFFFFFE, v51;
	v49 =	vand.u32 $0xFFFFF800, v60;
	v48 =	vand.u32 $0x380, v48  }
0xd3: {  	v0 =	vld [tilespmem:$0x1FF30];
	v58 =	vshll.u32 v61, $0x8;
	v48 =	vor.u32 v48, v49;
	v49 =	vshll.u32 v61, $0x7  }
0xd4: {  	v60 =	vld.idx.msk [tilespmem:v62+s3+$0x0], $0xffff;
	v62 =	vand.u32 $0xFFFFF800, v58;
	v57 =	vor.u32 v63, v48;
	v63 =	vand.u32 $0x380, v49  }
0xd5: {  	v13 =	vshrl.u32 v13, $0x7;
	v45 =	vld.idx.msk [tilespmem:v54+s14+$0x0], $0xffff;
	v54 =	vor.u32 $0x3, v54;
	v49 =	vor.u32 v63, v62  }
0xd6: {  	v13 =	vshll.u32 v13, v6;
	[tilespmem:v24+s18+$0x0] =	vst.idx.msk $0xffff, v42;
	v62 =	vor.u32 v8, v49;
	v8 =	vld [tilespmem:$0x1FFF0]  }
0xd7: {  	v43 =	vmul.f32 v43, v29;
	v13 =	vbroadcast v13, $0x0;
	v24 =	vadd.s32 $0xFFFFFFFF, v51;
	v58 =	vld.idx.msk [tilespmem:v25+s3+$0x0], $0xffff  }
0xd8: {  	v25 =	vshll.u32 v24, $0x8;
	v50 =	vshll.u32 v24, $0x7;
	v61 =	vld.idx.msk [tilespmem:v47+s3+$0x0], $0xffff;
	v24 =	vshll.u32 v51, $0x8  }
0xd9: {  	v53 =	vld.idx.msk [tilespmem:v53+s3+$0x0], $0xffff;
	v42 =	vand.u32 $0xFFFFF800, v25;
	v44 =	vand.u32 $0x380, v50;
	v25 =	vshll.u32 v51, $0x7  }
0xda: {  	v63 =	vadd.f32 v43, v52;
	v43 =	vld.idx.msk [tilespmem:v54+s14+$0x0], $0xffff;
	v46 =	vor.u32 v44, v42;
	v50 =	vand.u32 $0x380, v25  }
0xdb: {  	v25 =	vor.u32 v0, v11;
	v0 =	vlaneseq.u32;
	v51 =	vor.u32 v8, v46;
	v8 =	vld [tilespmem:$0x1FFF0]  }
0xdc: {  	v13 =	vor.u32 v0, v13;
	v0 =	vld [tilespmem:$0x1FFD0]  }
0xdd: {  	v42 =	vand.u32 $0xFFFFF800, v24;
	v44 =	vld.idx.msk [tilespmem:v55+s14+$0x0], $0xffff;
	v24 =	vmul.f32 v60, v26  }
0xde: {  	v52 =	vld.idx.msk [tilespmem:v57+s3+$0x0], $0xffff  }
0xdf: {  	s1 =	sadd.s32 $0xFFFFFF50, s31;
	v47 =	vor.u32 v50, v42;
	v60 =	vadd.f32 v24, v63;
	v57 =	vld.idx.msk [tilespmem:v62+s3+$0x0], $0xffff;
	v62 =	vor.u32 v9, v38  }
0xe0: {  	[tilespmem:$0x1FEE0] =	vst v11;
	v11 =	vld [tilespmem:$0x1FF40];
	v24 =	vmov s1;
	v58 =	vmul.f32 v58, v35;
	v55 =	vor.u32 v8, v47  }
0xe1: {  	v50 =	vmul.f32 v61, v36;
	v61 =	vshrl.u32 v24, $0x7;
	v24 =	vor.u32 v0, v48;
	v0 =	vld [tilespmem:$0x1FFD0]  }
0xe2: {  	v42 =	vld.idx.msk [tilespmem:v56+s14+$0x0], $0xffff  }
0xe3: {  	v53 =	vmul.f32 v53, v37;
	v61 =	vshll.u32 v61, v6;
	v54 =	vadd.f32 v50, v58;
	v51 =	vld.idx.msk [tilespmem:v51+s3+$0x0], $0xffff  }
0xe4: {  	[tilespmem:v25+s18+$0x0] =	vst.idx.msk $0xffff, v60;
	v25 =	vbroadcast v61, $0x0;
	v58 =	vld.idx.msk [tilespmem:v62+s3+$0x0], $0xffff  }
0xe5: {  	v2 =	vor.u32 v11, v31;
	v52 =	vmul.f32 v52, v45;
	v53 =	vadd.f32 v53, v54;
	v55 =	vld.idx.msk [tilespmem:v55+s3+$0x0], $0xffff  }
0xe6: {  	v54 =	vor.u32 v5, v25;
	v57 =	vmul.f32 v57, v44;
	v25 =	vor.u32 v0, v49;
	v0 =	vld [tilespmem:$0x1FFD0]  }
0xe7: {  	v63 =	vor.u32 v11, v30  }
0xe8: {  	v8 =	vor.u32 v11, v32;
	v52 =	vadd.f32 v57, v52;
	v51 =	vmul.f32 v51, v42  }
0xe9: {  	v60 =	vor.u32 v10, v39;
	v58 =	vmul.f32 v58, v34  }
0xea: {  	v2 =	vld.idx.msk [tilespmem:v2+s3+$0x0], $0xffff;
	v51 =	vadd.f32 v51, v52;
	v50 =	vmul.f32 v55, v43  }
0xeb: {  	v62 =	vor.u32 v0, v46;
	v53 =	vadd.f32 v58, v53;
	v0 =	vld [tilespmem:$0x1FFD0]  }
0xec: {  	v57 =	vld.idx.msk [tilespmem:v63+s3+$0x0], $0xffff;
	v51 =	vadd.f32 v50, v51  }
0xed: {  	v63 =	vor.u32 v10, v40;
	v8 =	vld.idx.msk [tilespmem:v8+s3+$0x0], $0xffff;
	[tilespmem:v54+s18+$0x0] =	vst.idx.msk $0xffff, v53  }
0xee: {  	v54 =	vld.idx.msk [tilespmem:v60+s3+$0x0], $0xffff;
	[tilespmem:v13+s18+$0x0] =	vst.idx.msk $0xffff, v51  }
0xef: {  	v13 =	vld.idx.msk [tilespmem:v24+s3+$0x0], $0xffff  }
0xf0: {  	v24 =	vor.u32 v0, v47;
	v25 =	vld.idx.msk [tilespmem:v25+s3+$0x0], $0xffff  }
0xf1: {  	s4 =	sadd.s32 $0x7, s4;
	v52 =	vld.idx.msk [tilespmem:v62+s3+$0x0], $0xffff  }
0xf2: {  	v62 =	vld.idx.msk [tilespmem:v63+s3+$0x0], $0xffff;
	v63 =	vmov s4  }
0xf3: {  	v61 =	vor.u32 v10, v41;
	v2 =	vmul.f32 v2, v28;
	v57 =	vmul.f32 v57, v27;
	_ =	sdelay $0x1  }
0xf4: {  	v2 =	vadd.f32 v2, v57;
	v8 =	vmul.f32 v8, v29;
	v51 =	vld.idx.msk [tilespmem:v24+s3+$0x0], $0xffff  }
0xf5: {  	v13 =	vmul.f32 v13, v45;
	v53 =	vmul.f32 v25, v44  }
0xf6: {  	v2 =	vadd.f32 v8, v2;
	v8 =	vmul.f32 v54, v35;
	v54 =	vld.idx.msk [tilespmem:v63+s16+$0x0], $0xffff  }
0xf7: {  	v12 =	vmov v15;
	v55 =	vld.idx.msk [tilespmem:v61+s3+$0x0], $0xffff;
	v52 =	vmul.f32 v52, v42;
	v13 =	vadd.f32 v53, v13  }
0xf8: {  	v56 =	vor.u32 v10, v38;
	v57 =	vor.u32 v12, v48;
	v53 =	vmul.f32 v62, v36  }
0xf9: {  	s4 =	sadd.s32 $0xFFFFF730, s31;
	v25 =	vor.u32 v11, v33;
	v13 =	vadd.f32 v52, v13;
	v51 =	vmul.f32 v51, v43  }
0xfa: {  	v0 =	vlaneseq.u32;
	v24 =	vmov s4;
	s4 =	sadd.s32 $0xFFFFF790, s31;
	v8 =	vadd.f32 v53, v8  }
0xfb: {  	v50 =	vadd.s32 $0xFFFFFFFD, v54;
	v13 =	vadd.f32 v51, v13;
	v51 =	vor.u32 s4, v0  }
0xfc: {  	v53 =	vmul.f32 v55, v37;
	v18 =	vshll.u32 v50, $0x8;
	v55 =	vshll.u32 v50, $0x7;
	v0 =	vld [tilespmem:$0x1FFF0]  }
0xfd: {  	v15 =	vmov v4;
	v4 =	vld [tilespmem:$0x1FFF0];
	v18 =	vand.u32 $0xFFFFF800, v18;
	v55 =	vand.u32 $0x380, v55  }
0xfe: {  	v23 =	vld.idx.msk [tilespmem:v25+s3+$0x0], $0xffff;
	v55 =	vor.u32 v55, v18;
	v18 =	vadd.s32 $0xFFFFFFFE, v54  }
0xff: {  	s0 =	sadd.s32 $0xC, s0;
	v58 =	vor.u32 v12, v49;
	v25 =	vld.idx.msk [tilespmem:v56+s3+$0x0], $0xffff;
	v56 =	vshll.u32 v18, $0x8;
	v18 =	vshll.u32 v18, $0x7  }
0x100: {  	v63 =	vmov s0;
	v18 =	vand.u32 $0x380, v18;
	[tilespmem:v51+s18+$0x0] =	vst.idx.msk $0xffff, v13;
	v51 =	vand.u32 $0xFFFFF800, v56  }
0x101: {  	v50 =	vadd.s32 $0xFFFFFFFF, v54;
	v13 =	vor.u32 v0, v55;
	v0 =	vld.idx.msk [tilespmem:v57+s3+$0x0], $0xffff;
	v56 =	vor.u32 v18, v51  }
0x102: {  	v18 =	vshll.u32 v50, $0x8;
	v57 =	vshll.u32 v50, $0x7;
	v50 =	vor.u32 v4, v56;
	v4 =	vld [tilespmem:$0x1FFF0]  }
0x103: {  	v22 =	vor.u32 $0x1, v63  }
0x104: {  	v60 =	vshrl.u32 v24, $0x7;
	v24 =	vor.u32 $0x2, v63  }
0x105: {  	v7 =	vld [tilespmem:$0x1FF90];
	v61 =	vor.u32 v12, v46;
	v18 =	vand.u32 $0xFFFFF800, v18;
	v51 =	vand.u32 $0x380, v57  }
0x106: {  	v3 =	vmov v1;
	v1 =	vld.idx.msk [tilespmem:v58+s3+$0x0], $0xffff;
	v57 =	vor.u32 v51, v18  }
0x107: {  	v58 =	vshll.u32 v54, $0x7;
	v18 =	vshll.u32 v54, $0x8;
	v54 =	vor.u32 v4, v57;
	v4 =	vld [tilespmem:$0x1FFF0]  }
0x108: {  	v52 =	vld.idx.msk [tilespmem:v22+s14+$0x0], $0xffff  }
0x109: {  	v62 =	vor.u32 v12, v47;
	v8 =	vadd.f32 v53, v8;
	v53 =	vld.idx.msk [tilespmem:v24+s14+$0x0], $0xffff  }
0x10a: {  	v61 =	vld.idx.msk [tilespmem:v61+s3+$0x0], $0xffff;
	v58 =	vand.u32 $0x380, v58;
	v18 =	vand.u32 $0xFFFFF800, v18  }
0x10b: {  	v22 =	vor.u32 $0x3, v63;
	v51 =	vld.idx.msk [tilespmem:v63+s14+$0x0], $0xffff;
	v58 =	vor.u32 v58, v18  }
0x10c: {  	v18 =	vmul.f32 v25, v34;
	v25 =	vor.u32 v7, v59;
	v13 =	vld.idx.msk [tilespmem:v13+s3+$0x0], $0xffff;
	v63 =	vor.u32 v4, v58  }
0x10d: {  	v50 =	vld.idx.msk [tilespmem:v50+s3+$0x0], $0xffff  }
0x10e: {  	v62 =	vld.idx.msk [tilespmem:v62+s3+$0x0], $0xffff;
	v0 =	vmul.f32 v0, v45;
	v1 =	vmul.f32 v1, v44  }
0x10f: {  	v8 =	vadd.f32 v18, v8;
	v18 =	vld.idx.msk [tilespmem:v54+s3+$0x0], $0xffff  }
0x110: {  	[tilespmem:$0x1FED0] =	vst v59;
	v59 =	vor.u32 v3, v39;
	v0 =	vadd.f32 v1, v0;
	v54 =	vld.idx.msk [tilespmem:v22+s14+$0x0], $0xffff  }
0x111: {  	v1 =	vmul.f32 v61, v42;
	[tilespmem:v25+s18+$0x0] =	vst.idx.msk $0xffff, v8;
	v13 =	vmul.f32 v13, v51;
	v8 =	vld.idx.msk [tilespmem:v63+s3+$0x0], $0xffff  }
0x112: {  	v4 =	vshll.u32 v60, v6;
	v60 =	vor.u32 v3, v40;
	v50 =	vmul.f32 v50, v52  }
0x113: {  	v24 =	vor.u32 v3, v41;
	v0 =	vadd.f32 v1, v0  }
0x114: {  	s1 =	sadd.s32 $0xFFFFF3D0, s31;
	s4 =	sadd.s32 $0xFFFFFB90, s31;
	v1 =	vlaneseq.u32;
	v13 =	vadd.f32 v50, v13;
	v18 =	vmul.f32 v18, v53  }
0x115: {  	v62 =	vmul.f32 v62, v43;
	v1 =	vor.u32 s4, v1;
	v22 =	vmov s1  }
0x116: {  	v25 =	vld.idx.msk [tilespmem:v59+s3+$0x0], $0xffff;
	v22 =	vshrl.u32 v22, $0x7;
	v13 =	vadd.f32 v18, v13;
	v8 =	vmul.f32 v8, v54  }
0x117: {  	v61 =	vor.u32 v3, v38;
	v0 =	vadd.f32 v62, v0;
	v22 =	vshll.u32 v22, v6;
	v59 =	vld.idx.msk [tilespmem:v60+s3+$0x0], $0xffff  }
0x118: {  	v60 =	vbroadcast v22, $0x0;
	v22 =	vor.u32 v9, v49;
	v8 =	vadd.f32 v8, v13;
	v13 =	vld [tilespmem:$0x1FF30]  }
0x119: {  	v24 =	vld.idx.msk [tilespmem:v24+s3+$0x0], $0xffff  }
0x11a: {  	[tilespmem:v1+s18+$0x0] =	vst.idx.msk $0xffff, v0;
	v0 =	vld [tilespmem:$0x1FFD0];
	v63 =	vor.u32 v9, v48  }
0x11b: {  	v4 =	vbroadcast v4, $0x0;
	v18 =	vld [tilespmem:$0x1FFD0]  }
0x11c: {  	v61 =	vld.idx.msk [tilespmem:v61+s3+$0x0], $0xffff;
	v50 =	vor.u32 v9, v46  }
0x11d: {  	v62 =	vor.u32 v5, v60;
	v4 =	vor.u32 v13, v4;
	v13 =	vld.idx.msk [tilespmem:v22+s3+$0x0], $0xffff  }
0x11e: {  	v23 =	vmul.f32 v23, v26;
	v22 =	vld [tilespmem:$0x1FFD0]  }
0x11f: {  	v1 =	vmul.f32 v25, v35;
	v0 =	vor.u32 v0, v56;
	v25 =	vmul.f32 v59, v36;
	v59 =	vld.idx.msk [tilespmem:v63+s3+$0x0], $0xffff  }
0x120: {  	v2 =	vadd.f32 v23, v2;
	s1 =	sadd.s32 $0xFFFFF760, s31;
	v63 =	vld [tilespmem:$0x1FFD0];
	v18 =	vor.u32 v18, v55  }
0x121: {  	v23 =	vmov s1;
	v1 =	vadd.f32 v25, v1;
	v25 =	vld.idx.msk [tilespmem:v50+s3+$0x0], $0xffff;
	v50 =	vor.u32 v9, v47  }
0x122: {  	v23 =	vshrl.u32 v23, $0x7;
	[tilespmem:v62+s18+$0x0] =	vst.idx.msk $0xffff, v8;
	v8 =	vmul.f32 v24, v37  }
0x123: {  	v23 =	vshll.u32 v23, v6;
	v22 =	vor.u32 v22, v57  }
0x124: {  	v23 =	vbroadcast v23, $0x0;
	v0 =	vld.idx.msk [tilespmem:v0+s3+$0x0], $0xffff;
	v1 =	vadd.f32 v8, v1;
	v8 =	vmul.f32 v61, v34  }
0x125: {  	v24 =	vor.u32 v63, v58;
	v18 =	vld.idx.msk [tilespmem:v18+s3+$0x0], $0xffff  }
0x126: {  	v1 =	vadd.f32 v8, v1;
	v8 =	vor.u32 v7, v23;
	v23 =	vld.idx.msk [tilespmem:v50+s3+$0x0], $0xffff  }
0x127: {  	s4 =	sadd.s32 $0xFFFFF7D0, s31;
	v62 =	vor.u32 v17, v30;
	v63 =	vor.u32 v17, v31;
	v59 =	vmul.f32 v59, v45  }
0x128: {  	v61 =	vor.u32 v17, v32;
	v50 =	vmov s4;
	v13 =	vmul.f32 v13, v44;
	v22 =	vld.idx.msk [tilespmem:v22+s3+$0x0], $0xffff  }
0x129: {  	v25 =	vmul.f32 v25, v42;
	v50 =	vshrl.u32 v50, $0x7;
	v0 =	vmul.f32 v0, v52  }
0x12a: {  	v24 =	vld.idx.msk [tilespmem:v24+s3+$0x0], $0xffff;
	v50 =	vshll.u32 v50, v6;
	v18 =	vmul.f32 v18, v51;
	v13 =	vadd.f32 v13, v59  }
0x12b: {  	s1 =	sadd.s32 $0xFFFFFF90, s31;
	[tilespmem:v4+s18+$0x0] =	vst.idx.msk $0xffff, v2;
	v2 =	vor.u32 v14, v39;
	v23 =	vmul.f32 v23, v43;
	v59 =	vlaneseq.u32  }
0x12c: {  	[tilespmem:v8+s18+$0x0] =	vst.idx.msk $0xffff, v1;
	v4 =	vadd.f32 v25, v13;
	v13 =	vbroadcast v50, $0x0;
	v50 =	vor.u32 s1, v59  }
0x12d: {  	v1 =	vor.u32 v10, v49;
	v0 =	vadd.f32 v0, v18;
	v18 =	vmul.f32 v22, v53  }
0x12e: {  	v59 =	vor.u32 v10, v48;
	v13 =	vor.u32 v5, v13;
	v4 =	vadd.f32 v23, v4;
	v22 =	vld.idx.msk [tilespmem:v63+s3+$0x0], $0xffff  }
0x12f: {  	v61 =	vld.idx.msk [tilespmem:v61+s3+$0x0], $0xffff;
	v0 =	vadd.f32 v18, v0;
	v18 =	vmul.f32 v24, v54;
	v24 =	vor.u32 v12, v55  }
0x130: {  	v25 =	vld.idx.msk [tilespmem:v62+s3+$0x0], $0xffff;
	v23 =	vor.u32 v12, v56  }
0x131: {  	v62 =	vor.u32 v10, v46;
	v2 =	vld.idx.msk [tilespmem:v2+s3+$0x0], $0xffff;
	[tilespmem:v50+s18+$0x0] =	vst.idx.msk $0xffff, v4;
	v0 =	vadd.f32 v18, v0  }
0x132: {  	v4 =	vor.u32 v12, v57;
	v1 =	vld.idx.msk [tilespmem:v1+s3+$0x0], $0xffff  }
0x133: {  	v18 =	vmul.f32 v22, v28;
	v22 =	vld.idx.msk [tilespmem:v59+s3+$0x0], $0xffff;
	[tilespmem:v13+s18+$0x0] =	vst.idx.msk $0xffff, v0  }
0x134: {  	v13 =	vor.u32 v12, v58;
	v0 =	vld.idx.msk [tilespmem:v24+s3+$0x0], $0xffff  }
0x135: {  	v23 =	vld.idx.msk [tilespmem:v23+s3+$0x0], $0xffff  }
0x136: {  	v8 =	vmul.f32 v25, v27;
	v50 =	vor.u32 v14, v40;
	v25 =	vld.idx.msk [tilespmem:v62+s3+$0x0], $0xffff;
	v24 =	vor.u32 v10, v47  }
0x137: {  	s4 =	sadd.s32 $0xFFFFFBD0, s31;
	v2 =	vmul.f32 v2, v35;
	v62 =	vor.u32 v14, v38;
	v59 =	vor.u32 v14, v41;
	v4 =	vld.idx.msk [tilespmem:v4+s3+$0x0], $0xffff  }
0x138: {  	v8 =	vadd.f32 v18, v8;
	v18 =	vmul.f32 v61, v29;
	v61 =	vmov s4  }
0x139: {  	v1 =	vmul.f32 v1, v44;
	v61 =	vshrl.u32 v61, $0x7;
	v22 =	vmul.f32 v22, v45;
	v13 =	vld.idx.msk [tilespmem:v13+s3+$0x0], $0xffff  }
0x13a: {  	v61 =	vshll.u32 v61, v6;
	v0 =	vmul.f32 v0, v51;
	v23 =	vmul.f32 v23, v52  }
0x13b: {  	s1 =	sadd.s32 $0xFFFFFB60, s31;
	v61 =	vbroadcast v61, $0x0;
	v24 =	vld.idx.msk [tilespmem:v24+s3+$0x0], $0xffff;
	v1 =	vadd.f32 v1, v22;
	v22 =	vmul.f32 v25, v42  }
0x13c: {  	v63 =	vmov s1;
	v50 =	vld.idx.msk [tilespmem:v50+s3+$0x0], $0xffff;
	v4 =	vmul.f32 v4, v53;
	v0 =	vadd.f32 v23, v0  }
0x13d: {  	v23 =	vor.u32 v5, v61;
	v1 =	vadd.f32 v22, v1;
	v22 =	vlaneseq.u32  }
0x13e: {  	s4 =	sadd.s32 $0xFFFFF3A0, s31;
	v0 =	vadd.f32 v4, v0;
	v4 =	vmul.f32 v13, v54;
	v13 =	vor.u32 v9, v55  }
0x13f: {  	v63 =	vshrl.u32 v63, $0x7;
	v25 =	vld.idx.msk [tilespmem:v59+s3+$0x0], $0xffff;
	v59 =	vor.u32 v9, v56;
	v22 =	vor.u32 s4, v22  }
0x140: {  	v61 =	vor.u32 v3, v48;
	v24 =	vmul.f32 v24, v43;
	v0 =	vadd.f32 v4, v0  }
0x141: {  	v4 =	vmul.f32 v50, v36;
	v50 =	vld.idx.msk [tilespmem:v62+s3+$0x0], $0xffff;
	v62 =	vshll.u32 v63, v6;
	v63 =	vor.u32 v9, v57  }
0x142: {  	v1 =	vadd.f32 v24, v1;
	[tilespmem:v23+s18+$0x0] =	vst.idx.msk $0xffff, v0  }
0x143: {  	v24 =	vor.u32 v3, v49;
	v0 =	vadd.f32 v4, v2;
	v2 =	vbroadcast v62, $0x0;
	v4 =	vld.idx.msk [tilespmem:v13+s3+$0x0], $0xffff  }
0x144: {  	v25 =	vmul.f32 v25, v37;
	v13 =	vor.u32 v9, v58;
	[tilespmem:v22+s18+$0x0] =	vst.idx.msk $0xffff, v1;
	v22 =	vld.idx.msk [tilespmem:v59+s3+$0x0], $0xffff  }
0x145: {  	v1 =	vor.u32 v3, v46;
	v2 =	vor.u32 v7, v2;
	v59 =	vld.idx.msk [tilespmem:v61+s3+$0x0], $0xffff  }
0x146: {  	v62 =	vor.u32 v15, v39;
	v0 =	vadd.f32 v25, v0;
	v25 =	vmul.f32 v50, v34;
	v61 =	vld.idx.msk [tilespmem:v63+s3+$0x0], $0xffff  }
0x147: {  	s1 =	sadd.s32 $0xFFFFFB30, s31;
	v8 =	vadd.f32 v18, v8;
	v18 =	vor.u32 v17, v33  }
0x148: {  	s4 =	sadd.s32 $0xFFFFFFD0, s31;
	v23 =	vmov s1;
	v50 =	vor.u32 v3, v47;
	v24 =	vld.idx.msk [tilespmem:v24+s3+$0x0], $0xffff;
	v0 =	vadd.f32 v25, v0  }
0x149: {  	v63 =	vmov s4;
	v13 =	vld.idx.msk [tilespmem:v13+s3+$0x0], $0xffff;
	v4 =	vmul.f32 v4, v51;
	v22 =	vmul.f32 v22, v52  }
0x14a: {  	v23 =	vshrl.u32 v23, $0x7;
	v63 =	vshrl.u32 v63, $0x7;
	v25 =	vor.u32 v15, v40;
	v1 =	vld.idx.msk [tilespmem:v1+s3+$0x0], $0xffff;
	[tilespmem:v2+s18+$0x0] =	vst.idx.msk $0xffff, v0  }
0x14b: {  	v63 =	vshll.u32 v63, v6;
	v4 =	vadd.f32 v22, v4;
	v22 =	vmul.f32 v61, v53;
	v61 =	vld.idx.msk [tilespmem:v62+s3+$0x0], $0xffff  }
0x14c: {  	v23 =	vshll.u32 v23, v6;
	v2 =	vbroadcast v63, $0x0;
	v62 =	vld [tilespmem:$0x1FF30]  }
0x14d: {  	v23 =	vbroadcast v23, $0x0;
	v0 =	vor.u32 v15, v41;
	v63 =	vor.u32 v15, v38;
	v50 =	vld.idx.msk [tilespmem:v50+s3+$0x0], $0xffff  }
0x14e: {  	v59 =	vmul.f32 v59, v45;
	v24 =	vmul.f32 v24, v44;
	v2 =	vor.u32 v5, v2  }
0x14f: {  	v18 =	vld.idx.msk [tilespmem:v18+s3+$0x0], $0xffff;
	v4 =	vadd.f32 v22, v4;
	v22 =	vor.u32 v10, v55;
	v13 =	vmul.f32 v13, v54  }
0x150: {  	v25 =	vld.idx.msk [tilespmem:v25+s3+$0x0], $0xffff;
	v24 =	vadd.f32 v24, v59;
	v1 =	vmul.f32 v1, v42;
	v59 =	vor.u32 v10, v56  }
0x151: {  	v23 =	vor.u32 v62, v23;
	v62 =	vlaneseq.u32;
	v4 =	vadd.f32 v13, v4  }
0x152: {  	s1 =	sadd.s32 $0xFFFFF7A0, s31;
	s4 =	sadd.s32 $0xFFFFFF60, s31;
	v0 =	vld.idx.msk [tilespmem:v0+s3+$0x0], $0xffff;
	v1 =	vadd.f32 v1, v24;
	v13 =	vmul.f32 v50, v43;
	v24 =	vor.u32 v10, v57  }
0x153: {  	v50 =	vmul.f32 v61, v35;
	v61 =	vld.idx.msk [tilespmem:v63+s3+$0x0], $0xffff;
	v63 =	vmov s4;
	v62 =	vor.u32 s1, v62  }
0x154: {  	v18 =	vmul.f32 v18, v26;
	[tilespmem:v2+s18+$0x0] =	vst.idx.msk $0xffff, v4;
	v2 =	vor.u32 v14, v48;
	v4 =	vshrl.u32 v63, $0x7  }
0x155: {  	v1 =	vadd.f32 v13, v1;
	v25 =	vmul.f32 v25, v36;
	v13 =	vld.idx.msk [tilespmem:v22+s3+$0x0], $0xffff;
	v22 =	vor.u32 v10, v58  }
0x156: {  	v8 =	vadd.f32 v18, v8;
	v63 =	vor.u32 v14, v49;
	v4 =	vshll.u32 v4, v6;
	v59 =	vld.idx.msk [tilespmem:v59+s3+$0x0], $0xffff  }
0x157: {  	v18 =	vor.u32 v20, v31;
	v4 =	vbroadcast v4, $0x0;
	v25 =	vadd.f32 v25, v50  }
0x158: {  	v0 =	vmul.f32 v0, v37;
	v24 =	vld.idx.msk [tilespmem:v24+s3+$0x0], $0xffff;
	[tilespmem:v62+s18+$0x0] =	vst.idx.msk $0xffff, v1;
	v1 =	vor.u32 v20, v30  }
0x159: {  	[tilespmem:v23+s18+$0x0] =	vst.idx.msk $0xffff, v8;
	v8 =	vor.u32 v14, v46;
	v4 =	vor.u32 v7, v4;
	v2 =	vld.idx.msk [tilespmem:v2+s3+$0x0], $0xffff  }
0x15a: {  	v23 =	vor.u32 v20, v32;
	v0 =	vadd.f32 v0, v25;
	v25 =	vmul.f32 v61, v34;
	v22 =	vld.idx.msk [tilespmem:v22+s3+$0x0], $0xffff  }
0x15b: {  	v61 =	vor.u32 v14, v47;
	v50 =	vld.idx.msk [tilespmem:v63+s3+$0x0], $0xffff;
	v13 =	vmul.f32 v13, v51;
	v59 =	vmul.f32 v59, v52  }
0x15c: {  	v18 =	vld.idx.msk [tilespmem:v18+s3+$0x0], $0xffff;
	v0 =	vadd.f32 v25, v0  }
0x15d: {  	v25 =	vor.u32 v20, v33;
	v13 =	vadd.f32 v59, v13;
	v24 =	vmul.f32 v24, v53;
	v1 =	vld.idx.msk [tilespmem:v1+s3+$0x0], $0xffff  }
0x15e: {  	[tilespmem:v4+s18+$0x0] =	vst.idx.msk $0xffff, v0;
	v0 =	vor.u32 v16, v39;
	v4 =	vld.idx.msk [tilespmem:v8+s3+$0x0], $0xffff;
	v8 =	vor.u32 v7, v60  }
0x15f: {  	v23 =	vld.idx.msk [tilespmem:v23+s3+$0x0], $0xffff;
	v13 =	vadd.f32 v24, v13;
	v24 =	vor.u32 v3, v55;
	v22 =	vmul.f32 v22, v54  }
0x160: {  	v59 =	vld.idx.msk [tilespmem:v61+s3+$0x0], $0xffff;
	v61 =	vor.u32 v3, v56;
	v2 =	vmul.f32 v2, v45;
	v50 =	vmul.f32 v50, v44  }
0x161: {  	v5 =	vmovc v60;
	v62 =	vor.u32 v16, v40;
	v18 =	vmul.f32 v18, v28;
	v60 =	vld [tilespmem:$0x1FED0];
	v13 =	vadd.f32 v22, v13  }
0x162: {  	v2 =	vadd.f32 v50, v2;
	v22 =	vld.idx.msk [tilespmem:v25+s3+$0x0], $0xffff;
	v25 =	vor.u32 v3, v57;
	v1 =	vmul.f32 v1, v27  }
0x163: {  	s1 =	sadd.s32 $0xFFFFFBA0, s31;
	v50 =	vor.u32 v16, v41;
	v0 =	vld.idx.msk [tilespmem:v0+s3+$0x0], $0xffff;
	v4 =	vmul.f32 v4, v42;
	[tilespmem:v8+s18+$0x0] =	vst.idx.msk $0xffff, v13;
	v8 =	vlaneseq.u32  }
0x164: {  	v23 =	vmul.f32 v23, v29;
	v1 =	vadd.f32 v18, v1;
	v8 =	vor.u32 s1, v8;
	v13 =	vld.idx.msk [tilespmem:v24+s3+$0x0], $0xffff  }
0x165: {  	v18 =	vor.u32 v3, v58;
	v2 =	vadd.f32 v4, v2;
	v4 =	vmul.f32 v59, v43;
	v24 =	vld.idx.msk [tilespmem:v61+s3+$0x0], $0xffff  }
0x166: {  	v59 =	vld.idx.msk [tilespmem:v62+s3+$0x0], $0xffff;
	v61 =	vor.u32 v15, v48  }
0x167: {  	v1 =	vadd.f32 v23, v1;
	v2 =	vadd.f32 v4, v2;
	v4 =	vor.u32 v15, v49;
	v23 =	vld.idx.msk [tilespmem:v25+s3+$0x0], $0xffff  }
0x168: {  	s4 =	sadd.s32 $0xFFFFF7E0, s31;
	v25 =	vld.idx.msk [tilespmem:v50+s3+$0x0], $0xffff;
	v50 =	vor.u32 v16, v38  }
0x169: {  	v62 =	vmov s4;
	v3 =	vld [tilespmem:$0x1FFA0];
	v22 =	vmul.f32 v22, v26;
	v0 =	vmul.f32 v0, v35  }
0x16a: {  	[tilespmem:v8+s18+$0x0] =	vst.idx.msk $0xffff, v2;
	v2 =	vor.u32 v15, v46;
	v8 =	vld.idx.msk [tilespmem:v18+s3+$0x0], $0xffff;
	v18 =	vshrl.u32 v62, $0x7  }
0x16b: {  	v13 =	vmul.f32 v13, v51;
	v24 =	vmul.f32 v24, v52;
	v18 =	vshll.u32 v18, v6;
	v61 =	vld.idx.msk [tilespmem:v61+s3+$0x0], $0xffff  }
0x16c: {  	v59 =	vmul.f32 v59, v36;
	v62 =	vor.u32 v15, v47;
	v18 =	vbroadcast v18, $0x0;
	v4 =	vld.idx.msk [tilespmem:v4+s3+$0x0], $0xffff  }
0x16d: {  	v13 =	vadd.f32 v24, v13;
	v23 =	vmul.f32 v23, v53;
	v63 =	vmul.f32 v25, v37;
	v25 =	vld.idx.msk [tilespmem:v50+s3+$0x0], $0xffff  }
0x16e: {  	v1 =	vadd.f32 v22, v1;
	v0 =	vadd.f32 v59, v0;
	v18 =	vor.u32 v7, v18  }
0x16f: {  	s1 =	sadd.s32 $0xFFFFFF30, s31;
	v13 =	vadd.f32 v23, v13;
	v23 =	vor.u32 v14, v55;
	v8 =	vmul.f32 v8, v54  }
0x170: {  	v22 =	vmov s1;
	v50 =	vor.u32 v14, v56;
	v24 =	vor.u32 v3, v60;
	v2 =	vld.idx.msk [tilespmem:v2+s3+$0x0], $0xffff  }
0x171: {  	v0 =	vadd.f32 v63, v0;
	v8 =	vadd.f32 v8, v13;
	v13 =	vmul.f32 v61, v45  }
0x172: {  	v59 =	vld.idx.msk [tilespmem:v62+s3+$0x0], $0xffff;
	v4 =	vmul.f32 v4, v44;
	v61 =	vor.u32 v14, v57;
	v25 =	vmul.f32 v25, v34  }
0x173: {  	v22 =	vshrl.u32 v22, $0x7;
	v62 =	vor.u32 v11, v39;
	[tilespmem:v18+s18+$0x0] =	vst.idx.msk $0xffff, v8  }
0x174: {  	v4 =	vadd.f32 v4, v13;
	v13 =	vor.u32 v14, v58;
	v0 =	vadd.f32 v25, v0;
	v8 =	vld.idx.msk [tilespmem:v23+s3+$0x0], $0xffff  }
0x175: {  	v18 =	vshll.u32 v22, v6;
	v22 =	vor.u32 v11, v40;
	v2 =	vmul.f32 v2, v42;
	v23 =	vld.idx.msk [tilespmem:v50+s3+$0x0], $0xffff  }
0x176: {  	v63 =	vld [tilespmem:$0x1FF30];
	[tilespmem:v24+s18+$0x0] =	vst.idx.msk $0xffff, v0;
	v0 =	vor.u32 v11, v41  }
0x177: {  	s4 =	sadd.s32 $0xFFFFFFA0, s31;
	v2 =	vadd.f32 v2, v4;
	v4 =	vmul.f32 v59, v43;
	v59 =	vlaneseq.u32;
	v24 =	vld.idx.msk [tilespmem:v61+s3+$0x0], $0xffff  }
0x178: {  	s1 =	sadd.s32 $0xFFFFFBE0, s31;
	v18 =	vbroadcast v18, $0x0;
	v50 =	vld.idx.msk [tilespmem:v62+s3+$0x0], $0xffff;
	v61 =	vor.u32 v16, v48;
	v25 =	vor.u32 s4, v59  }
0x179: {  	v59 =	vor.u32 v11, v38;
	v2 =	vadd.f32 v4, v2;
	v4 =	vmov s1;
	v13 =	vld.idx.msk [tilespmem:v13+s3+$0x0], $0xffff  }
0x17a: {  	v22 =	vld.idx.msk [tilespmem:v22+s3+$0x0], $0xffff;
	v4 =	vshrl.u32 v4, $0x7;
	v8 =	vmul.f32 v8, v51;
	v23 =	vmul.f32 v23, v52  }
0x17b: {  	v62 =	vor.u32 v16, v49;
	v4 =	vshll.u32 v4, v6  }
0x17c: {  	v18 =	vor.u32 v63, v18;
	s4 =	sadd.s32 $0xFFFFF770, s31;
	v0 =	vld.idx.msk [tilespmem:v0+s3+$0x0], $0xffff;
	v4 =	vbroadcast v4, $0x0;
	v8 =	vadd.f32 v23, v8  }
0x17d: {  	v23 =	vmul.f32 v24, v53;
	v24 =	vmul.f32 v50, v35;
	[tilespmem:v25+s18+$0x0] =	vst.idx.msk $0xffff, v2;
	v2 =	vmov s4  }
0x17e: {  	v25 =	vor.u32 v16, v46;
	v50 =	vld.idx.msk [tilespmem:v59+s3+$0x0], $0xffff;
	v2 =	vshrl.u32 v2, $0x7;
	v4 =	vor.u32 v7, v4  }
0x17f: {  	v59 =	vld.idx.msk [tilespmem:v61+s3+$0x0], $0xffff;
	v8 =	vadd.f32 v23, v8;
	v13 =	vmul.f32 v13, v54;
	v22 =	vmul.f32 v22, v36  }
0x180: {  	v23 =	vor.u32 v15, v55;
	v61 =	vld.idx.msk [tilespmem:v62+s3+$0x0], $0xffff;
	v62 =	vor.u32 v15, v56;
	v2 =	vshll.u32 v2, v6  }
0x181: {  	v2 =	vbroadcast v2, $0x0;
	v22 =	vadd.f32 v22, v24;
	v0 =	vmul.f32 v0, v37  }
0x182: {  	v8 =	vadd.f32 v13, v8;
	v13 =	vor.u32 v16, v47  }
0x183: {  	v24 =	vld.idx.msk [tilespmem:v25+s3+$0x0], $0xffff;
	v25 =	vor.u32 v15, v57;
	v2 =	vor.u32 v3, v2;
	v0 =	vadd.f32 v0, v22  }
0x184: {  	[tilespmem:v4+s18+$0x0] =	vst.idx.msk $0xffff, v8;
	v4 =	vor.u32 v21, v30;
	v8 =	vmul.f32 v50, v34  }
0x185: {  	v59 =	vmul.f32 v59, v45;
	v61 =	vmul.f32 v61, v44;
	v22 =	vld.idx.msk [tilespmem:v23+s3+$0x0], $0xffff;
	v23 =	vor.u32 v15, v58  }
0x186: {  	[tilespmem:v18+s18+$0x0] =	vst.idx.msk $0xffff, v1;
	v50 =	vor.u32 v17, v39;
	v62 =	vld.idx.msk [tilespmem:v62+s3+$0x0], $0xffff  }
0x187: {  	v0 =	vadd.f32 v8, v0;
	v1 =	vld.idx.msk [tilespmem:v13+s3+$0x0], $0xffff;
	v8 =	vor.u32 v17, v40;
	v13 =	vadd.f32 v61, v59  }
0x188: {  	s1 =	sadd.s32 $0xFFFFFFE0, s31;
	s4 =	sadd.s32 $0xFFFFF3B0, s31;
	v59 =	vor.u32 v21, v32;
	v61 =	vlaneseq.u32;
	v18 =	vmul.f32 v24, v42;
	v24 =	vld.idx.msk [tilespmem:v25+s3+$0x0], $0xffff  }
0x189: {  	v61 =	vor.u32 s4, v61;
	v25 =	vor.u32 v21, v31;
	[tilespmem:v2+s18+$0x0] =	vst.idx.msk $0xffff, v0;
	v0 =	vmov s1;
	v4 =	vld.idx.msk [tilespmem:v4+s3+$0x0], $0xffff  }
0x18a: {  	v2 =	vor.u32 v17, v41;
	v0 =	vshrl.u32 v0, $0x7;
	v13 =	vadd.f32 v18, v13;
	v18 =	vld.idx.msk [tilespmem:v23+s3+$0x0], $0xffff  }
0x18b: {  	v23 =	vld.idx.msk [tilespmem:v50+s3+$0x0], $0xffff;
	v22 =	vmul.f32 v22, v51;
	v50 =	vmul.f32 v62, v52;
	v0 =	vshll.u32 v0, v6  }
0x18c: {  	v62 =	vor.u32 v17, v38;
	v1 =	vmul.f32 v1, v43;
	v0 =	vbroadcast v0, $0x0  }
0x18d: {  	v8 =	vld.idx.msk [tilespmem:v8+s3+$0x0], $0xffff;
	v22 =	vadd.f32 v50, v22;
	v50 =	vor.u32 v21, v33;
	v24 =	vmul.f32 v24, v53  }
0x18e: {  	v1 =	vadd.f32 v1, v13;
	v0 =	vor.u32 v7, v0;
	v13 =	vld.idx.msk [tilespmem:v25+s3+$0x0], $0xffff;
	v25 =	vor.u32 v16, v56  }
0x18f: {  	s1 =	sadd.s32 $0xFFFFFB70, s31;
	v2 =	vld.idx.msk [tilespmem:v2+s3+$0x0], $0xffff;
	v22 =	vadd.f32 v24, v22;
	v18 =	vmul.f32 v18, v54;
	v24 =	vor.u32 v16, v55  }
0x190: {  	v59 =	vld.idx.msk [tilespmem:v59+s3+$0x0], $0xffff;
	v4 =	vmul.f32 v4, v27;
	v23 =	vmul.f32 v23, v35;
	[tilespmem:v61+s18+$0x0] =	vst.idx.msk $0xffff, v1;
	v1 =	vmov s1  }
0x191: {  	v61 =	vor.u32 v11, v48;
	v1 =	vshrl.u32 v1, $0x7;
	v18 =	vadd.f32 v18, v22;
	v22 =	vld.idx.msk [tilespmem:v62+s3+$0x0], $0xffff  }
0x192: {  	v8 =	vmul.f32 v8, v36;
	v62 =	vor.u32 v16, v57;
	v50 =	vld.idx.msk [tilespmem:v50+s3+$0x0], $0xffff;
	v1 =	vshll.u32 v1, v6  }
0x193: {  	v14 =	vld [tilespmem:$0x1FF50];
	v13 =	vmul.f32 v13, v28;
	v1 =	vbroadcast v1, $0x0;
	[tilespmem:v0+s18+$0x0] =	vst.idx.msk $0xffff, v18;
	v0 =	vor.u32 v11, v49  }
0x194: {  	v8 =	vadd.f32 v8, v23;
	v2 =	vmul.f32 v2, v37;
	v18 =	vld.idx.msk [tilespmem:v24+s3+$0x0], $0xffff;
	v24 =	vor.u32 v16, v58  }
0x195: {  	v23 =	vor.u32 v11, v46;
	v25 =	vld.idx.msk [tilespmem:v25+s3+$0x0], $0xffff;
	v4 =	vadd.f32 v13, v4;
	v1 =	vor.u32 v3, v1  }
0x196: {  	v13 =	vmul.f32 v59, v29;
	v59 =	vld.idx.msk [tilespmem:v61+s3+$0x0], $0xffff;
	v2 =	vadd.f32 v2, v8;
	v8 =	vmul.f32 v22, v34  }
0x197: {  	v22 =	vor.u32 v20, v39;
	v61 =	vld.idx.msk [tilespmem:v62+s3+$0x0], $0xffff  }
0x198: {  	v4 =	vadd.f32 v13, v4;
	v0 =	vld.idx.msk [tilespmem:v0+s3+$0x0], $0xffff;
	v2 =	vadd.f32 v8, v2;
	v8 =	vor.u32 v20, v40  }
0x199: {  	v13 =	vor.u32 v11, v47;
	v50 =	vmul.f32 v50, v26;
	v24 =	vld.idx.msk [tilespmem:v24+s3+$0x0], $0xffff;
	v18 =	vmul.f32 v18, v51  }
0x19a: {  	v23 =	vld.idx.msk [tilespmem:v23+s3+$0x0], $0xffff;
	v25 =	vmul.f32 v25, v52;
	[tilespmem:v1+s18+$0x0] =	vst.idx.msk $0xffff, v2;
	v1 =	vor.u32 v20, v41  }
0x19b: {  	v2 =	vld [tilespmem:$0x1FEE0]  }
0x19c: {  	v4 =	vadd.f32 v50, v4;
	v22 =	vld.idx.msk [tilespmem:v22+s3+$0x0], $0xffff;
	v18 =	vadd.f32 v25, v18;
	v62 =	vmul.f32 v61, v53  }
0x19d: {  	v63 =	vmul.f32 v59, v45;
	v59 =	vor.u32 v3, v5;
	v0 =	vmul.f32 v0, v44;
	v8 =	vld.idx.msk [tilespmem:v8+s3+$0x0], $0xffff  }
0x19e: {  	v13 =	vld.idx.msk [tilespmem:v13+s3+$0x0], $0xffff;
	v25 =	vor.u32 v11, v55;
	v18 =	vadd.f32 v62, v18;
	v24 =	vmul.f32 v24, v54  }
0x19f: {  	v50 =	vor.u32 v11, v56;
	v23 =	vmul.f32 v23, v42;
	v0 =	vadd.f32 v0, v63;
	v1 =	vld.idx.msk [tilespmem:v1+s3+$0x0], $0xffff  }
0x1a0: {  	v62 =	vor.u32 v20, v38;
	v18 =	vadd.f32 v24, v18  }
0x1a1: {  	v15 =	vmovc v5;
	s4 =	sadd.s32 $0xFFFFF7B0, s31;
	v5 =	vld [tilespmem:$0x1FF60];
	v24 =	vor.u32 v11, v57;
	v0 =	vadd.f32 v23, v0;
	v23 =	vlaneseq.u32  }
0x1a2: {  	v23 =	vor.u32 s4, v23;
	[tilespmem:v59+s18+$0x0] =	vst.idx.msk $0xffff, v18;
	v18 =	vmul.f32 v22, v35;
	v8 =	vmul.f32 v8, v36  }
0x1a3: {  	v2 =	vor.u32 v14, v2;
	v63 =	vor.u32 v17, v48;
	v13 =	vmul.f32 v13, v43;
	v22 =	vld.idx.msk [tilespmem:v25+s3+$0x0], $0xffff  }
0x1a4: {  	s1 =	sadd.s32 $0xFFFFFF70, s31;
	v25 =	vor.u32 v11, v58;
	v50 =	vld.idx.msk [tilespmem:v50+s3+$0x0], $0xffff;
	v8 =	vadd.f32 v8, v18;
	v1 =	vmul.f32 v1, v37  }
0x1a5: {  	v0 =	vadd.f32 v13, v0;
	v13 =	vor.u32 v17, v49;
	v18 =	vld.idx.msk [tilespmem:v62+s3+$0x0], $0xffff;
	v62 =	vmov s1  }
0x1a6: {  	v61 =	vor.u32 v5, v30;
	s4 =	sadd.s32 $0xFFFFF7F0, s31;
	v62 =	vshrl.u32 v62, $0x7;
	v1 =	vadd.f32 v1, v8  }
0x1a7: {  	v8 =	vshll.u32 v62, v6;
	v62 =	vmov s4;
	[tilespmem:v23+s18+$0x0] =	vst.idx.msk $0xffff, v0;
	v0 =	vor.u32 v17, v46;
	v23 =	vld.idx.msk [tilespmem:v24+s3+$0x0], $0xffff  }
0x1a8: {  	v59 =	vor.u32 v5, v31;
	[tilespmem:v2+s18+$0x0] =	vst.idx.msk $0xffff, v4;
	v8 =	vbroadcast v8, $0x0;
	v62 =	vshrl.u32 v62, $0x7;
	v24 =	vld.idx.msk [tilespmem:v63+s3+$0x0], $0xffff  }
0x1a9: {  	v63 =	vor.u32 v17, v47;
	v25 =	vld.idx.msk [tilespmem:v25+s3+$0x0], $0xffff;
	v22 =	vmul.f32 v22, v51;
	v50 =	vmul.f32 v50, v52  }
0x1aa: {  	v13 =	vld.idx.msk [tilespmem:v13+s3+$0x0], $0xffff;
	v62 =	vshll.u32 v62, v6;
	v2 =	vmul.f32 v18, v34;
	v4 =	vor.u32 v3, v8  }
0x1ab: {  	v8 =	vbroadcast v62, $0x0;
	v18 =	vor.u32 v21, v39;
	v22 =	vadd.f32 v50, v22  }
0x1ac: {  	v1 =	vadd.f32 v2, v1;
	v2 =	vor.u32 v21, v40;
	v0 =	vld.idx.msk [tilespmem:v0+s3+$0x0], $0xffff;
	v23 =	vmul.f32 v23, v53  }
0x1ad: {  	v61 =	vld.idx.msk [tilespmem:v61+s3+$0x0], $0xffff;
	v62 =	vor.u32 v17, v56;
	v8 =	vor.u32 v3, v8  }
0x1ae: {  	v50 =	vld.idx.msk [tilespmem:v63+s3+$0x0], $0xffff;
	v22 =	vadd.f32 v23, v22;
	v23 =	vmul.f32 v25, v54;
	v25 =	vor.u32 v17, v55  }
0x1af: {  	v59 =	vld.idx.msk [tilespmem:v59+s3+$0x0], $0xffff;
	v24 =	vmul.f32 v24, v45;
	v13 =	vmul.f32 v13, v44;
	[tilespmem:v4+s18+$0x0] =	vst.idx.msk $0xffff, v1  }
0x1b0: {  	v16 =	vlaneseq.u32;
	v1 =	vor.u32 v5, v32;
	v18 =	vld.idx.msk [tilespmem:v18+s3+$0x0], $0xffff;
	v4 =	vadd.f32 v23, v22  }
0x1b1: {  	s1 =	sadd.s32 $0xFFFFFBB0, s31;
	v13 =	vadd.f32 v13, v24;
	v22 =	vor.u32 v17, v57;
	v2 =	vld.idx.msk [tilespmem:v2+s3+$0x0], $0xffff;
	v0 =	vmul.f32 v0, v42  }
0x1b2: {  	v7 =	vld [tilespmem:$0x1FFB0];
	v24 =	vor.u32 s1, v16;
	v23 =	vor.u32 v21, v41;
	[tilespmem:v8+s18+$0x0] =	vst.idx.msk $0xffff, v4  }
0x1b3: {  	v4 =	vmul.f32 v50, v43;
	v0 =	vadd.f32 v0, v13;
	v8 =	vld.idx.msk [tilespmem:v25+s3+$0x0], $0xffff;
	v13 =	vor.u32 v17, v58  }
0x1b4: {  	v61 =	vmul.f32 v61, v27;
	v25 =	vor.u32 v21, v38;
	v50 =	vld.idx.msk [tilespmem:v62+s3+$0x0], $0xffff  }
0x1b5: {  	v59 =	vmul.f32 v59, v28;
	v1 =	vld.idx.msk [tilespmem:v1+s3+$0x0], $0xffff;
	v62 =	vor.u32 v20, v49;
	v0 =	vadd.f32 v4, v0  }
0x1b6: {  	s4 =	sadd.s32 $0xFFFFFBF0, s31;
	v18 =	vmul.f32 v18, v35;
	v4 =	vor.u32 v20, v48;
	v22 =	vld.idx.msk [tilespmem:v22+s3+$0x0], $0xffff;
	v2 =	vmul.f32 v2, v36  }
0x1b7: {  	v59 =	vadd.f32 v59, v61;
	v61 =	vor.u32 v20, v47;
	v23 =	vld.idx.msk [tilespmem:v23+s3+$0x0], $0xffff;
	[tilespmem:v24+s18+$0x0] =	vst.idx.msk $0xffff, v0;
	v0 =	vmov s4  }
0x1b8: {  	v24 =	vor.u32 v20, v46;
	v2 =	vadd.f32 v2, v18;
	v13 =	vld.idx.msk [tilespmem:v13+s3+$0x0], $0xffff;
	v0 =	vshrl.u32 v0, $0x7  }
0x1b9: {  	v25 =	vld.idx.msk [tilespmem:v25+s3+$0x0], $0xffff;
	v8 =	vmul.f32 v8, v51;
	v50 =	vmul.f32 v50, v52;
	v0 =	vshll.u32 v0, v6  }
0x1ba: {  	v18 =	vld.idx.msk [tilespmem:v62+s3+$0x0], $0xffff;
	v1 =	vmul.f32 v1, v29;
	v62 =	vor.u32 v5, v39;
	v0 =	vbroadcast v0, $0x0  }
0x1bb: {  	v4 =	vld.idx.msk [tilespmem:v4+s3+$0x0], $0xffff;
	v8 =	vadd.f32 v50, v8;
	v22 =	vmul.f32 v22, v53;
	v50 =	vor.u32 v5, v33  }
0x1bc: {  	v23 =	vmul.f32 v23, v37;
	v1 =	vadd.f32 v1, v59;
	v0 =	vor.u32 v3, v0  }
0x1bd: {  	v24 =	vld.idx.msk [tilespmem:v24+s3+$0x0], $0xffff;
	v8 =	vadd.f32 v22, v8;
	v22 =	vor.u32 v7, v60;
	v13 =	vmul.f32 v13, v54  }
0x1be: {  	v2 =	vadd.f32 v23, v2;
	v23 =	vor.u32 v20, v55;
	v25 =	vmul.f32 v25, v34  }
0x1bf: {  	v61 =	vld.idx.msk [tilespmem:v61+s3+$0x0], $0xffff;
	v59 =	vor.u32 v21, v48;
	v8 =	vadd.f32 v13, v8;
	v13 =	vor.u32 v20, v56  }
0x1c0: {  	s1 =	sadd.s32 $0xFFFFF740, s31;
	v18 =	vmul.f32 v18, v44;
	v4 =	vmul.f32 v4, v45;
	v50 =	vld.idx.msk [tilespmem:v50+s3+$0x0], $0xffff;
	v2 =	vadd.f32 v25, v2  }
0x1c1: {  	v60 =	vmov s1;
	[tilespmem:v0+s18+$0x0] =	vst.idx.msk $0xffff, v8;
	v0 =	vor.u32 v20, v57;
	v8 =	vor.u32 v5, v40  }
0x1c2: {  	s4 =	sadd.s32 $0xFFFFFFB0, s31;
	v4 =	vadd.f32 v18, v4;
	v18 =	vmul.f32 v24, v42;
	[tilespmem:v22+s18+$0x0] =	vst.idx.msk $0xffff, v2;
	v2 =	vlaneseq.u32  }
0x1c3: {  	v63 =	vshrl.u32 v60, $0x7;
	v2 =	vor.u32 s4, v2;
	v22 =	vld.idx.msk [tilespmem:v23+s3+$0x0], $0xffff;
	v23 =	vor.u32 v20, v58  }
0x1c4: {  	s1 =	sadd.s32 $0xFFFFFFF0, s31;
	v24 =	vshll.u32 v63, v6;
	v4 =	vadd.f32 v18, v4;
	v18 =	vmul.f32 v61, v43;
	v13 =	vld.idx.msk [tilespmem:v13+s3+$0x0], $0xffff  }
0x1c5: {  	v24 =	vbroadcast v24, $0x0;
	v25 =	vld.idx.msk [tilespmem:v62+s3+$0x0], $0xffff;
	v62 =	vmov s1;
	v50 =	vmul.f32 v50, v26  }
0x1c6: {  	v61 =	vor.u32 v5, v41;
	v4 =	vadd.f32 v18, v4;
	v18 =	vor.u32 v21, v49;
	v0 =	vld.idx.msk [tilespmem:v0+s3+$0x0], $0xffff  }
0x1c7: {  	v24 =	vor.u32 v14, v24;
	v8 =	vld.idx.msk [tilespmem:v8+s3+$0x0], $0xffff;
	v1 =	vadd.f32 v50, v1;
	v50 =	vor.u32 v5, v38  }
0x1c8: {  	[tilespmem:v2+s18+$0x0] =	vst.idx.msk $0xffff, v4;
	v2 =	vor.u32 v21, v46;
	v4 =	vld.idx.msk [tilespmem:v23+s3+$0x0], $0xffff;
	v23 =	vshrl.u32 v62, $0x7  }
0x1c9: {  	v22 =	vmul.f32 v22, v51;
	v23 =	vshll.u32 v23, v6;
	v13 =	vmul.f32 v13, v52  }
0x1ca: {  	v62 =	vor.u32 v21, v47;
	v59 =	vld.idx.msk [tilespmem:v59+s3+$0x0], $0xffff;
	v23 =	vbroadcast v23, $0x0  }
0x1cb: {  	v18 =	vld.idx.msk [tilespmem:v18+s3+$0x0], $0xffff;
	v13 =	vadd.f32 v13, v22;
	v0 =	vmul.f32 v0, v53  }
0x1cc: {  	v22 =	vmul.f32 v25, v35;
	v8 =	vmul.f32 v8, v36;
	v25 =	vld.idx.msk [tilespmem:v61+s3+$0x0], $0xffff;
	v23 =	vor.u32 v3, v23  }
0x1cd: {  	v16 =	vlaneseq.u32;
	[tilespmem:v24+s18+$0x0] =	vst.idx.msk $0xffff, v1;
	v4 =	vmul.f32 v4, v54;
	v2 =	vld.idx.msk [tilespmem:v2+s3+$0x0], $0xffff;
	v0 =	vadd.f32 v0, v13  }
0x1ce: {  	v1 =	vor.u32 v19, v30;
	v13 =	vor.u32 v21, v55;
	v8 =	vadd.f32 v8, v22;
	v22 =	vld.idx.msk [tilespmem:v50+s3+$0x0], $0xffff  }
0x1cf: {  	v24 =	vor.u32 v21, v56;
	v61 =	vor.u32 v19, v31;
	v50 =	vld.idx.msk [tilespmem:v62+s3+$0x0], $0xffff;
	v0 =	vadd.f32 v4, v0  }
0x1d0: {  	s4 =	sadd.s32 $0xFFFFF780, s31;
	v62 =	vor.u32 v19, v32;
	v4 =	vmul.f32 v59, v45;
	v18 =	vmul.f32 v18, v44  }
0x1d1: {  	v59 =	vor.u32 v21, v57;
	v25 =	vmul.f32 v25, v37;
	[tilespmem:v23+s18+$0x0] =	vst.idx.msk $0xffff, v0;
	v0 =	vmov s4  }
0x1d2: {  	s1 =	sadd.s32 $0xFFFFF3C0, s31;
	v4 =	vadd.f32 v18, v4;
	v18 =	vor.u32 v21, v58;
	v2 =	vmul.f32 v2, v42  }
0x1d3: {  	v0 =	vshrl.u32 v0, $0x7;
	v13 =	vld.idx.msk [tilespmem:v13+s3+$0x0], $0xffff;
	v8 =	vadd.f32 v25, v8;
	v25 =	vor.u32 s1, v16  }
0x1d4: {  	v24 =	vld.idx.msk [tilespmem:v24+s3+$0x0], $0xffff;
	v0 =	vshll.u32 v0, v6;
	v2 =	vadd.f32 v2, v4;
	v4 =	vmul.f32 v50, v43  }
0x1d5: {  	v1 =	vld.idx.msk [tilespmem:v1+s3+$0x0], $0xffff;
	v23 =	vor.u32 v19, v33;
	v22 =	vmul.f32 v22, v34;
	v0 =	vbroadcast v0, $0x0  }
0x1d6: {  	v50 =	vld.idx.msk [tilespmem:v59+s3+$0x0], $0xffff;
	v2 =	vadd.f32 v4, v2;
	v4 =	vor.u32 v5, v49  }
0x1d7: {  	v59 =	vor.u32 v5, v48;
	v8 =	vadd.f32 v22, v8;
	v22 =	vld.idx.msk [tilespmem:v61+s3+$0x0], $0xffff;
	v0 =	vor.u32 v7, v0  }
0x1d8: {  	v61 =	vor.u32 v19, v39;
	v18 =	vld.idx.msk [tilespmem:v18+s3+$0x0], $0xffff;
	v13 =	vmul.f32 v13, v51  }
0x1d9: {  	v62 =	vld.idx.msk [tilespmem:v62+s3+$0x0], $0xffff;
	v24 =	vmul.f32 v24, v52;
	[tilespmem:v25+s18+$0x0] =	vst.idx.msk $0xffff, v2;
	v2 =	vor.u32 v5, v46  }
0x1da: {  	v1 =	vmul.f32 v1, v27;
	v23 =	vld.idx.msk [tilespmem:v23+s3+$0x0], $0xffff;
	v25 =	vor.u32 v19, v40  }
0x1db: {  	v13 =	vadd.f32 v24, v13;
	v60 =	vmul.f32 v50, v53;
	v50 =	vor.u32 v7, v15;
	v4 =	vld.idx.msk [tilespmem:v4+s3+$0x0], $0xffff  }
0x1dc: {  	v24 =	vor.u32 v5, v55;
	[tilespmem:v0+s18+$0x0] =	vst.idx.msk $0xffff, v8;
	v0 =	vld.idx.msk [tilespmem:v59+s3+$0x0], $0xffff;
	v8 =	vor.u32 v5, v47  }
0x1dd: {  	v22 =	vmul.f32 v22, v28;
	v13 =	vadd.f32 v60, v13;
	v18 =	vmul.f32 v18, v54;
	v60 =	vld.idx.msk [tilespmem:v61+s3+$0x0], $0xffff  }
0x1de: {  	s4 =	sadd.s32 $0xFFFFFB40, s31;
	v63 =	vmul.f32 v62, v29;
	v62 =	vor.u32 v19, v48;
	v61 =	vor.u32 v5, v56;
	v2 =	vld.idx.msk [tilespmem:v2+s3+$0x0], $0xffff  }
0x1df: {  	v59 =	vmov s4;
	v1 =	vadd.f32 v22, v1;
	v13 =	vadd.f32 v18, v13  }
0x1e0: {  	v23 =	vmul.f32 v23, v26;
	v59 =	vshrl.u32 v59, $0x7;
	v22 =	vld.idx.msk [tilespmem:v25+s3+$0x0], $0xffff;
	v25 =	vor.u32 v5, v57  }
0x1e1: {  	[tilespmem:v50+s18+$0x0] =	vst.idx.msk $0xffff, v13;
	v4 =	vmul.f32 v4, v44;
	v8 =	vld.idx.msk [tilespmem:v8+s3+$0x0], $0xffff;
	v0 =	vmul.f32 v0, v45  }
0x1e2: {  	v18 =	vshll.u32 v59, v6;
	v1 =	vadd.f32 v63, v1;
	v13 =	vld.idx.msk [tilespmem:v24+s3+$0x0], $0xffff;
	v24 =	vor.u32 v5, v58  }
0x1e3: {  	v50 =	vor.u32 v19, v41;
	v59 =	vld.idx.msk [tilespmem:v61+s3+$0x0], $0xffff;
	v2 =	vmul.f32 v2, v42;
	v0 =	vadd.f32 v4, v0  }
0x1e4: {  	v18 =	vbroadcast v18, $0x0;
	v1 =	vadd.f32 v23, v1;
	v4 =	vmul.f32 v60, v35  }
0x1e5: {  	s1 =	sadd.s32 $0xFFFFF7C0, s31;
	s4 =	sadd.s32 $0xFFFFF800, s31;
	v25 =	vld.idx.msk [tilespmem:v25+s3+$0x0], $0xffff;
	v60 =	vor.u32 v19, v38;
	v0 =	vadd.f32 v2, v0;
	v2 =	vlaneseq.u32  }
0x1e6: {  	v18 =	vor.u32 v14, v18;
	v61 =	vmov s4;
	v2 =	vor.u32 s1, v2  }
0x1e7: {  	v22 =	vmul.f32 v22, v36;
	v61 =	vshrl.u32 v61, $0x7;
	v8 =	vmul.f32 v8, v43;
	v24 =	vld.idx.msk [tilespmem:v24+s3+$0x0], $0xffff  }
0x1e8: {  	v61 =	vshll.u32 v61, v6;
	v50 =	vld.idx.msk [tilespmem:v50+s3+$0x0], $0xffff;
	v13 =	vmul.f32 v13, v51;
	v59 =	vmul.f32 v59, v52  }
0x1e9: {  	v61 =	vbroadcast v61, $0x0;
	s1 =	sadd.s32 $0xFFFFFB80, s31;
	v0 =	vadd.f32 v8, v0;
	v8 =	vor.u32 v19, v49  }
0x1ea: {  	v25 =	vmul.f32 v25, v53;
	v60 =	vld.idx.msk [tilespmem:v60+s3+$0x0], $0xffff;
	v13 =	vadd.f32 v59, v13;
	v59 =	vmov s1  }
0x1eb: {  	[tilespmem:v2+s18+$0x0] =	vst.idx.msk $0xffff, v0;
	v0 =	vadd.f32 v22, v4;
	v2 =	vshrl.u32 v59, $0x7;
	v4 =	vor.u32 v7, v61  }
0x1ec: {  	v15 =	vmovc v12;
	v12 =	vld [tilespmem:$0x1FFE0];
	v13 =	vadd.f32 v25, v13;
	v22 =	vmul.f32 v24, v54;
	v24 =	vor.u32 v19, v55  }
0x1ed: {  	v25 =	vmul.f32 v50, v37;
	v59 =	vor.u32 v19, v56;
	v2 =	vshll.u32 v2, v6;
	v50 =	vld.idx.msk [tilespmem:v62+s3+$0x0], $0xffff  }
0x1ee: {  	v2 =	vbroadcast v2, $0x0;
	v8 =	vld.idx.msk [tilespmem:v8+s3+$0x0], $0xffff;
	v13 =	vadd.f32 v22, v13;
	v22 =	vor.u32 v19, v46  }
0x1ef: {  	v0 =	vadd.f32 v25, v0;
	v25 =	vmul.f32 v60, v34;
	v60 =	vor.u32 v19, v57  }
0x1f0: {  	v2 =	vor.u32 v7, v2;
	[tilespmem:v4+s18+$0x0] =	vst.idx.msk $0xffff, v13;
	v4 =	vor.u32 v19, v47  }
0x1f1: {  	v13 =	vld.idx.msk [tilespmem:v24+s3+$0x0], $0xffff;
	v24 =	vor.u32 v19, v58  }
0x1f2: {  	[tilespmem:v18+s18+$0x0] =	vst.idx.msk $0xffff, v1;
	v1 =	vor.u32 v12, v31;
	v23 =	vld.idx.msk [tilespmem:v59+s3+$0x0], $0xffff  }
0x1f3: {  	v0 =	vadd.f32 v25, v0;
	v59 =	vmul.f32 v50, v45;
	v8 =	vmul.f32 v8, v44;
	v22 =	vld.idx.msk [tilespmem:v22+s3+$0x0], $0xffff  }
0x1f4: {  	v39 =	vor.u32 v12, v39;
	v40 =	vor.u32 v12, v40;
	s4 =	sadd.s32 $0xFFFFFC00, s31;
	v25 =	vor.u32 v12, v30;
	v61 =	vld.idx.msk [tilespmem:v60+s3+$0x0], $0xffff  }
0x1f5: {  	v18 =	vor.u32 v12, v32;
	[tilespmem:v2+s18+$0x0] =	vst.idx.msk $0xffff, v0;
	v2 =	vadd.f32 v8, v59;
	v8 =	vmov s4;
	v4 =	vld.idx.msk [tilespmem:v4+s3+$0x0], $0xffff  }
0x1f6: {  	v41 =	vor.u32 v12, v41;
	v62 =	vlaneseq.u32;
	v8 =	vshrl.u32 v8, $0x7;
	v24 =	vld.idx.msk [tilespmem:v24+s3+$0x0], $0xffff  }
0x1f7: {  	v13 =	vmul.f32 v13, v51;
	v23 =	vmul.f32 v23, v52;
	v8 =	vshll.u32 v8, v6  }
0x1f8: {  	s1 =	sadd.s32 $0xFFFFFBC0, s31;
	v1 =	vld.idx.msk [tilespmem:v1+s3+$0x0], $0xffff;
	v0 =	vor.u32 v12, v33;
	v22 =	vmul.f32 v22, v42;
	v8 =	vbroadcast v8, $0x0  }
0x1f9: {  	v25 =	vld.idx.msk [tilespmem:v25+s3+$0x0], $0xffff;
	v31 =	vmul.f32 v61, v53;
	v13 =	vadd.f32 v23, v13;
	v23 =	vor.u32 s1, v62  }
0x1fa: {  	v18 =	vld.idx.msk [tilespmem:v18+s3+$0x0], $0xffff;
	v2 =	vadd.f32 v22, v2;
	v8 =	vor.u32 v7, v8;
	v4 =	vmul.f32 v4, v43  }
0x1fb: {  	v48 =	vor.u32 v12, v48;
	v22 =	vld.idx.msk [tilespmem:v39+s3+$0x0], $0xffff;
	v13 =	vadd.f32 v31, v13;
	v24 =	vmul.f32 v24, v54  }
0x1fc: {  	v49 =	vor.u32 v12, v49;
	v2 =	vadd.f32 v4, v2;
	v4 =	vld.idx.msk [tilespmem:v40+s3+$0x0], $0xffff  }
0x1fd: {  	v57 =	vor.u32 v12, v57;
	v0 =	vld.idx.msk [tilespmem:v0+s3+$0x0], $0xffff;
	v13 =	vadd.f32 v24, v13  }
0x1fe: {  	v1 =	vmul.f32 v1, v28;
	s1 =	sadd.s32 $0xFFFFFF80, s31;
	[tilespmem:v23+s18+$0x0] =	vst.idx.msk $0xffff, v2;
	v2 =	vmul.f32 v25, v27;
	v23 =	vld.idx.msk [tilespmem:v41+s3+$0x0], $0xffff  }
0x1ff: {  	v50 =	vor.u32 v12, v38;
	v60 =	vmov s1;
	[tilespmem:v8+s18+$0x0] =	vst.idx.msk $0xffff, v13;
	v8 =	vor.u32 v12, v55  }
0x200: {  	v13 =	vld.idx.msk [tilespmem:v48+s3+$0x0], $0xffff;
	v1 =	vadd.f32 v1, v2;
	v2 =	vmul.f32 v18, v29;
	v18 =	vor.u32 v12, v56  }
0x201: {  	v22 =	vmul.f32 v22, v35;
	v55 =	vld.idx.msk [tilespmem:v49+s3+$0x0], $0xffff;
	v56 =	vor.u32 v12, v46;
	v4 =	vmul.f32 v4, v36  }
0x202: {  	v0 =	vmul.f32 v0, v26;
	v25 =	vshrl.u32 v60, $0x7;
	v1 =	vadd.f32 v2, v1  }
0x203: {  	v24 =	vld.idx.msk [tilespmem:v57+s3+$0x0], $0xffff;
	v4 =	vadd.f32 v4, v22;
	v22 =	vmul.f32 v23, v37;
	v23 =	vor.u32 v12, v47  }
0x204: {  	s4 =	sadd.s32 $0xFFFFFF40, s31;
	v59 =	vor.u32 v12, v58;
	v25 =	vshll.u32 v25, v6;
	v8 =	vld.idx.msk [tilespmem:v8+s3+$0x0], $0xffff  }
0x205: {  	v0 =	vadd.f32 v0, v1;
	v1 =	vmov s4;
	v13 =	vmul.f32 v13, v45;
	v18 =	vld.idx.msk [tilespmem:v18+s3+$0x0], $0xffff  }
0x206: {  	v4 =	vadd.f32 v22, v4;
	v1 =	vshrl.u32 v1, $0x7;
	v22 =	vmul.f32 v55, v44;
	v27 =	vld.idx.msk [tilespmem:v56+s3+$0x0], $0xffff  }
0x207: {  	v25 =	vbroadcast v25, $0x0;
	v2 =	vld.idx.msk [tilespmem:v50+s3+$0x0], $0xffff;
	v1 =	vshll.u32 v1, v6  }
0x208: {  	v1 =	vbroadcast v1, $0x0;
	v13 =	vadd.f32 v22, v13;
	v22 =	vld.idx.msk [tilespmem:v23+s3+$0x0], $0xffff;
	v23 =	vmov s31  }
0x209: {  	v26 =	vld.idx.msk [tilespmem:v59+s3+$0x0], $0xffff;
	v25 =	vor.u32 v7, v25;
	v8 =	vmul.f32 v8, v51;
	v23 =	vshrl.u32 v23, $0x7  }
0x20a: {  	s4 =	sadd.s32 $0xFFFFFFC0, s31;
	v1 =	vor.u32 v14, v1;
	v18 =	vmul.f32 v18, v52;
	v23 =	vshll.u32 v23, v6  }
0x20b: {  	v61 =	vor.u32 s4, v62;
	v27 =	vmul.f32 v27, v42;
	v23 =	vbroadcast v23, $0x0  }
0x20c: {  	s29 =	sadd.s32 $0x4, s29;
	v2 =	vmul.f32 v2, v34;
	v8 =	vadd.f32 v18, v8;
	v18 =	vmul.f32 v24, v53  }
0x20d: {  	p0 =	slt.u32 s29, $0xC;
	v13 =	vadd.f32 v27, v13;
	v22 =	vmul.f32 v22, v43;
	v23 =	vor.u32 v7, v23  }
.Ltmp0:
0x20e: {  	v2 =	vadd.f32 v2, v4;
	v4 =	vadd.f32 v18, v8;
	v8 =	vmul.f32 v26, v54;
	(pc) =	sbr.rel @p0 .LBB2_3-.Ltmp0, $4  }
0x20f: {  	[tilespmem:v1+s18+$0x0] =	vst.idx.msk $0xffff, v0;
	v0 =	vadd.f32 v22, v13  }
0x210: {  	v3 =	vld [tilespmem:$0x1FFD0];
	[tilespmem:v25+s18+$0x0] =	vst.idx.msk $0xffff, v2;
	v1 =	vadd.f32 v8, v4  }
0x211: {  	v16 =	vld [tilespmem:$0x1FFC0];
	[tilespmem:v61+s18+$0x0] =	vst.idx.msk $0xffff, v0  }
0x212: {  	s30 =	sadd.s32 $0x10, s30;
	v63 =	vld [tilespmem:$0x1FFF0];
	s31 =	sadd.s32 $0x100, s31;
	[tilespmem:v23+s18+$0x0] =	vst.idx.msk $0xffff, v1  }
0x213: {  	s0 =	sand.u32 $0x10, s28  }
0x214: {  	v0 =	vimm.s32 $0x0;
	v26 =	vmov s0  }
0x215: {  	v39 =	vsel vm0, $0xB, v0;
	s4 =	sor.u32 $0x8, s0;
	s30 =	sor.u32 $0x9, s0;
	s31 =	sor.u32 $0xA, s0;
	v26 =	vshrl.u32 v26, $0x3  }
0x216: {  	s1 =	sor.u32 $0xB, s0;
	s29 =	sor.u32 $0xC, s0;
	v34 =	vmov s4;
	v35 =	vmov s30;
	v36 =	vmov s31  }
0x217: {  	v37 =	vmov s1;
	v38 =	vmov s29;
	v26 =	vshll.u32 v26, v39  }
0x218: {  	s30 =	sor.u32 $0xD, s0;
	v34 =	vshrl.u32 v34, $0x3;
	v35 =	vshrl.u32 v35, $0x3;
	v36 =	vshrl.u32 v36, $0x3  }
0x219: {  	s31 =	sor.u32 $0xE, s0;
	s0 =	sor.u32 $0xF, s0;
	v37 =	vshrl.u32 v37, $0x3;
	v38 =	vshrl.u32 v38, $0x3;
	v40 =	vmov s30  }
0x21a: {  	v41 =	vmov s31;
	v42 =	vmov s0;
	v27 =	vor.u32 $0x80, v26  }
0x21b: {  	v28 =	vor.u32 $0x100, v26;
	v29 =	vor.u32 $0x180, v26;
	v30 =	vor.u32 $0x200, v26  }
0x21c: {  	v31 =	vor.u32 $0x280, v26;
	v32 =	vor.u32 $0x300, v26;
	v33 =	vor.u32 $0x380, v26  }
0x21d: {  	v34 =	vshll.u32 v34, v39;
	v35 =	vshll.u32 v35, v39;
	v36 =	vshll.u32 v36, v39  }
0x21e: {  	v37 =	vshll.u32 v37, v39;
	v38 =	vshll.u32 v38, v39;
	v40 =	vshrl.u32 v40, $0x3  }
0x21f: {  	v41 =	vshrl.u32 v41, $0x3;
	v42 =	vshrl.u32 v42, $0x3;
	v35 =	vor.u32 $0x80, v35  }
0x220: {  	v36 =	vor.u32 $0x100, v36;
	v37 =	vor.u32 $0x180, v37;
	v38 =	vor.u32 $0x200, v38  }
0x221: {  	v40 =	vshll.u32 v40, v39;
	v41 =	vshll.u32 v41, v39;
	v42 =	vshll.u32 v42, v39  }
0x222: {  	s28 =	simm.s32 $0x0;
	v39 =	vor.u32 $0x280, v40;
	v40 =	vor.u32 $0x300, v41;
	v41 =	vor.u32 $0x380, v42  }
.LBB2_5:
0x223: {  	v0 =	vor.u32 s28, v62;
	_ =	sdelay $0x4  }
0x224: {  	v1 =	vshll.u32 v0, $0x2;
	v46 =	vld.idx.msk [tilespmem:v0+s17+$0x0], $0xffff  }
0x225: {  	v2 =	vor.u32 $0x1, v1  }
0x226: {  	v4 =	vor.u32 $0x2, v1  }
0x227: {  	v8 =	vor.u32 $0x3, v1;
	_ =	sdelay $0x1  }
0x228: {  	v45 =	vld.idx.msk [tilespmem:v1+s15+$0x0], $0xffff;
	v13 =	vadd.s32 $0xFFFFFFFD, v46  }
0x229: {  	v44 =	vld.idx.msk [tilespmem:v2+s15+$0x0], $0xffff;
	v1 =	vadd.s32 $0xBFD, v46  }
0x22a: {  	v43 =	vld.idx.msk [tilespmem:v4+s15+$0x0], $0xffff;
	v2 =	vadd.s32 $0xBFE, v46  }
0x22b: {  	v42 =	vld.idx.msk [tilespmem:v8+s15+$0x0], $0xffff;
	v18 =	vadd.s32 $0xFFFFFFFE, v46  }
0x22c: {  	v4 =	vadd.s32 $0xBFF, v46;
	v48 =	vld.idx.msk [tilespmem:v46+s18+$0x0], $0xffff  }
0x22d: {  	v8 =	vadd.s32 $0xFFFFFFFF, v46;
	v13 =	vld.idx.msk [tilespmem:v13+s18+$0x0], $0xffff  }
0x22e: {  	v22 =	vadd.s32 $0xC00, v46;
	v1 =	vld.idx.msk [tilespmem:v1+s18+$0x0], $0xffff  }
0x22f: {  	v23 =	vadd.s32 $0x3FD, v46;
	v2 =	vld.idx.msk [tilespmem:v2+s18+$0x0], $0xffff  }
0x230: {  	v24 =	vadd.s32 $0x3FE, v46;
	v18 =	vld.idx.msk [tilespmem:v18+s18+$0x0], $0xffff  }
0x231: {  	v4 =	vld.idx.msk [tilespmem:v4+s18+$0x0], $0xffff  }
0x232: {  	v25 =	vadd.s32 $0x7FD, v46;
	v47 =	vadd.s32 $0x7FE, v46;
	v8 =	vld.idx.msk [tilespmem:v8+s18+$0x0], $0xffff  }
0x233: {  	v49 =	vadd.s32 $0x3FF, v46;
	v50 =	vadd.s32 $0x7FF, v46;
	v51 =	vadd.s32 $0x800, v46;
	v22 =	vld.idx.msk [tilespmem:v22+s18+$0x0], $0xffff  }
0x234: {  	v57 =	vadd.s32 $0xC3E, v46;
	v23 =	vld.idx.msk [tilespmem:v23+s18+$0x0], $0xffff;
	v1 =	vmul.f32 v1, v45;
	v2 =	vmul.f32 v2, v44  }
0x235: {  	v59 =	vadd.s32 $0xC3F, v46;
	v24 =	vld.idx.msk [tilespmem:v24+s18+$0x0], $0xffff;
	v13 =	vmul.f32 v13, v45;
	v18 =	vmul.f32 v18, v44  }
0x236: {  	v52 =	vadd.s32 $0x43D, v46;
	v1 =	vadd.f32 v2, v1;
	v2 =	vmul.f32 v4, v43  }
0x237: {  	v8 =	vmul.f32 v8, v43;
	v4 =	vadd.f32 v18, v13;
	v13 =	vadd.s32 $0x400, v46;
	v18 =	vld.idx.msk [tilespmem:v25+s18+$0x0], $0xffff  }
0x238: {  	v48 =	vmul.f32 v48, v42;
	v25 =	vld.idx.msk [tilespmem:v47+s18+$0x0], $0xffff;
	v47 =	vand.u32 $0x7F, v0;
	v1 =	vadd.f32 v2, v1  }
0x239: {  	v0 =	vld.idx.msk [tilespmem:v49+s18+$0x0], $0xffff;
	v2 =	vmul.f32 v22, v42;
	v22 =	vmov s28;
	v4 =	vadd.f32 v8, v4  }
0x23a: {  	v58 =	vld.idx.msk [tilespmem:v51+s18+$0x0], $0xffff;
	v23 =	vmul.f32 v23, v45;
	v24 =	vmul.f32 v24, v44;
	v22 =	vshll.u32 v22, $0x3  }
0x23b: {  	v8 =	vld.idx.msk [tilespmem:v50+s18+$0x0], $0xffff;
	v1 =	vadd.f32 v2, v1;
	v2 =	vadd.s32 $0xC3D, v46;
	v4 =	vadd.f32 v48, v4  }
0x23c: {  	v48 =	vand.u32 $0x400, v22;
	v22 =	vadd.s32 $0x43E, v46;
	v13 =	vld.idx.msk [tilespmem:v13+s18+$0x0], $0xffff;
	v18 =	vmul.f32 v18, v45  }
0x23d: {  	v51 =	vld.idx.msk [tilespmem:v59+s18+$0x0], $0xffff;
	v25 =	vmul.f32 v25, v44;
	(erf) = vrcp.f32 v1;
	v1 =	vadd.s32 $0x3D, v46  }
0x23e: {  	v52 =	vld.idx.msk [tilespmem:v52+s18+$0x0], $0xffff;
	v23 =	vadd.f32 v24, v23;
	v24 =	vadd.s32 $0x3E, v46;
	v0 =	vmul.f32 v0, v43  }
0x23f: {  	v49 =	vld.idx.msk [tilespmem:v57+s18+$0x0], $0xffff;
	v18 =	vadd.f32 v25, v18;
	v25 =	vadd.s32 $0xC40, v46  }
0x240: {  	v8 =	vmul.f32 v8, v43;
	v0 =	vadd.f32 v0, v23;
	v23 =	vadd.s32 $0x3F, v46;
	v2 =	vld.idx.msk [tilespmem:v2+s18+$0x0], $0xffff  }
0x241: {  	v22 =	vld.idx.msk [tilespmem:v22+s18+$0x0], $0xffff;
	v13 =	vmul.f32 v13, v42  }
0x242: {  	v61 =	vadd.s32 $0x440, v46;
	v50 =	vmul.f32 v58, v42;
	v8 =	vadd.f32 v8, v18;
	v1 =	vld.idx.msk [tilespmem:v1+s18+$0x0], $0xffff  }
0x243: {  	v54 =	vadd.s32 $0x83E, v46;
	v55 =	vadd.s32 $0x43F, v46;
	v0 =	vadd.f32 v13, v0;
	v13 =	vld.idx.msk [tilespmem:v24+s18+$0x0], $0xffff  }
0x244: {  	v60 =	vmul.f32 v51, v43;
	v8 =	vadd.f32 v50, v8;
	v50 =	vadd.s32 $0x83D, v46;
	v25 =	vld.idx.msk [tilespmem:v25+s18+$0x0], $0xffff  }
0x245: {  	v56 =	vadd.s32 $0x83F, v46;
	v49 =	vmul.f32 v49, v44;
	v23 =	vld.idx.msk [tilespmem:v23+s18+$0x0], $0xffff;
	v2 =	vmul.f32 v2, v45  }
0x246: {  	v52 =	vmul.f32 v52, v45;
	v18 =	vadd.s32 $0x40, v46;
	v24 =	vor.u32 v48, v26  }
0x247: {  	v51 =	vld.idx.msk [tilespmem:v61+s18+$0x0], $0xffff;
	v57 =	vadd.s32 $0x840, v46;
	v24 =	vbroadcast v24, $0x0;
	v2 =	vadd.f32 v49, v2  }
0x248: {  	v59 =	vadd.s32 $0xC7E, v46;
	v58 =	vld.idx.msk [tilespmem:v55+s18+$0x0], $0xffff;
	v1 =	vmul.f32 v1, v45;
	v13 =	vmul.f32 v13, v44  }
0x249: {  	v22 =	vmul.f32 v22, v44;
	v50 =	vld.idx.msk [tilespmem:v50+s18+$0x0], $0xffff;
	v25 =	vmul.f32 v25, v42;
	v2 =	vadd.f32 v60, v2  }
0x24a: {  	v53 =	vpop (erf);
	v24 =	vor.u32 v47, v24;
	v1 =	vadd.f32 v13, v1;
	v13 =	vmul.f32 v23, v43;
	v23 =	vld.idx.msk [tilespmem:v54+s18+$0x0], $0xffff  }
0x24b: {  	v61 =	vadd.s32 $0xC7F, v46;
	v18 =	vld.idx.msk [tilespmem:v18+s18+$0x0], $0xffff;
	v4 =	vmul.f32 v53, v4;
	v2 =	vadd.f32 v25, v2  }
0x24c: {  	v0 =	vmul.f32 v53, v0;
	v8 =	vmul.f32 v53, v8;
	v22 =	vadd.f32 v22, v52;
	v60 =	vld.idx.msk [tilespmem:v57+s18+$0x0], $0xffff  }
0x24d: {  	v57 =	vadd.s32 $0x7E, v46;
	v1 =	vadd.f32 v13, v1;
	v13 =	vld.idx.msk [tilespmem:v56+s18+$0x0], $0xffff;
	(erf) = vrcp.f32 v2  }
0x24e: {  	v49 =	vmul.f32 v58, v43;
	v58 =	vadd.s32 $0xC80, v46;
	v25 =	vadd.s32 $0xC7D, v46  }
0x24f: {  	[tilespmem:v24+s19+$0x0] =	vst.idx.msk $0xffff, v4;
	v4 =	vmul.f32 v50, v45;
	v2 =	vadd.s32 $0x7D, v46;
	v23 =	vmul.f32 v23, v44  }
0x250: {  	v53 =	vld.idx.msk [tilespmem:v59+s18+$0x0], $0xffff;
	v59 =	vmul.f32 v51, v42;
	v22 =	vadd.f32 v49, v22;
	v18 =	vmul.f32 v18, v42  }
0x251: {  	v55 =	vld.idx.msk [tilespmem:v61+s18+$0x0], $0xffff;
	v51 =	vadd.s32 $0x80, v46;
	v4 =	vadd.f32 v23, v4;
	v23 =	vadd.s32 $0x7F, v46  }
0x252: {  	v1 =	vadd.f32 v18, v1;
	v18 =	vadd.f32 v59, v22;
	v22 =	vld.idx.msk [tilespmem:v57+s18+$0x0], $0xffff;
	v13 =	vmul.f32 v13, v43  }
0x253: {  	v61 =	vadd.s32 $0x47E, v46;
	v25 =	vld.idx.msk [tilespmem:v25+s18+$0x0], $0xffff  }
0x254: {  	v50 =	vadd.s32 $0x87D, v46;
	v2 =	vld.idx.msk [tilespmem:v2+s18+$0x0], $0xffff;
	v4 =	vadd.f32 v13, v4;
	v13 =	vmul.f32 v60, v42  }
0x255: {  	v52 =	vld.idx.msk [tilespmem:v58+s18+$0x0], $0xffff;
	v60 =	vadd.s32 $0x47D, v46  }
0x256: {  	v57 =	vadd.s32 $0x87E, v46;
	v4 =	vadd.f32 v13, v4;
	v13 =	vor.u32 v48, v27;
	v56 =	vpop (erf);
	v23 =	vld.idx.msk [tilespmem:v23+s18+$0x0], $0xffff  }
0x257: {  	[tilespmem:v24+s20+$0x0] =	vst.idx.msk $0xffff, v0;
	v0 =	vmul.f32 v56, v1;
	v1 =	vbroadcast v13, $0x0;
	v13 =	vld.idx.msk [tilespmem:v51+s18+$0x0], $0xffff;
	v51 =	vadd.s32 $0x47F, v46  }
0x258: {  	v49 =	vld.idx.msk [tilespmem:v61+s18+$0x0], $0xffff;
	v61 =	vadd.s32 $0x480, v46;
	v53 =	vmul.f32 v53, v44;
	v25 =	vmul.f32 v25, v45  }
0x259: {  	v58 =	vadd.s32 $0x87F, v46;
	v50 =	vld.idx.msk [tilespmem:v50+s18+$0x0], $0xffff;
	v22 =	vmul.f32 v22, v44;
	v2 =	vmul.f32 v2, v45  }
0x25a: {  	v59 =	vadd.s32 $0x880, v46;
	v25 =	vadd.f32 v53, v25;
	v54 =	vld.idx.msk [tilespmem:v60+s18+$0x0], $0xffff;
	v60 =	vmul.f32 v55, v43  }
0x25b: {  	v52 =	vmul.f32 v52, v42;
	v2 =	vadd.f32 v22, v2;
	v22 =	vmul.f32 v23, v43;
	v23 =	vld.idx.msk [tilespmem:v57+s18+$0x0], $0xffff  }
0x25c: {  	v53 =	vadd.s32 $0xCBE, v46;
	v1 =	vor.u32 v47, v1;
	v25 =	vadd.f32 v60, v25;
	v51 =	vld.idx.msk [tilespmem:v51+s18+$0x0], $0xffff  }
0x25d: {  	[tilespmem:v24+s21+$0x0] =	vst.idx.msk $0xffff, v8;
	v24 =	vadd.s32 $0xBD, v46;
	v8 =	vmul.f32 v13, v42;
	v13 =	vld.idx.msk [tilespmem:v61+s18+$0x0], $0xffff;
	v61 =	vadd.s32 $0xCBF, v46  }
0x25e: {  	v25 =	vadd.f32 v52, v25;
	v52 =	vadd.s32 $0xCBD, v46;
	v2 =	vadd.f32 v22, v2;
	v22 =	vld.idx.msk [tilespmem:v58+s18+$0x0], $0xffff  }
0x25f: {  	v49 =	vmul.f32 v49, v44;
	v18 =	vmul.f32 v56, v18;
	v60 =	vld.idx.msk [tilespmem:v59+s18+$0x0], $0xffff;
	v59 =	vadd.s32 $0xCC0, v46  }
0x260: {  	v57 =	vadd.s32 $0xBE, v46;
	(erf) = vrcp.f32 v25;
	v25 =	vmul.f32 v54, v45  }
0x261: {  	v53 =	vld.idx.msk [tilespmem:v53+s18+$0x0], $0xffff;
	[tilespmem:v1+s19+$0x0] =	vst.idx.msk $0xffff, v0;
	v0 =	vmul.f32 v50, v45;
	v23 =	vmul.f32 v23, v44  }
0x262: {  	v25 =	vadd.f32 v49, v25;
	v58 =	vmul.f32 v51, v43;
	v55 =	vld.idx.msk [tilespmem:v61+s18+$0x0], $0xffff;
	v61 =	vadd.s32 $0x8BD, v46  }
0x263: {  	v51 =	vld.idx.msk [tilespmem:v52+s18+$0x0], $0xffff;
	v0 =	vadd.f32 v23, v0;
	v22 =	vmul.f32 v22, v43;
	v23 =	vadd.s32 $0xBF, v46  }
0x264: {  	v24 =	vld.idx.msk [tilespmem:v24+s18+$0x0], $0xffff;
	v49 =	vadd.s32 $0xC0, v46;
	v13 =	vmul.f32 v13, v42;
	v25 =	vadd.f32 v58, v25  }
0x265: {  	v52 =	vld.idx.msk [tilespmem:v59+s18+$0x0], $0xffff;
	v0 =	vadd.f32 v22, v0;
	v22 =	vmul.f32 v60, v42;
	v60 =	vadd.s32 $0x4BD, v46  }
0x266: {  	v2 =	vadd.f32 v8, v2;
	v8 =	vadd.f32 v13, v25;
	v13 =	vld.idx.msk [tilespmem:v57+s18+$0x0], $0xffff;
	v25 =	vadd.s32 $0x4BE, v46  }
0x267: {  	v53 =	vmul.f32 v53, v44;
	v57 =	vadd.s32 $0x8BE, v46;
	v50 =	vld.idx.msk [tilespmem:v61+s18+$0x0], $0xffff;
	v61 =	vadd.s32 $0x8C0, v46  }
0x268: {  	v0 =	vadd.f32 v22, v0;
	v22 =	vor.u32 v48, v28;
	v51 =	vmul.f32 v51, v45;
	v23 =	vld.idx.msk [tilespmem:v23+s18+$0x0], $0xffff  }
0x269: {  	v4 =	vmul.f32 v56, v4;
	[tilespmem:v1+s20+$0x0] =	vst.idx.msk $0xffff, v18;
	v18 =	vbroadcast v22, $0x0;
	v22 =	vld.idx.msk [tilespmem:v49+s18+$0x0], $0xffff;
	v49 =	vadd.s32 $0x4BF, v46  }
0x26a: {  	v58 =	vadd.s32 $0x8BF, v46;
	v51 =	vadd.f32 v53, v51;
	v53 =	vmul.f32 v55, v43;
	v54 =	vld.idx.msk [tilespmem:v60+s18+$0x0], $0xffff  }
0x26b: {  	v24 =	vmul.f32 v24, v45;
	v60 =	vadd.s32 $0x4C0, v46;
	v13 =	vmul.f32 v13, v44;
	v25 =	vld.idx.msk [tilespmem:v25+s18+$0x0], $0xffff  }
0x26c: {  	v52 =	vmul.f32 v52, v42;
	v18 =	vor.u32 v47, v18;
	v51 =	vadd.f32 v53, v51;
	v61 =	vld.idx.msk [tilespmem:v61+s18+$0x0], $0xffff  }
0x26d: {  	v53 =	vadd.s32 $0xCFE, v46;
	v13 =	vadd.f32 v13, v24;
	v23 =	vmul.f32 v23, v43;
	v24 =	vld.idx.msk [tilespmem:v57+s18+$0x0], $0xffff  }
0x26e: {  	[tilespmem:v1+s21+$0x0] =	vst.idx.msk $0xffff, v4;
	v59 =	vadd.s32 $0xD00, v46;
	v56 =	vpop (erf);
	v49 =	vld.idx.msk [tilespmem:v49+s18+$0x0], $0xffff;
	v51 =	vadd.f32 v52, v51;
	v52 =	vadd.s32 $0xCFD, v46  }
0x26f: {  	v2 =	vmul.f32 v56, v2;
	v8 =	vmul.f32 v56, v8;
	v13 =	vadd.f32 v23, v13;
	v23 =	vld.idx.msk [tilespmem:v58+s18+$0x0], $0xffff  }
0x270: {  	v0 =	vmul.f32 v56, v0;
	v1 =	vmul.f32 v22, v42;
	v22 =	vadd.s32 $0xFD, v46;
	v4 =	vld.idx.msk [tilespmem:v60+s18+$0x0], $0xffff  }
0x271: {  	v57 =	vadd.s32 $0xCFF, v46;
	v60 =	vmul.f32 v54, v45;
	[tilespmem:v18+s19+$0x0] =	vst.idx.msk $0xffff, v2;
	v25 =	vmul.f32 v25, v44  }
0x272: {  	v2 =	vmul.f32 v50, v45;
	v58 =	vadd.s32 $0xFE, v46;
	v53 =	vld.idx.msk [tilespmem:v53+s18+$0x0], $0xffff;
	v24 =	vmul.f32 v24, v44  }
0x273: {  	(erf) = vrcp.f32 v51;
	v25 =	vadd.f32 v25, v60;
	v49 =	vmul.f32 v49, v43;
	v51 =	vld.idx.msk [tilespmem:v52+s18+$0x0], $0xffff  }
0x274: {  	[tilespmem:v18+s20+$0x0] =	vst.idx.msk $0xffff, v8;
	v60 =	vadd.s32 $0x4FD, v46;
	v2 =	vadd.f32 v24, v2;
	v23 =	vmul.f32 v23, v43  }
0x275: {  	v22 =	vld.idx.msk [tilespmem:v22+s18+$0x0], $0xffff;
	v24 =	vadd.s32 $0xFF, v46;
	v25 =	vadd.f32 v49, v25;
	v4 =	vmul.f32 v4, v42  }
0x276: {  	v1 =	vadd.f32 v1, v13;
	v55 =	vld.idx.msk [tilespmem:v57+s18+$0x0], $0xffff;
	v49 =	vadd.s32 $0x100, v46;
	v2 =	vadd.f32 v23, v2  }
0x277: {  	v13 =	vld.idx.msk [tilespmem:v58+s18+$0x0], $0xffff;
	v23 =	vmul.f32 v61, v42;
	v4 =	vadd.f32 v4, v25;
	v25 =	vadd.s32 $0x4FE, v46  }
0x278: {  	v52 =	vld.idx.msk [tilespmem:v59+s18+$0x0], $0xffff;
	v53 =	vmul.f32 v53, v44;
	v61 =	vadd.s32 $0x8FD, v46;
	v51 =	vmul.f32 v51, v45  }
0x279: {  	v54 =	vld.idx.msk [tilespmem:v60+s18+$0x0], $0xffff;
	v60 =	vadd.s32 $0x500, v46;
	v2 =	vadd.f32 v23, v2;
	v23 =	vor.u32 v48, v29  }
0x27a: {  	[tilespmem:v18+s21+$0x0] =	vst.idx.msk $0xffff, v0;
	v57 =	vadd.s32 $0x8FE, v46;
	v24 =	vld.idx.msk [tilespmem:v24+s18+$0x0], $0xffff;
	v8 =	vbroadcast v23, $0x0  }
0x27b: {  	v23 =	vld.idx.msk [tilespmem:v49+s18+$0x0], $0xffff;
	v49 =	vadd.s32 $0x4FF, v46;
	v51 =	vadd.f32 v53, v51;
	v53 =	vmul.f32 v55, v43  }
0x27c: {  	v58 =	vadd.s32 $0x8FF, v46;
	v22 =	vmul.f32 v22, v45;
	v13 =	vmul.f32 v13, v44;
	v25 =	vld.idx.msk [tilespmem:v25+s18+$0x0], $0xffff  }
0x27d: {  	v52 =	vmul.f32 v52, v42;
	v50 =	vld.idx.msk [tilespmem:v61+s18+$0x0], $0xffff;
	v61 =	vadd.s32 $0x900, v46;
	v51 =	vadd.f32 v53, v51  }
0x27e: {  	v8 =	vor.u32 v47, v8;
	v13 =	vadd.f32 v13, v22;
	v53 =	vadd.s32 $0xD3E, v46;
	v18 =	vld.idx.msk [tilespmem:v60+s18+$0x0], $0xffff  }
0x27f: {  	v56 =	vpop (erf);
	v51 =	vadd.f32 v52, v51;
	v52 =	vadd.s32 $0xD3D, v46;
	v22 =	vmul.f32 v24, v43;
	v24 =	vld.idx.msk [tilespmem:v57+s18+$0x0], $0xffff  }
0x280: {  	v59 =	vadd.s32 $0xD40, v46;
	v1 =	vmul.f32 v56, v1;
	v4 =	vmul.f32 v56, v4;
	v49 =	vld.idx.msk [tilespmem:v49+s18+$0x0], $0xffff  }
0x281: {  	v60 =	vmul.f32 v54, v45;
	v57 =	vadd.s32 $0xD3F, v46;
	v13 =	vadd.f32 v22, v13;
	v22 =	vld.idx.msk [tilespmem:v58+s18+$0x0], $0xffff  }
0x282: {  	v0 =	vmul.f32 v23, v42;
	v23 =	vadd.s32 $0x13D, v46;
	(erf) = vrcp.f32 v51;
	v61 =	vld.idx.msk [tilespmem:v61+s18+$0x0], $0xffff  }
0x283: {  	v25 =	vmul.f32 v25, v44;
	[tilespmem:v8+s19+$0x0] =	vst.idx.msk $0xffff, v1;
	v1 =	vmul.f32 v50, v45;
	v53 =	vld.idx.msk [tilespmem:v53+s18+$0x0], $0xffff  }
0x284: {  	v58 =	vadd.s32 $0x13E, v46;
	v18 =	vmul.f32 v18, v42;
	v51 =	vld.idx.msk [tilespmem:v52+s18+$0x0], $0xffff;
	v24 =	vmul.f32 v24, v44  }
0x285: {  	v25 =	vadd.f32 v25, v60;
	v60 =	vadd.s32 $0x53D, v46;
	v49 =	vmul.f32 v49, v43  }
0x286: {  	v55 =	vld.idx.msk [tilespmem:v57+s18+$0x0], $0xffff;
	v1 =	vadd.f32 v24, v1;
	v22 =	vmul.f32 v22, v43;
	v24 =	vadd.s32 $0x13F, v46  }
0x287: {  	v0 =	vadd.f32 v0, v13;
	v52 =	vld.idx.msk [tilespmem:v59+s18+$0x0], $0xffff;
	v25 =	vadd.f32 v49, v25;
	v49 =	vadd.s32 $0x140, v46  }
0x288: {  	v23 =	vld.idx.msk [tilespmem:v23+s18+$0x0], $0xffff;
	v53 =	vmul.f32 v53, v44;
	v1 =	vadd.f32 v22, v1;
	v22 =	vmul.f32 v61, v42  }
0x289: {  	v13 =	vadd.f32 v18, v25;
	v18 =	vld.idx.msk [tilespmem:v58+s18+$0x0], $0xffff;
	v25 =	vadd.s32 $0x53E, v46;
	v51 =	vmul.f32 v51, v45  }
0x28a: {  	v57 =	vadd.s32 $0x93E, v46;
	v61 =	vadd.s32 $0x93D, v46;
	v1 =	vadd.f32 v22, v1  }
0x28b: {  	v22 =	vor.u32 v48, v30;
	v51 =	vadd.f32 v53, v51;
	v53 =	vmul.f32 v55, v43;
	v24 =	vld.idx.msk [tilespmem:v24+s18+$0x0], $0xffff  }
0x28c: {  	v2 =	vmul.f32 v56, v2;
	[tilespmem:v8+s20+$0x0] =	vst.idx.msk $0xffff, v4;
	v4 =	vbroadcast v22, $0x0;
	v22 =	vld.idx.msk [tilespmem:v49+s18+$0x0], $0xffff;
	v49 =	vadd.s32 $0x53F, v46  }
0x28d: {  	v54 =	vld.idx.msk [tilespmem:v60+s18+$0x0], $0xffff;
	v60 =	vadd.s32 $0x540, v46;
	v52 =	vmul.f32 v52, v42;
	v51 =	vadd.f32 v53, v51  }
0x28e: {  	v23 =	vmul.f32 v23, v45;
	v53 =	vadd.s32 $0xD7E, v46;
	v18 =	vmul.f32 v18, v44;
	v25 =	vld.idx.msk [tilespmem:v25+s18+$0x0], $0xffff  }
0x28f: {  	v58 =	vadd.s32 $0x93F, v46;
	v50 =	vld.idx.msk [tilespmem:v61+s18+$0x0], $0xffff;
	v4 =	vor.u32 v47, v4;
	v51 =	vadd.f32 v52, v51  }
0x290: {  	v56 =	vpop (erf);
	v52 =	vadd.s32 $0xD7D, v46;
	v18 =	vadd.f32 v18, v23;
	v23 =	vmul.f32 v24, v43;
	v24 =	vld.idx.msk [tilespmem:v57+s18+$0x0], $0xffff  }
0x291: {  	[tilespmem:v8+s21+$0x0] =	vst.idx.msk $0xffff, v2;
	v0 =	vmul.f32 v56, v0;
	v61 =	vadd.s32 $0x940, v46;
	v49 =	vld.idx.msk [tilespmem:v49+s18+$0x0], $0xffff  }
0x292: {  	v59 =	vadd.s32 $0xD80, v46;
	v13 =	vmul.f32 v56, v13;
	v1 =	vmul.f32 v56, v1;
	v8 =	vld.idx.msk [tilespmem:v60+s18+$0x0], $0xffff  }
0x293: {  	v60 =	vmul.f32 v54, v45;
	v2 =	vmul.f32 v22, v42;
	v57 =	vadd.s32 $0xD7F, v46;
	v53 =	vld.idx.msk [tilespmem:v53+s18+$0x0], $0xffff  }
0x294: {  	(erf) = vrcp.f32 v51;
	v18 =	vadd.f32 v23, v18;
	v23 =	vld.idx.msk [tilespmem:v58+s18+$0x0], $0xffff;
	v25 =	vmul.f32 v25, v44  }
0x295: {  	v22 =	vadd.s32 $0x17D, v46;
	[tilespmem:v4+s19+$0x0] =	vst.idx.msk $0xffff, v0;
	v0 =	vmul.f32 v50, v45;
	v58 =	vadd.s32 $0x17E, v46;
	v51 =	vld.idx.msk [tilespmem:v52+s18+$0x0], $0xffff  }
0x296: {  	v61 =	vld.idx.msk [tilespmem:v61+s18+$0x0], $0xffff;
	v25 =	vadd.f32 v25, v60;
	v24 =	vmul.f32 v24, v44;
	v49 =	vmul.f32 v49, v43  }
0x297: {  	v8 =	vmul.f32 v8, v42;
	v60 =	vadd.s32 $0x57D, v46;
	v2 =	vadd.f32 v2, v18  }
0x298: {  	v55 =	vld.idx.msk [tilespmem:v57+s18+$0x0], $0xffff;
	v0 =	vadd.f32 v24, v0;
	v24 =	vadd.s32 $0x17F, v46;
	v25 =	vadd.f32 v49, v25  }
0x299: {  	v52 =	vld.idx.msk [tilespmem:v59+s18+$0x0], $0xffff;
	v53 =	vmul.f32 v53, v44;
	v23 =	vmul.f32 v23, v43;
	v49 =	vadd.s32 $0x180, v46  }
0x29a: {  	v22 =	vld.idx.msk [tilespmem:v22+s18+$0x0], $0xffff;
	v51 =	vmul.f32 v51, v45;
	v8 =	vadd.f32 v8, v25;
	v25 =	vadd.s32 $0x57E, v46  }
0x29b: {  	v18 =	vld.idx.msk [tilespmem:v58+s18+$0x0], $0xffff;
	v0 =	vadd.f32 v23, v0;
	v23 =	vmul.f32 v61, v42;
	v61 =	vadd.s32 $0x97D, v46  }
0x29c: {  	[tilespmem:v4+s20+$0x0] =	vst.idx.msk $0xffff, v13;
	v57 =	vadd.s32 $0x97E, v46;
	v54 =	vld.idx.msk [tilespmem:v60+s18+$0x0], $0xffff;
	v60 =	vadd.s32 $0x580, v46;
	v51 =	vadd.f32 v53, v51  }
0x29d: {  	v53 =	vmul.f32 v55, v43;
	v0 =	vadd.f32 v23, v0;
	v23 =	vor.u32 v48, v31;
	v24 =	vld.idx.msk [tilespmem:v24+s18+$0x0], $0xffff  }
0x29e: {  	[tilespmem:v4+s21+$0x0] =	vst.idx.msk $0xffff, v1;
	v13 =	vbroadcast v23, $0x0;
	v23 =	vld.idx.msk [tilespmem:v49+s18+$0x0], $0xffff;
	v49 =	vadd.s32 $0x57F, v46  }
0x29f: {  	v58 =	vadd.s32 $0x97F, v46;
	v52 =	vmul.f32 v52, v42;
	v51 =	vadd.f32 v53, v51;
	v25 =	vld.idx.msk [tilespmem:v25+s18+$0x0], $0xffff  }
0x2a0: {  	v22 =	vmul.f32 v22, v45;
	v18 =	vmul.f32 v18, v44;
	v53 =	vadd.s32 $0xDBE, v46;
	v50 =	vld.idx.msk [tilespmem:v61+s18+$0x0], $0xffff  }
0x2a1: {  	v13 =	vor.u32 v47, v13;
	v51 =	vadd.f32 v52, v51;
	v52 =	vadd.s32 $0xDBD, v46;
	v4 =	vld.idx.msk [tilespmem:v60+s18+$0x0], $0xffff  }
0x2a2: {  	v56 =	vpop (erf);
	v61 =	vadd.s32 $0x980, v46;
	v18 =	vadd.f32 v18, v22;
	v22 =	vmul.f32 v24, v43;
	v24 =	vld.idx.msk [tilespmem:v57+s18+$0x0], $0xffff  }
0x2a3: {  	v2 =	vmul.f32 v56, v2;
	v8 =	vmul.f32 v56, v8;
	v49 =	vld.idx.msk [tilespmem:v49+s18+$0x0], $0xffff  }
0x2a4: {  	v1 =	vmul.f32 v23, v42;
	v23 =	vadd.s32 $0x1BD, v46;
	v18 =	vadd.f32 v22, v18;
	v22 =	vld.idx.msk [tilespmem:v58+s18+$0x0], $0xffff  }
0x2a5: {  	v60 =	vmul.f32 v54, v45;
	v57 =	vadd.s32 $0xDBF, v46;
	v53 =	vld.idx.msk [tilespmem:v53+s18+$0x0], $0xffff;
	v25 =	vmul.f32 v25, v44  }
0x2a6: {  	(erf) = vrcp.f32 v51;
	[tilespmem:v13+s19+$0x0] =	vst.idx.msk $0xffff, v2;
	v2 =	vmul.f32 v50, v45;
	v58 =	vadd.s32 $0x1BE, v46;
	v51 =	vld.idx.msk [tilespmem:v52+s18+$0x0], $0xffff  }
0x2a7: {  	v59 =	vadd.s32 $0xDC0, v46;
	v61 =	vld.idx.msk [tilespmem:v61+s18+$0x0], $0xffff;
	v4 =	vmul.f32 v4, v42;
	v24 =	vmul.f32 v24, v44  }
0x2a8: {  	v25 =	vadd.f32 v25, v60;
	v60 =	vadd.s32 $0x5BD, v46;
	v49 =	vmul.f32 v49, v43  }
0x2a9: {  	v23 =	vld.idx.msk [tilespmem:v23+s18+$0x0], $0xffff;
	v2 =	vadd.f32 v24, v2;
	v22 =	vmul.f32 v22, v43;
	v24 =	vadd.s32 $0x1BF, v46  }
0x2aa: {  	v1 =	vadd.f32 v1, v18;
	v55 =	vld.idx.msk [tilespmem:v57+s18+$0x0], $0xffff;
	v25 =	vadd.f32 v49, v25;
	v49 =	vadd.s32 $0x1C0, v46  }
0x2ab: {  	v53 =	vmul.f32 v53, v44;
	v18 =	vld.idx.msk [tilespmem:v58+s18+$0x0], $0xffff;
	v51 =	vmul.f32 v51, v45;
	v2 =	vadd.f32 v22, v2  }
0x2ac: {  	v52 =	vld.idx.msk [tilespmem:v59+s18+$0x0], $0xffff;
	v22 =	vmul.f32 v61, v42;
	v4 =	vadd.f32 v4, v25;
	v25 =	vadd.s32 $0x5BE, v46  }
0x2ad: {  	v0 =	vmul.f32 v56, v0;
	v57 =	vadd.s32 $0x9BE, v46;
	v61 =	vadd.s32 $0x9BD, v46  }
0x2ae: {  	v51 =	vadd.f32 v53, v51;
	v2 =	vadd.f32 v22, v2;
	v22 =	vor.u32 v48, v32;
	v24 =	vld.idx.msk [tilespmem:v24+s18+$0x0], $0xffff  }
0x2af: {  	[tilespmem:v13+s20+$0x0] =	vst.idx.msk $0xffff, v8;
	v53 =	vmul.f32 v55, v43;
	v8 =	vbroadcast v22, $0x0;
	v22 =	vld.idx.msk [tilespmem:v49+s18+$0x0], $0xffff;
	v49 =	vadd.s32 $0x5BF, v46  }
0x2b0: {  	v54 =	vld.idx.msk [tilespmem:v60+s18+$0x0], $0xffff;
	v60 =	vadd.s32 $0x5C0, v46;
	v23 =	vmul.f32 v23, v45;
	v18 =	vmul.f32 v18, v44  }
0x2b1: {  	v52 =	vmul.f32 v52, v42;
	v51 =	vadd.f32 v53, v51;
	v53 =	vadd.s32 $0xDFE, v46;
	v25 =	vld.idx.msk [tilespmem:v25+s18+$0x0], $0xffff  }
0x2b2: {  	v58 =	vadd.s32 $0x9BF, v46;
	v50 =	vld.idx.msk [tilespmem:v61+s18+$0x0], $0xffff;
	v8 =	vor.u32 v47, v8;
	v18 =	vadd.f32 v18, v23  }
0x2b3: {  	v56 =	vpop (erf);
	v51 =	vadd.f32 v52, v51;
	v52 =	vadd.s32 $0xDFD, v46;
	v23 =	vmul.f32 v24, v43;
	v24 =	vld.idx.msk [tilespmem:v57+s18+$0x0], $0xffff  }
0x2b4: {  	v59 =	vadd.s32 $0xE00, v46;
	v1 =	vmul.f32 v56, v1;
	v61 =	vadd.s32 $0x9C0, v46;
	v49 =	vld.idx.msk [tilespmem:v49+s18+$0x0], $0xffff  }
0x2b5: {  	[tilespmem:v13+s21+$0x0] =	vst.idx.msk $0xffff, v0;
	v4 =	vmul.f32 v56, v4;
	v2 =	vmul.f32 v56, v2;
	v13 =	vld.idx.msk [tilespmem:v60+s18+$0x0], $0xffff  }
0x2b6: {  	v60 =	vmul.f32 v54, v45;
	(erf) = vrcp.f32 v51;
	v57 =	vadd.s32 $0xDFF, v46;
	v53 =	vld.idx.msk [tilespmem:v53+s18+$0x0], $0xffff  }
0x2b7: {  	v0 =	vmul.f32 v22, v42;
	v18 =	vadd.f32 v23, v18;
	v23 =	vld.idx.msk [tilespmem:v58+s18+$0x0], $0xffff;
	v25 =	vmul.f32 v25, v44  }
0x2b8: {  	v22 =	vadd.s32 $0x1FD, v46;
	[tilespmem:v8+s19+$0x0] =	vst.idx.msk $0xffff, v1;
	v1 =	vmul.f32 v50, v45;
	v58 =	vadd.s32 $0x1FE, v46;
	v51 =	vld.idx.msk [tilespmem:v52+s18+$0x0], $0xffff  }
0x2b9: {  	v61 =	vld.idx.msk [tilespmem:v61+s18+$0x0], $0xffff;
	v25 =	vadd.f32 v25, v60;
	v24 =	vmul.f32 v24, v44;
	v49 =	vmul.f32 v49, v43  }
0x2ba: {  	v13 =	vmul.f32 v13, v42;
	v60 =	vadd.s32 $0x5FD, v46;
	v0 =	vadd.f32 v0, v18  }
0x2bb: {  	v55 =	vld.idx.msk [tilespmem:v57+s18+$0x0], $0xffff;
	v1 =	vadd.f32 v24, v1;
	v24 =	vadd.s32 $0x1FF, v46;
	v25 =	vadd.f32 v49, v25  }
0x2bc: {  	v52 =	vld.idx.msk [tilespmem:v59+s18+$0x0], $0xffff;
	v53 =	vmul.f32 v53, v44;
	v23 =	vmul.f32 v23, v43;
	v49 =	vadd.s32 $0x200, v46  }
0x2bd: {  	v22 =	vld.idx.msk [tilespmem:v22+s18+$0x0], $0xffff;
	v51 =	vmul.f32 v51, v45;
	v13 =	vadd.f32 v13, v25;
	v25 =	vadd.s32 $0x5FE, v46  }
0x2be: {  	v18 =	vld.idx.msk [tilespmem:v58+s18+$0x0], $0xffff;
	v1 =	vadd.f32 v23, v1;
	v23 =	vmul.f32 v61, v42;
	v61 =	vadd.s32 $0x9FD, v46  }
0x2bf: {  	[tilespmem:v8+s20+$0x0] =	vst.idx.msk $0xffff, v4;
	v57 =	vadd.s32 $0x9FE, v46;
	v54 =	vld.idx.msk [tilespmem:v60+s18+$0x0], $0xffff;
	v51 =	vadd.f32 v53, v51;
	v60 =	vadd.s32 $0x600, v46  }
0x2c0: {  	v53 =	vmul.f32 v55, v43;
	v1 =	vadd.f32 v23, v1;
	v23 =	vor.u32 v48, v33;
	v24 =	vld.idx.msk [tilespmem:v24+s18+$0x0], $0xffff  }
0x2c1: {  	[tilespmem:v8+s21+$0x0] =	vst.idx.msk $0xffff, v2;
	v4 =	vbroadcast v23, $0x0;
	v23 =	vld.idx.msk [tilespmem:v49+s18+$0x0], $0xffff;
	v49 =	vadd.s32 $0x5FF, v46  }
0x2c2: {  	v58 =	vadd.s32 $0x9FF, v46;
	v52 =	vmul.f32 v52, v42;
	v51 =	vadd.f32 v53, v51;
	v25 =	vld.idx.msk [tilespmem:v25+s18+$0x0], $0xffff  }
0x2c3: {  	v22 =	vmul.f32 v22, v45;
	v18 =	vmul.f32 v18, v44;
	v53 =	vadd.s32 $0xE3E, v46;
	v50 =	vld.idx.msk [tilespmem:v61+s18+$0x0], $0xffff  }
0x2c4: {  	v4 =	vor.u32 v47, v4;
	v51 =	vadd.f32 v52, v51;
	v52 =	vadd.s32 $0xE3D, v46;
	v8 =	vld.idx.msk [tilespmem:v60+s18+$0x0], $0xffff  }
0x2c5: {  	v56 =	vpop (erf);
	v61 =	vadd.s32 $0xA00, v46;
	v18 =	vadd.f32 v18, v22;
	v22 =	vmul.f32 v24, v43;
	v24 =	vld.idx.msk [tilespmem:v57+s18+$0x0], $0xffff  }
0x2c6: {  	v0 =	vmul.f32 v56, v0;
	v13 =	vmul.f32 v56, v13;
	v49 =	vld.idx.msk [tilespmem:v49+s18+$0x0], $0xffff  }
0x2c7: {  	v2 =	vmul.f32 v23, v42;
	v23 =	vadd.s32 $0x23D, v46;
	v18 =	vadd.f32 v22, v18;
	v22 =	vld.idx.msk [tilespmem:v58+s18+$0x0], $0xffff  }
0x2c8: {  	v60 =	vmul.f32 v54, v45;
	v57 =	vadd.s32 $0xE3F, v46;
	v53 =	vld.idx.msk [tilespmem:v53+s18+$0x0], $0xffff;
	v25 =	vmul.f32 v25, v44  }
0x2c9: {  	(erf) = vrcp.f32 v51;
	[tilespmem:v4+s19+$0x0] =	vst.idx.msk $0xffff, v0;
	v0 =	vmul.f32 v50, v45;
	v58 =	vadd.s32 $0x23E, v46;
	v51 =	vld.idx.msk [tilespmem:v52+s18+$0x0], $0xffff  }
0x2ca: {  	v59 =	vadd.s32 $0xE40, v46;
	v61 =	vld.idx.msk [tilespmem:v61+s18+$0x0], $0xffff;
	v8 =	vmul.f32 v8, v42;
	v24 =	vmul.f32 v24, v44  }
0x2cb: {  	v25 =	vadd.f32 v25, v60;
	v60 =	vadd.s32 $0x63D, v46;
	v49 =	vmul.f32 v49, v43  }
0x2cc: {  	v23 =	vld.idx.msk [tilespmem:v23+s18+$0x0], $0xffff;
	v0 =	vadd.f32 v24, v0;
	v22 =	vmul.f32 v22, v43;
	v24 =	vadd.s32 $0x23F, v46  }
0x2cd: {  	v2 =	vadd.f32 v2, v18;
	v55 =	vld.idx.msk [tilespmem:v57+s18+$0x0], $0xffff;
	v25 =	vadd.f32 v49, v25;
	v49 =	vadd.s32 $0x240, v46  }
0x2ce: {  	v53 =	vmul.f32 v53, v44;
	v18 =	vld.idx.msk [tilespmem:v58+s18+$0x0], $0xffff;
	v51 =	vmul.f32 v51, v45;
	v0 =	vadd.f32 v22, v0  }
0x2cf: {  	v52 =	vld.idx.msk [tilespmem:v59+s18+$0x0], $0xffff;
	v22 =	vmul.f32 v61, v42;
	v8 =	vadd.f32 v8, v25;
	v25 =	vadd.s32 $0x63E, v46  }
0x2d0: {  	v1 =	vmul.f32 v56, v1;
	v57 =	vadd.s32 $0xA3E, v46;
	v61 =	vadd.s32 $0xA3D, v46  }
0x2d1: {  	v51 =	vadd.f32 v53, v51;
	v0 =	vadd.f32 v22, v0;
	v22 =	vor.u32 v48, v34;
	v24 =	vld.idx.msk [tilespmem:v24+s18+$0x0], $0xffff  }
0x2d2: {  	[tilespmem:v4+s20+$0x0] =	vst.idx.msk $0xffff, v13;
	v53 =	vmul.f32 v55, v43;
	v13 =	vbroadcast v22, $0x0;
	v22 =	vld.idx.msk [tilespmem:v49+s18+$0x0], $0xffff;
	v49 =	vadd.s32 $0x63F, v46  }
0x2d3: {  	v54 =	vld.idx.msk [tilespmem:v60+s18+$0x0], $0xffff;
	v60 =	vadd.s32 $0x640, v46;
	v23 =	vmul.f32 v23, v45;
	v18 =	vmul.f32 v18, v44  }
0x2d4: {  	v52 =	vmul.f32 v52, v42;
	v51 =	vadd.f32 v53, v51;
	v53 =	vadd.s32 $0xE7E, v46;
	v25 =	vld.idx.msk [tilespmem:v25+s18+$0x0], $0xffff  }
0x2d5: {  	v58 =	vadd.s32 $0xA3F, v46;
	v50 =	vld.idx.msk [tilespmem:v61+s18+$0x0], $0xffff;
	v13 =	vor.u32 v47, v13;
	v18 =	vadd.f32 v18, v23  }
0x2d6: {  	v56 =	vpop (erf);
	v51 =	vadd.f32 v52, v51;
	v52 =	vadd.s32 $0xE7D, v46;
	v23 =	vmul.f32 v24, v43;
	v24 =	vld.idx.msk [tilespmem:v57+s18+$0x0], $0xffff  }
0x2d7: {  	v59 =	vadd.s32 $0xE80, v46;
	v2 =	vmul.f32 v56, v2;
	v61 =	vadd.s32 $0xA40, v46;
	v49 =	vld.idx.msk [tilespmem:v49+s18+$0x0], $0xffff  }
0x2d8: {  	[tilespmem:v4+s21+$0x0] =	vst.idx.msk $0xffff, v1;
	v8 =	vmul.f32 v56, v8;
	v0 =	vmul.f32 v56, v0;
	v4 =	vld.idx.msk [tilespmem:v60+s18+$0x0], $0xffff  }
0x2d9: {  	v60 =	vmul.f32 v54, v45;
	v1 =	vmul.f32 v22, v42;
	v57 =	vadd.s32 $0xE7F, v46;
	v53 =	vld.idx.msk [tilespmem:v53+s18+$0x0], $0xffff  }
0x2da: {  	v22 =	vadd.s32 $0x27D, v46;
	v18 =	vadd.f32 v23, v18;
	v23 =	vld.idx.msk [tilespmem:v58+s18+$0x0], $0xffff;
	v25 =	vmul.f32 v25, v44  }
0x2db: {  	(erf) = vrcp.f32 v51;
	[tilespmem:v13+s19+$0x0] =	vst.idx.msk $0xffff, v2;
	v2 =	vmul.f32 v50, v45;
	v58 =	vadd.s32 $0x27E, v46;
	v51 =	vld.idx.msk [tilespmem:v52+s18+$0x0], $0xffff  }
0x2dc: {  	v61 =	vld.idx.msk [tilespmem:v61+s18+$0x0], $0xffff;
	v25 =	vadd.f32 v25, v60;
	v24 =	vmul.f32 v24, v44;
	v49 =	vmul.f32 v49, v43  }
0x2dd: {  	v4 =	vmul.f32 v4, v42;
	v60 =	vadd.s32 $0x67D, v46;
	v1 =	vadd.f32 v1, v18  }
0x2de: {  	v55 =	vld.idx.msk [tilespmem:v57+s18+$0x0], $0xffff;
	v2 =	vadd.f32 v24, v2;
	v24 =	vadd.s32 $0x27F, v46;
	v25 =	vadd.f32 v49, v25  }
0x2df: {  	v22 =	vld.idx.msk [tilespmem:v22+s18+$0x0], $0xffff;
	v53 =	vmul.f32 v53, v44;
	v23 =	vmul.f32 v23, v43;
	v49 =	vadd.s32 $0x280, v46  }
0x2e0: {  	v18 =	vld.idx.msk [tilespmem:v58+s18+$0x0], $0xffff;
	v51 =	vmul.f32 v51, v45;
	v4 =	vadd.f32 v4, v25;
	v25 =	vadd.s32 $0x67E, v46  }
0x2e1: {  	v52 =	vld.idx.msk [tilespmem:v59+s18+$0x0], $0xffff;
	v2 =	vadd.f32 v23, v2;
	v23 =	vmul.f32 v61, v42;
	v61 =	vadd.s32 $0xA7D, v46  }
0x2e2: {  	v57 =	vadd.s32 $0xA7E, v46;
	v54 =	vld.idx.msk [tilespmem:v60+s18+$0x0], $0xffff;
	v51 =	vadd.f32 v53, v51;
	v60 =	vadd.s32 $0x680, v46  }
0x2e3: {  	v53 =	vmul.f32 v55, v43;
	v2 =	vadd.f32 v23, v2;
	v23 =	vor.u32 v48, v35;
	v24 =	vld.idx.msk [tilespmem:v24+s18+$0x0], $0xffff  }
0x2e4: {  	[tilespmem:v13+s20+$0x0] =	vst.idx.msk $0xffff, v8;
	v22 =	vmul.f32 v22, v45;
	v8 =	vbroadcast v23, $0x0;
	v23 =	vld.idx.msk [tilespmem:v49+s18+$0x0], $0xffff;
	v49 =	vadd.s32 $0x67F, v46  }
0x2e5: {  	v18 =	vmul.f32 v18, v44;
	v51 =	vadd.f32 v53, v51;
	v53 =	vadd.s32 $0xEBE, v46;
	v25 =	vld.idx.msk [tilespmem:v25+s18+$0x0], $0xffff  }
0x2e6: {  	[tilespmem:v13+s21+$0x0] =	vst.idx.msk $0xffff, v0;
	v58 =	vadd.s32 $0xA7F, v46;
	v52 =	vmul.f32 v52, v42;
	v50 =	vld.idx.msk [tilespmem:v61+s18+$0x0], $0xffff  }
0x2e7: {  	v61 =	vadd.s32 $0xA80, v46;
	v8 =	vor.u32 v47, v8;
	v18 =	vadd.f32 v18, v22;
	v13 =	vld.idx.msk [tilespmem:v60+s18+$0x0], $0xffff  }
0x2e8: {  	v56 =	vpop (erf);
	v51 =	vadd.f32 v52, v51;
	v52 =	vadd.s32 $0xEBD, v46;
	v22 =	vmul.f32 v24, v43;
	v24 =	vld.idx.msk [tilespmem:v57+s18+$0x0], $0xffff  }
0x2e9: {  	v59 =	vadd.s32 $0xEC0, v46;
	v1 =	vmul.f32 v56, v1;
	v4 =	vmul.f32 v56, v4;
	v49 =	vld.idx.msk [tilespmem:v49+s18+$0x0], $0xffff  }
0x2ea: {  	v2 =	vmul.f32 v56, v2;
	v60 =	vmul.f32 v54, v45;
	v53 =	vld.idx.msk [tilespmem:v53+s18+$0x0], $0xffff  }
0x2eb: {  	(erf) = vrcp.f32 v51;
	v0 =	vmul.f32 v23, v42;
	v18 =	vadd.f32 v22, v18;
	v22 =	vld.idx.msk [tilespmem:v58+s18+$0x0], $0xffff  }
0x2ec: {  	v23 =	vadd.s32 $0x2BD, v46;
	v57 =	vadd.s32 $0xEBF, v46;
	v25 =	vmul.f32 v25, v44;
	v61 =	vld.idx.msk [tilespmem:v61+s18+$0x0], $0xffff;
	[tilespmem:v8+s19+$0x0] =	vst.idx.msk $0xffff, v1  }
0x2ed: {  	v1 =	vmul.f32 v50, v45;
	v58 =	vadd.s32 $0x2BE, v46;
	v51 =	vld.idx.msk [tilespmem:v52+s18+$0x0], $0xffff;
	v13 =	vmul.f32 v13, v42  }
0x2ee: {  	v50 =	vadd.s32 $0xABD, v46;
	v52 =	vld.idx.msk [tilespmem:v59+s18+$0x0], $0xffff;
	v59 =	vadd.s32 $0xAC0, v46;
	v24 =	vmul.f32 v24, v44  }
0x2ef: {  	v25 =	vadd.f32 v25, v60;
	v60 =	vadd.s32 $0x2C0, v46;
	v0 =	vadd.f32 v0, v18  }
0x2f0: {  	[tilespmem:v8+s20+$0x0] =	vst.idx.msk $0xffff, v4;
	v49 =	vmul.f32 v49, v43;
	v1 =	vadd.f32 v24, v1;
	v24 =	vadd.s32 $0x2BF, v46  }
0x2f1: {  	v55 =	vld.idx.msk [tilespmem:v57+s18+$0x0], $0xffff;
	v57 =	vadd.s32 $0xABE, v46;
	v53 =	vmul.f32 v53, v44;
	v22 =	vmul.f32 v22, v43  }
0x2f2: {  	v23 =	vld.idx.msk [tilespmem:v23+s18+$0x0], $0xffff;
	v25 =	vadd.f32 v49, v25;
	v51 =	vmul.f32 v51, v45;
	v49 =	vadd.s32 $0x6BF, v46  }
0x2f3: {  	v18 =	vld.idx.msk [tilespmem:v58+s18+$0x0], $0xffff;
	v1 =	vadd.f32 v22, v1;
	v22 =	vmul.f32 v61, v42;
	v61 =	vadd.s32 $0x6BD, v46  }
0x2f4: {  	[tilespmem:v8+s21+$0x0] =	vst.idx.msk $0xffff, v2;
	v58 =	vadd.s32 $0xABF, v46;
	v50 =	vld.idx.msk [tilespmem:v50+s18+$0x0], $0xffff;
	v13 =	vadd.f32 v13, v25;
	v25 =	vadd.s32 $0x6BE, v46  }
0x2f5: {  	v52 =	vmul.f32 v52, v42;
	v56 =	vpop (erf);
	v1 =	vadd.f32 v22, v1;
	v22 =	vor.u32 v48, v36;
	v24 =	vld.idx.msk [tilespmem:v24+s18+$0x0], $0xffff  }
0x2f6: {  	v0 =	vmul.f32 v56, v0;
	v51 =	vadd.f32 v53, v51;
	v4 =	vbroadcast v22, $0x0;
	v22 =	vld.idx.msk [tilespmem:v60+s18+$0x0], $0xffff  }
0x2f7: {  	v53 =	vadd.s32 $0xEFE, v46;
	v23 =	vmul.f32 v23, v45;
	v60 =	vmul.f32 v55, v43;
	v49 =	vld.idx.msk [tilespmem:v49+s18+$0x0], $0xffff  }
0x2f8: {  	v18 =	vmul.f32 v18, v44;
	v54 =	vld.idx.msk [tilespmem:v61+s18+$0x0], $0xffff;
	v61 =	vadd.s32 $0x6C0, v46;
	v4 =	vor.u32 v47, v4  }
0x2f9: {  	v13 =	vmul.f32 v56, v13;
	v25 =	vld.idx.msk [tilespmem:v25+s18+$0x0], $0xffff;
	v51 =	vadd.f32 v60, v51;
	v60 =	vadd.s32 $0xEFD, v46  }
0x2fa: {  	v55 =	vadd.s32 $0xAFF, v46;
	v18 =	vadd.f32 v18, v23;
	v23 =	vmul.f32 v24, v43;
	v24 =	vld.idx.msk [tilespmem:v57+s18+$0x0], $0xffff  }
0x2fb: {  	v1 =	vmul.f32 v56, v1;
	v2 =	vmul.f32 v22, v42;
	v22 =	vadd.s32 $0x2FD, v46;
	v57 =	vld.idx.msk [tilespmem:v59+s18+$0x0], $0xffff  }
0x2fc: {  	v51 =	vadd.f32 v52, v51;
	v59 =	vadd.s32 $0x2FE, v46;
	v18 =	vadd.f32 v23, v18;
	v23 =	vld.idx.msk [tilespmem:v58+s18+$0x0], $0xffff  }
0x2fd: {  	v49 =	vmul.f32 v49, v43;
	v8 =	vld.idx.msk [tilespmem:v61+s18+$0x0], $0xffff;
	v61 =	vmul.f32 v54, v45;
	[tilespmem:v4+s19+$0x0] =	vst.idx.msk $0xffff, v0  }
0x2fe: {  	(erf) = vrcp.f32 v51;
	v25 =	vmul.f32 v25, v44;
	v58 =	vadd.s32 $0xEFF, v46;
	v60 =	vld.idx.msk [tilespmem:v60+s18+$0x0], $0xffff;
	[tilespmem:v4+s20+$0x0] =	vst.idx.msk $0xffff, v13  }
0x2ff: {  	v0 =	vmul.f32 v50, v45;
	[tilespmem:v4+s21+$0x0] =	vst.idx.msk $0xffff, v1;
	v4 =	vadd.s32 $0xAFE, v46;
	v24 =	vmul.f32 v24, v44  }
0x300: {  	v25 =	vadd.f32 v25, v61;
	v61 =	vadd.s32 $0xF00, v46;
	v2 =	vadd.f32 v2, v18;
	v22 =	vld.idx.msk [tilespmem:v22+s18+$0x0], $0xffff  }
0x301: {  	v50 =	vld.idx.msk [tilespmem:v59+s18+$0x0], $0xffff;
	v59 =	vadd.s32 $0x6FE, v46;
	v0 =	vadd.f32 v24, v0;
	v18 =	vmul.f32 v23, v43  }
0x302: {  	v23 =	vld.idx.msk [tilespmem:v53+s18+$0x0], $0xffff;
	v24 =	vadd.f32 v49, v25;
	v8 =	vmul.f32 v8, v42;
	v25 =	vadd.s32 $0x2FF, v46  }
0x303: {  	v52 =	vadd.s32 $0x6FF, v46;
	v58 =	vld.idx.msk [tilespmem:v58+s18+$0x0], $0xffff;
	v51 =	vmul.f32 v60, v45;
	v0 =	vadd.f32 v18, v0  }
0x304: {  	v18 =	vmul.f32 v57, v42;
	v8 =	vadd.f32 v8, v24;
	v24 =	vor.u32 v48, v37;
	v4 =	vld.idx.msk [tilespmem:v4+s18+$0x0], $0xffff  }
0x305: {  	v60 =	vadd.s32 $0x300, v46;
	v57 =	vadd.s32 $0x6FD, v46;
	v13 =	vbroadcast v24, $0x0;
	v24 =	vld.idx.msk [tilespmem:v61+s18+$0x0], $0xffff  }
0x306: {  	v22 =	vmul.f32 v22, v45;
	v50 =	vmul.f32 v50, v44;
	v54 =	vld.idx.msk [tilespmem:v59+s18+$0x0], $0xffff;
	v0 =	vadd.f32 v18, v0  }
0x307: {  	v1 =	vpop (erf);
	v18 =	vadd.s32 $0xAFD, v46;
	v23 =	vmul.f32 v23, v44;
	v13 =	vor.u32 v47, v13;
	v25 =	vld.idx.msk [tilespmem:v25+s18+$0x0], $0xffff  }
0x308: {  	v61 =	vadd.s32 $0x700, v46;
	v59 =	vld.idx.msk [tilespmem:v52+s18+$0x0], $0xffff;
	v2 =	vmul.f32 v1, v2;
	v8 =	vmul.f32 v1, v8  }
0x309: {  	v23 =	vadd.f32 v23, v51;
	v51 =	vmul.f32 v58, v43;
	v58 =	vadd.s32 $0xB00, v46  }
0x30a: {  	v22 =	vadd.f32 v50, v22;
	v0 =	vmul.f32 v1, v0;
	v49 =	vld.idx.msk [tilespmem:v57+s18+$0x0], $0xffff;
	v57 =	vadd.s32 $0xF3E, v46  }
0x30b: {  	v1 =	vld.idx.msk [tilespmem:v55+s18+$0x0], $0xffff;
	v4 =	vmul.f32 v4, v44;
	v24 =	vmul.f32 v24, v42;
	v23 =	vadd.f32 v51, v23  }
0x30c: {  	v18 =	vld.idx.msk [tilespmem:v18+s18+$0x0], $0xffff;
	v25 =	vmul.f32 v25, v43;
	[tilespmem:v13+s19+$0x0] =	vst.idx.msk $0xffff, v2;
	v2 =	vadd.s32 $0x33E, v46  }
0x30d: {  	v61 =	vld.idx.msk [tilespmem:v61+s18+$0x0], $0xffff;
	v59 =	vmul.f32 v59, v43;
	v23 =	vadd.f32 v24, v23;
	v24 =	vadd.s32 $0x33D, v46  }
0x30e: {  	v55 =	vadd.s32 $0xB3E, v46;
	[tilespmem:v13+s20+$0x0] =	vst.idx.msk $0xffff, v8;
	v8 =	vadd.f32 v25, v22;
	v50 =	vld.idx.msk [tilespmem:v58+s18+$0x0], $0xffff;
	v58 =	vadd.s32 $0x33F, v46  }
0x30f: {  	v22 =	vld.idx.msk [tilespmem:v60+s18+$0x0], $0xffff;
	v25 =	vmul.f32 v49, v45;
	(erf) = vrcp.f32 v23;
	v23 =	vadd.s32 $0xF3D, v46  }
0x310: {  	v51 =	vadd.s32 $0xF3F, v46;
	v60 =	vmul.f32 v54, v44;
	v53 =	vld.idx.msk [tilespmem:v57+s18+$0x0], $0xffff;
	[tilespmem:v13+s21+$0x0] =	vst.idx.msk $0xffff, v0;
	v13 =	vadd.s32 $0x73F, v46  }
0x311: {  	v1 =	vmul.f32 v1, v43;
	v49 =	vadd.s32 $0xF40, v46;
	v18 =	vmul.f32 v18, v45;
	v2 =	vld.idx.msk [tilespmem:v2+s18+$0x0], $0xffff  }
0x312: {  	v57 =	vadd.s32 $0x77D, v46;
	v52 =	vmul.f32 v61, v42;
	v25 =	vadd.f32 v60, v25;
	v24 =	vld.idx.msk [tilespmem:v24+s18+$0x0], $0xffff  }
0x313: {  	v61 =	vadd.s32 $0x73E, v46;
	v60 =	vor.u32 v48, v38;
	v4 =	vadd.f32 v4, v18;
	v54 =	vld.idx.msk [tilespmem:v58+s18+$0x0], $0xffff  }
0x314: {  	v18 =	vadd.s32 $0x340, v46;
	v25 =	vadd.f32 v59, v25;
	v22 =	vmul.f32 v22, v42;
	v23 =	vld.idx.msk [tilespmem:v23+s18+$0x0], $0xffff  }
0x315: {  	v59 =	vadd.s32 $0xFC0, v46;
	v13 =	vld.idx.msk [tilespmem:v13+s18+$0x0], $0xffff;
	v1 =	vadd.f32 v1, v4;
	v4 =	vadd.s32 $0x73D, v46  }
0x316: {  	v50 =	vmul.f32 v50, v42;
	v53 =	vmul.f32 v53, v44;
	v0 =	vadd.f32 v22, v8;
	v22 =	vld.idx.msk [tilespmem:v51+s18+$0x0], $0xffff  }
0x317: {  	v49 =	vld.idx.msk [tilespmem:v49+s18+$0x0], $0xffff;
	v58 =	vadd.s32 $0xB40, v46;
	v8 =	vbroadcast v60, $0x0;
	v60 =	vadd.s32 $0xB3D, v46  }
0x318: {  	v25 =	vadd.f32 v52, v25;
	v56 =	vld.idx.msk [tilespmem:v61+s18+$0x0], $0xffff;
	v61 =	vadd.s32 $0xB3F, v46;
	v51 =	vadd.s32 $0x740, v46  }
0x319: {  	v2 =	vmul.f32 v2, v44;
	v18 =	vld.idx.msk [tilespmem:v18+s18+$0x0], $0xffff;
	v8 =	vor.u32 v47, v8;
	v23 =	vmul.f32 v23, v45  }
0x31a: {  	v1 =	vadd.f32 v50, v1;
	v24 =	vmul.f32 v24, v45;
	v50 =	vpop (erf);
	v13 =	vmul.f32 v13, v43;
	v4 =	vld.idx.msk [tilespmem:v4+s18+$0x0], $0xffff  }
0x31b: {  	v59 =	vld.idx.msk [tilespmem:v59+s18+$0x0], $0xffff;
	v0 =	vmul.f32 v50, v0;
	v22 =	vmul.f32 v22, v43;
	v23 =	vadd.f32 v53, v23  }
0x31c: {  	v2 =	vadd.f32 v2, v24;
	v24 =	vmul.f32 v54, v43;
	v52 =	vld.idx.msk [tilespmem:v60+s18+$0x0], $0xffff;
	v60 =	vadd.s32 $0x37E, v46  }
0x31d: {  	v51 =	vld.idx.msk [tilespmem:v51+s18+$0x0], $0xffff;
	v53 =	vadd.s32 $0x37D, v46;
	v22 =	vadd.f32 v22, v23;
	v23 =	vmul.f32 v49, v42  }
0x31e: {  	v2 =	vadd.f32 v24, v2;
	[tilespmem:v8+s19+$0x0] =	vst.idx.msk $0xffff, v0;
	v0 =	vmul.f32 v50, v25;
	v25 =	vld.idx.msk [tilespmem:v55+s18+$0x0], $0xffff  }
0x31f: {  	v24 =	vld.idx.msk [tilespmem:v61+s18+$0x0], $0xffff;
	v61 =	vmul.f32 v56, v44;
	v4 =	vmul.f32 v4, v45;
	v22 =	vadd.f32 v23, v22  }
0x320: {  	v54 =	vadd.s32 $0x37F, v46;
	v1 =	vmul.f32 v50, v1;
	v56 =	vld.idx.msk [tilespmem:v58+s18+$0x0], $0xffff;
	v58 =	vadd.s32 $0xFBD, v46  }
0x321: {  	[tilespmem:v8+s20+$0x0] =	vst.idx.msk $0xffff, v0;
	v0 =	vmul.f32 v18, v42;
	v4 =	vadd.f32 v61, v4;
	(erf) = vrcp.f32 v22  }
0x322: {  	v23 =	vadd.s32 $0x380, v46;
	v49 =	vld.idx.msk [tilespmem:v60+s18+$0x0], $0xffff;
	v60 =	vadd.s32 $0x77F, v46;
	[tilespmem:v8+s21+$0x0] =	vst.idx.msk $0xffff, v1;
	v1 =	vmul.f32 v51, v42  }
0x323: {  	v55 =	vld.idx.msk [tilespmem:v57+s18+$0x0], $0xffff;
	v25 =	vmul.f32 v25, v44;
	v4 =	vadd.f32 v13, v4;
	v13 =	vmul.f32 v52, v45  }
0x324: {  	v51 =	vadd.s32 $0xB7F, v46;
	v18 =	vld.idx.msk [tilespmem:v53+s18+$0x0], $0xffff;
	v0 =	vadd.f32 v0, v2;
	v61 =	vor.u32 v48, v39  }
0x325: {  	v2 =	vld.idx.msk [tilespmem:v54+s18+$0x0], $0xffff;
	v24 =	vmul.f32 v24, v43;
	v22 =	vadd.s32 $0x77E, v46;
	v13 =	vadd.f32 v25, v13  }
0x326: {  	v57 =	vadd.s32 $0xB7E, v46;
	v58 =	vld.idx.msk [tilespmem:v58+s18+$0x0], $0xffff;
	v8 =	vbroadcast v61, $0x0  }
0x327: {  	v25 =	vld.idx.msk [tilespmem:v60+s18+$0x0], $0xffff;
	v60 =	vadd.s32 $0xF7D, v46;
	v13 =	vadd.f32 v24, v13;
	v24 =	vmul.f32 v56, v42  }
0x328: {  	v61 =	vadd.s32 $0xF7E, v46;
	v23 =	vld.idx.msk [tilespmem:v23+s18+$0x0], $0xffff;
	v1 =	vadd.f32 v1, v4;
	v4 =	vor.u32 v47, v8  }
0x329: {  	v13 =	vadd.f32 v24, v13;
	v24 =	vld.idx.msk [tilespmem:v51+s18+$0x0], $0xffff;
	v51 =	vadd.s32 $0xFBE, v46  }
0x32a: {  	v54 =	vadd.s32 $0xF7F, v46;
	v49 =	vmul.f32 v49, v44;
	v18 =	vmul.f32 v18, v45;
	v22 =	vld.idx.msk [tilespmem:v22+s18+$0x0], $0xffff;
	v56 =	vpop (erf)  }
0x32b: {  	v50 =	vadd.s32 $0x780, v46;
	v57 =	vld.idx.msk [tilespmem:v57+s18+$0x0], $0xffff;
	v0 =	vmul.f32 v56, v0  }
0x32c: {  	v2 =	vmul.f32 v2, v43;
	v18 =	vadd.f32 v49, v18;
	v49 =	vld.idx.msk [tilespmem:v60+s18+$0x0], $0xffff;
	v60 =	vadd.s32 $0xF80, v46  }
0x32d: {  	[tilespmem:v4+s19+$0x0] =	vst.idx.msk $0xffff, v0;
	v0 =	vmul.f32 v56, v1;
	v1 =	vld.idx.msk [tilespmem:v61+s18+$0x0], $0xffff;
	v61 =	vadd.s32 $0xFBF, v46  }
0x32e: {  	v52 =	vadd.s32 $0xB7D, v46;
	v2 =	vadd.f32 v2, v18;
	v18 =	vmul.f32 v23, v42;
	v51 =	vld.idx.msk [tilespmem:v51+s18+$0x0], $0xffff  }
0x32f: {  	v55 =	vmul.f32 v55, v45;
	v54 =	vld.idx.msk [tilespmem:v54+s18+$0x0], $0xffff;
	v23 =	vadd.s32 $0xB80, v46;
	v22 =	vmul.f32 v22, v44  }
0x330: {  	v59 =	vmul.f32 v59, v42;
	v8 =	vld.idx.msk [tilespmem:v50+s18+$0x0], $0xffff;
	v2 =	vadd.f32 v18, v2;
	v18 =	vadd.s32 $0x3BD, v46  }
0x331: {  	v13 =	vmul.f32 v56, v13;
	v22 =	vadd.f32 v22, v55;
	v56 =	vadd.s32 $0x3BF, v46;
	v53 =	vld.idx.msk [tilespmem:v60+s18+$0x0], $0xffff  }
0x332: {  	v55 =	vadd.s32 $0x3BE, v46;
	v49 =	vmul.f32 v49, v45;
	v1 =	vmul.f32 v1, v44;
	v50 =	vld.idx.msk [tilespmem:v61+s18+$0x0], $0xffff  }
0x333: {  	v58 =	vmul.f32 v58, v45;
	v52 =	vld.idx.msk [tilespmem:v52+s18+$0x0], $0xffff;
	v60 =	vadd.s32 $0x7BD, v46;
	v51 =	vmul.f32 v51, v44  }
0x334: {  	v23 =	vld.idx.msk [tilespmem:v23+s18+$0x0], $0xffff;
	v1 =	vadd.f32 v1, v49;
	v49 =	vmul.f32 v54, v43;
	v54 =	vadd.s32 $0x7BE, v46  }
0x335: {  	v25 =	vmul.f32 v25, v43;
	v18 =	vld.idx.msk [tilespmem:v18+s18+$0x0], $0xffff;
	v61 =	vadd.s32 $0xBBD, v46;
	v51 =	vadd.f32 v51, v58  }
0x336: {  	v56 =	vld.idx.msk [tilespmem:v56+s18+$0x0], $0xffff;
	v58 =	vadd.s32 $0x3C0, v46;
	v1 =	vadd.f32 v49, v1;
	v49 =	vmul.f32 v53, v42  }
0x337: {  	v57 =	vmul.f32 v57, v44;
	v53 =	vld.idx.msk [tilespmem:v55+s18+$0x0], $0xffff;
	v55 =	vadd.s32 $0xBBE, v46;
	v50 =	vmul.f32 v50, v43  }
0x338: {  	v52 =	vmul.f32 v52, v45;
	v22 =	vadd.f32 v25, v22;
	v25 =	vld.idx.msk [tilespmem:v60+s18+$0x0], $0xffff;
	v1 =	vadd.f32 v49, v1  }
0x339: {  	v24 =	vmul.f32 v24, v43;
	v49 =	vadd.s32 $0x7BF, v46;
	v50 =	vadd.f32 v50, v51;
	v51 =	vld.idx.msk [tilespmem:v54+s18+$0x0], $0xffff  }
0x33a: {  	[tilespmem:v4+s20+$0x0] =	vst.idx.msk $0xffff, v0;
	v0 =	vmul.f32 v8, v42;
	v8 =	vadd.s32 $0xBBF, v46;
	(erf) = vrcp.f32 v1;
	v1 =	vld.idx.msk [tilespmem:v61+s18+$0x0], $0xffff  }
0x33b: {  	v52 =	vadd.f32 v57, v52;
	v60 =	vadd.s32 $0x7C0, v46;
	v18 =	vmul.f32 v18, v45;
	v61 =	vld.idx.msk [tilespmem:v58+s18+$0x0], $0xffff  }
0x33c: {  	v46 =	vadd.s32 $0xBC0, v46;
	v50 =	vadd.f32 v59, v50;
	v55 =	vld.idx.msk [tilespmem:v55+s18+$0x0], $0xffff;
	v53 =	vmul.f32 v53, v44  }
0x33d: {  	v0 =	vadd.f32 v0, v22;
	v22 =	vadd.f32 v24, v52;
	v23 =	vmul.f32 v23, v42  }
0x33e: {  	v56 =	vmul.f32 v56, v43;
	(erf) = vrcp.f32 v50;
	v24 =	vld.idx.msk [tilespmem:v49+s18+$0x0], $0xffff;
	v18 =	vadd.f32 v53, v18  }
0x33f: {  	v8 =	vld.idx.msk [tilespmem:v8+s18+$0x0], $0xffff;
	v25 =	vmul.f32 v25, v45;
	v58 =	vor.u32 v48, v40;
	v1 =	vmul.f32 v1, v45  }
0x340: {  	v60 =	vld.idx.msk [tilespmem:v60+s18+$0x0], $0xffff;
	v18 =	vadd.f32 v56, v18;
	v45 =	vbroadcast v58, $0x0;
	v61 =	vmul.f32 v61, v42  }
0x341: {  	v48 =	vor.u32 v48, v41;
	v46 =	vld.idx.msk [tilespmem:v46+s18+$0x0], $0xffff;
	v59 =	vmul.f32 v51, v44;
	v44 =	vmul.f32 v55, v44  }
0x342: {  	[tilespmem:v4+s21+$0x0] =	vst.idx.msk $0xffff, v13;
	v45 =	vor.u32 v47, v45;
	v13 =	vadd.f32 v61, v18;
	v18 =	vbroadcast v48, $0x0  }
0x343: {  	v4 =	vadd.f32 v23, v22;
	v25 =	vadd.f32 v59, v25;
	v24 =	vmul.f32 v24, v43  }
0x344: {  	v8 =	vmul.f32 v8, v43;
	v1 =	vadd.f32 v44, v1;
	v22 =	vpop (erf);
	v18 =	vor.u32 v47, v18  }
0x345: {  	v23 =	vadd.f32 v24, v25;
	v2 =	vmul.f32 v22, v2;
	v24 =	vmul.f32 v60, v42  }
0x346: {  	v1 =	vadd.f32 v8, v1;
	v0 =	vmul.f32 v22, v0;
	v8 =	vmul.f32 v46, v42  }
0x347: {  	p0 =	sne.s32 s28, $0xF0;
	[tilespmem:v45+s19+$0x0] =	vst.idx.msk $0xffff, v2;
	v2 =	vmul.f32 v22, v4;
	v4 =	vadd.f32 v24, v23;
	v22 =	vpop (erf)  }
.Ltmp1:
0x348: {  	[tilespmem:v45+s20+$0x0] =	vst.idx.msk $0xffff, v0;
	v0 =	vadd.f32 v8, v1;
	v1 =	vmul.f32 v22, v13;
	(pc) =	sbr.rel @p0 .LBB2_5-.Ltmp1, $4  }
0x349: {  	[tilespmem:v45+s21+$0x0] =	vst.idx.msk $0xffff, v2;
	v2 =	vmul.f32 v22, v4  }
0x34a: {  	[tilespmem:v18+s19+$0x0] =	vst.idx.msk $0xffff, v1;
	v0 =	vmul.f32 v22, v0  }
0x34b: {  	[tilespmem:v18+s20+$0x0] =	vst.idx.msk $0xffff, v2  }
0x34c: {  	s28 =	sadd.s32 $0x10, s28;
	[tilespmem:v18+s21+$0x0] =	vst.idx.msk $0xffff, v0  }
0x34d: {  	s0 =	sshll.u32 s26, $0xC  }
0x34e: {  	s1 =	sadd.s32 s9, s0  }
0x34f: {  	s26 =	sadd.s32 $0x1, s26;
	s0 =	sand.u32 $0x1000, s0;
	s1 =	sshrl.u32 s1, $0x3  }
0x350: {  	p0 =	sne.s32 s26, $0x4;
	s4 =	sadd.s32 $0x5A00, s0;
	s1 =	sadd.s32 s7, s1  }
0x351: {  	[hbm4b:s1+s3] =	stream.linear.scatter [tilespmem:s4], [sflag:$0x1], $0x1000, $0x38;
	[tilespmem:$0xBA00] =	vst v63  }
.Ltmp2:
0x352: {  	_ = 	snop;
	(pc) =	sbr.rel @p0 .LBB2_2-.Ltmp2, $4  }
0x353: {  	s25 =	sadd.s32 $0x10, s25;
	s28 =	sadd.s32 $0x7A00, s0;
	s31 =	sadd.s32 $0x2000, s1  }
0x354: {  	[hbm4b:s31+s3] =	stream.linear.scatter [tilespmem:s28], [sflag:$0x1], $0x1000, $0x38;
	[tilespmem:$0xBA00] =	vst v63  }
0x355: {  	s24 =	sadd.s32 $0x40, s24;
	s0 =	sadd.s32 $0x9A00, s0;
	s1 =	sadd.s32 $0x4000, s1  }
0x356: {  	[hbm4b:s1+s3] =	stream.linear.scatter [tilespmem:s0], [sflag:$0x1], $0x1000, $0x38;
	[tilespmem:$0xBA00] =	vst v63  }
0x357: {  	_ =	swait.ge [sflag:s22], $0x1000  }
0x358: {  	[sflag:s22] =	ssyncset.done $0x0  }
0x359: {  	[sflag:s22] =	ssyncadd.s32 $0xFFFFF000  }
0x35a: {  	_ =	swait.ge [sflag:s22], $0x1000  }
0x35b: {  	[sflag:s22] =	ssyncset.done $0x0  }
0x35c: {  	[sflag:s22] =	ssyncadd.s32 $0xFFFFF000  }
0x35d: {  	_ =	swait.ge [sflag:s22], $0x1000  }
0x35e: {  	[sflag:s22] =	ssyncset.done $0x0  }
0x35f: {  	[sflag:s22] =	ssyncadd.s32 $0xFFFFF000  }
0x360: {  	_ =	swait.ge [sflag:s22], $0x1000  }
0x361: {  	[sflag:s22] =	ssyncset.done $0x0  }
0x362: {  	s23 =	sadd.s32 $0x1, s23;
	[sflag:s22] =	ssyncadd.s32 $0xFFFFF000  }
0x363: {  	p0 =	sne.s32 s23, s10;
	_ =	swait.ge [sflag:s22], $0x1000  }
.Ltmp3:
0x364: {  	[sflag:s22] =	ssyncset.done $0x0;
	(pc) =	sbr.rel @p0 .LBB2_1-.Ltmp3, $4  }
0x365: {  	[sflag:s22] =	ssyncadd.s32 $0xFFFFF000  }
0x366: {  	_ =	swait.ge [sflag:s22], $0x1000  }
0x367: {  	[sflag:s22] =	ssyncset.done $0x0  }
0x368: {  	[sflag:s22] =	ssyncadd.s32 $0xFFFFF000  }
0x369: {  	_ =	sfence.sel $0x180000  }
0x36a: {  	[bflag:$0x0] =	sbarrier.arrive $0xFFFF  }
0x36b: {  	_ =	strace $0x90000047  }
0x36c: {  	s0 =	stileid.u32;
	[bflag:$0x2] =	sbarrier.arrive $0xFFFF  }
0x36d: {  	p0 =	sne.s32 s0, $0x0;
	s0 =	rddreg [dreg:$0x4]  }
0x36e: {  	s0 =	sadd.s32 @!p0 $0x100000, s0  }
0x36f: {  	[sflag:s0] =	ssyncadd.tile.s32 @!p0 $0x1;
	_ =	shalt  }
.Lfunc_end2:
_tile_overlayer_lowered:
.L_overlay_start_2:
0x370: {  	(tag) =	ssettag $0x2  }
0x371: {  	s0 =	rddreg [dreg:$0x0];
	s2 =	stileid.u32  }
0x372: {  	s1 =	rddreg [dreg:$0x1];
	p0 =	sne.s32 s2, $0x0  }
0x373: {  	s3 =	rddreg [dreg:$0x2];
	[bflag:$0x3] =	sbarrier.arrive $0xFFFF;
	s2 =	simm.s32 @!p0 $0x1C02  }
0x374: {  	[timem:s3], [sflag:s2] =	dma.local @!p0 [hbm:s0], s1  }
0x375: {  	s0 =	simm.s32 @!p0 $0x2  }
0x376: {  	_ =	swait.ge @!p0 [sflag:s0], s1  }
0x377: {  	s1 =	ssub.s32 @!p0 $0x0, s1;
	[sflag:s0] =	ssyncset.done @!p0 $0x0  }
0x378: {  	[sflag:s0] =	ssyncadd.s32 @!p0 s1  }
0x379: {  	[bflag:$0x3] =	sbarrier.arrive $0xFFFF  }
0x37a: {  	_ =	shalt  }

</sc_bundles>
